<compile_context>
chip_gen: v7x
topology: tpu7x:2x2x1
jax: 0.10.2.dev20260603
libtpu: 0.0.44.dev20260713+nightly
codegen_flags: <defaults>
</compile_context>

<pallas_src>
import functools

import jax
import jax.numpy as jnp
from jax import lax
from jax.experimental import pallas as pl
from jax.experimental.pallas import tpu as pltpu
from jax.experimental.pallas import tpu_sc as plsc

_NE = 64
_NC = 2
_NS = 16
_NW = _NC * _NS
_BT = 1024
_CH = 128


def _prep_body(C, x_ref, Win_ref, bin_ref, Wg_ref,
               h_ref, sidx_ref, gidx_ref, gk_ref, cnt_ref):
    i = pl.program_id(0)

    @pl.when(i == 0)
    def _():
        cnt_ref[...] = jnp.zeros_like(cnt_ref)

    x = x_ref[...]
    h = jnp.dot(x, Win_ref[...], preferred_element_type=jnp.float32) + bin_ref[...]

    logits = jnp.dot(h, Wg_ref[...], preferred_element_type=jnp.float32)
    m = jnp.max(logits, axis=-1, keepdims=True)
    s = jnp.sum(jnp.exp(logits - m), axis=-1, keepdims=True)
    gate = 1.0 / s
    lane = lax.broadcasted_iota(jnp.int32, logits.shape, 1)
    idx = jnp.min(jnp.where(logits == m, lane, _NE), axis=-1, keepdims=True)
    onehot = (lane == idx).astype(jnp.float32)

    bt = logits.shape[0]
    tril = (lax.broadcasted_iota(jnp.int32, (bt, bt), 0) >=
            lax.broadcasted_iota(jnp.int32, (bt, bt), 1)).astype(jnp.float32)
    cs = jnp.dot(tril, onehot, preferred_element_type=jnp.float32)
    prev = cnt_ref[...]
    pos = jnp.sum(onehot * (cs - 1.0 + prev), axis=-1, keepdims=True)
    cnt_ref[...] = prev + cs[bt - 1:bt, :]
    ipos = pos.astype(jnp.int32)
    keep = ipos < C

    h_ref[...] = h
    sidx_ref[...] = jnp.where(keep, idx * C + ipos, _NE * C)
    gidx_ref[...] = idx * C + jnp.minimum(ipos, C - 1)
    gk_ref[...] = gate * keep.astype(jnp.float32)


def _res_body(h_ref, gk_ref, Wr1_ref, br1_ref, Wr2_ref, br2_ref,
              Wc_ref, bc_ref, resw_ref, scale_ref):
    h = h_ref[...]
    t1 = jnp.maximum(
        jnp.dot(h, Wr1_ref[...], preferred_element_type=jnp.float32)
        + br1_ref[...], 0.0)
    res = (jnp.dot(t1, Wr2_ref[...], preferred_element_type=jnp.float32)
           + br2_ref[...])
    cl = jnp.dot(h, Wc_ref[...], preferred_element_type=jnp.float32) + bc_ref[...]
    ce = jnp.exp(cl - jnp.max(cl, axis=-1, keepdims=True))
    coef = ce / jnp.sum(ce, axis=-1, keepdims=True)
    resw_ref[...] = res * coef[:, 1:2]
    scale_ref[...] = gk_ref[...] * coef[:, 0:1]


def _ffn_body(ein_ref, W1_ref, b1_ref, W2_ref, b2_ref, eout_ref):
    a = jnp.maximum(
        jnp.dot(ein_ref[...], W1_ref[0], preferred_element_type=jnp.float32)
        + b1_ref[0], 0.0)
    eout_ref[...] = (
        jnp.dot(a, W2_ref[0], preferred_element_type=jnp.float32) + b2_ref[0])


def _combine_body(moe_ref, scale_ref, resw_ref, Wout_ref, bout_ref, o_ref):
    mix = moe_ref[...] * scale_ref[...] + resw_ref[...]
    o_ref[...] = (
        jnp.dot(mix, Wout_ref[...], preferred_element_type=jnp.float32)
        + bout_ref[...])


def _sc_scatter(T, d, rows_out):
    per_w = T // _NW
    n_ch = per_w // _CH
    mesh = plsc.VectorSubcoreMesh(core_axis_name="c", subcore_axis_name="s")

    @functools.partial(
        pl.kernel,
        out_type=jax.ShapeDtypeStruct((rows_out, d), jnp.float32),
        mesh=mesh,
        scratch_types=[
            pltpu.VMEM((n_ch, _CH), jnp.int32),
            pltpu.VMEM((_CH, d), jnp.float32),
            pltpu.SemaphoreType.DMA,
        ],
    )
    def scat(h_hbm, sidx_hbm, out_hbm, idx_v, rows_v, sem):
        wid = lax.axis_index("s") * _NC + lax.axis_index("c")
        base = wid * per_w
        for j in range(n_ch):
            pltpu.sync_copy(sidx_hbm.at[pl.ds(base + j * _CH, _CH)], idx_v.at[j])
        for j in range(n_ch):
            pltpu.async_copy(h_hbm.at[pl.ds(base + j * _CH, _CH)], rows_v, sem).wait()
            pltpu.sync_copy(rows_v, out_hbm.at[idx_v.at[j]])

    return scat


def _sc_gather(T, d, rows_in):
    per_w = T // _NW
    n_ch = per_w // _CH
    mesh = plsc.VectorSubcoreMesh(core_axis_name="c", subcore_axis_name="s")

    @functools.partial(
        pl.kernel,
        out_type=jax.ShapeDtypeStruct((T, d), jnp.float32),
        mesh=mesh,
        scratch_types=[
            pltpu.VMEM((n_ch, _CH), jnp.int32),
            pltpu.VMEM((_CH, d), jnp.float32),
            pltpu.SemaphoreType.DMA,
        ],
    )
    def gath(eout_hbm, gidx_hbm, moe_hbm, idx_v, rows_v, sem):
        wid = lax.axis_index("s") * _NC + lax.axis_index("c")
        base = wid * per_w
        for j in range(n_ch):
            pltpu.sync_copy(gidx_hbm.at[pl.ds(base + j * _CH, _CH)], idx_v.at[j])
        for j in range(n_ch):
            pltpu.async_copy(eout_hbm.at[idx_v.at[j]], rows_v, sem).wait()
            pltpu.sync_copy(rows_v, moe_hbm.at[pl.ds(base + j * _CH, _CH)])

    return gath


def kernel(x, W_in, b_in, Wg, W1, b1, W2, b2, Wr1, br1, Wr2, br2,
           Wc, bc, W_out, b_out):
    B, S, d = x.shape
    T = B * S
    C = -(-T // _NE)
    nblk = T // _BT
    x2 = x.reshape(T, d)

    prep = pl.pallas_call(
        functools.partial(_prep_body, C),
        grid=(nblk,),
        in_specs=[
            pl.BlockSpec((_BT, d), lambda i: (i, 0)),
            pl.BlockSpec((d, d), lambda i: (0, 0)),
            pl.BlockSpec((1, d), lambda i: (0, 0)),
            pl.BlockSpec((d, _NE), lambda i: (0, 0)),
        ],
        out_specs=[
            pl.BlockSpec((_BT, d), lambda i: (i, 0)),
            pl.BlockSpec((_BT, 1), lambda i: (i, 0)),
            pl.BlockSpec((_BT, 1), lambda i: (i, 0)),
            pl.BlockSpec((_BT, 1), lambda i: (i, 0)),
        ],
        out_shape=[
            jax.ShapeDtypeStruct((T, d), jnp.float32),
            jax.ShapeDtypeStruct((T, 1), jnp.int32),
            jax.ShapeDtypeStruct((T, 1), jnp.int32),
            jax.ShapeDtypeStruct((T, 1), jnp.float32),
        ],
        scratch_shapes=[pltpu.VMEM((1, _NE), jnp.float32)],
    )
    h, sidx, gidx, gk = prep(x2, W_in, b_in.reshape(1, d), Wg)

    rows = (_NE + 1) * C
    ein = _sc_scatter(T, d, rows)(h, sidx.reshape(T))

    resffn = pl.pallas_call(
        _res_body,
        grid=(nblk,),
        in_specs=[
            pl.BlockSpec((_BT, d), lambda i: (i, 0)),
            pl.BlockSpec((_BT, 1), lambda i: (i, 0)),
            pl.BlockSpec((d, d), lambda i: (0, 0)),
            pl.BlockSpec((1, d), lambda i: (0, 0)),
            pl.BlockSpec((d, d), lambda i: (0, 0)),
            pl.BlockSpec((1, d), lambda i: (0, 0)),
            pl.BlockSpec((d, 2), lambda i: (0, 0)),
            pl.BlockSpec((1, 2), lambda i: (0, 0)),
        ],
        out_specs=[
            pl.BlockSpec((_BT, d), lambda i: (i, 0)),
            pl.BlockSpec((_BT, 1), lambda i: (i, 0)),
        ],
        out_shape=[
            jax.ShapeDtypeStruct((T, d), jnp.float32),
            jax.ShapeDtypeStruct((T, 1), jnp.float32),
        ],
    )
    resw, scale = resffn(h, gk, Wr1, br1.reshape(1, d), Wr2,
                         br2.reshape(1, d), Wc, bc.reshape(1, 2))

    ffn = pl.pallas_call(
        _ffn_body,
        grid=(_NE,),
        in_specs=[
            pl.BlockSpec((C, d), lambda e: (e, 0)),
            pl.BlockSpec((1, d, d), lambda e: (e, 0, 0)),
            pl.BlockSpec((1, 1, d), lambda e: (e, 0, 0)),
            pl.BlockSpec((1, d, d), lambda e: (e, 0, 0)),
            pl.BlockSpec((1, 1, d), lambda e: (e, 0, 0)),
        ],
        out_specs=pl.BlockSpec((C, d), lambda e: (e, 0)),
        out_shape=jax.ShapeDtypeStruct((_NE * C, d), jnp.float32),
    )
    eout = ffn(ein, W1, b1.reshape(_NE, 1, d), W2, b2.reshape(_NE, 1, d))

    moe = _sc_gather(T, d, _NE * C)(eout, gidx.reshape(T))

    combine = pl.pallas_call(
        _combine_body,
        grid=(nblk,),
        in_specs=[
            pl.BlockSpec((_BT, d), lambda i: (i, 0)),
            pl.BlockSpec((_BT, 1), lambda i: (i, 0)),
            pl.BlockSpec((_BT, d), lambda i: (i, 0)),
            pl.BlockSpec((d, d), lambda i: (0, 0)),
            pl.BlockSpec((1, d), lambda i: (0, 0)),
        ],
        out_specs=pl.BlockSpec((_BT, d), lambda i: (i, 0)),
        out_shape=jax.ShapeDtypeStruct((T, d), jnp.float32),
    )
    out = combine(moe, scale, resw, W_out, b_out.reshape(1, d))
    return out.reshape(B, S, d)

# --- scband reference (transcript-rebuilt; emitter-appended) ---
"""Pipeline reference for scband-tiny-mo-emodel-62466004353266 (READ-ONLY COPY).

The authoritative reference and input builder live on the scoring server;
editing this copy changes nothing except your own understanding.
"""

import jax, jax.numpy as jnp
import numpy as np

HID = 768
NE = 64

def setup_inputs(seed: int = 0):
    key = jax.random.key(seed)
    ks = jax.random.split(key, 17)
    d = HID
    s = 1.0 / np.sqrt(d)
    def u(k, shape):
        return jax.random.uniform(k, shape, jnp.float32, -s, s)
    return {
        "x": jax.random.normal(ks[0], (2, 8192, d), dtype=jnp.float32),
        "W_in": u(ks[1], (d, d)), "b_in": u(ks[2], (d,)),
        "Wg": u(ks[3], (d, NE)),
        "W1": u(ks[4], (NE, d, d)), "b1": u(ks[5], (NE, d)),
        "W2": u(ks[6], (NE, d, d)), "b2": u(ks[7], (NE, d)),
        "Wr1": u(ks[8], (d, d)), "br1": u(ks[9], (d,)),
        "Wr2": u(ks[10], (d, d)), "br2": u(ks[11], (d,)),
        "Wc": u(ks[12], (d, 2)), "bc": u(ks[13], (2,)),
        "W_out": u(ks[14], (d, d)), "b_out": u(ks[15], (d,)),
    }

def _ffn(h, W1, b1, W2, b2):
    return jnp.maximum(h @ W1 + b1, 0.0) @ W2 + b2

def reference(x, W_in, b_in, Wg, W1, b1, W2, b2, Wr1, br1, Wr2, br2, Wc, bc, W_out, b_out):
    B, S, d = x.shape
    h = x @ W_in + b_in
    tok = h.reshape(-1, d)
    T = tok.shape[0]
    C = int(np.ceil(T / NE))  # capacity_factor = 1.0
    # top-1 gating (DeepSpeed top1gating, no noise)
    logits = tok @ Wg
    probs = jax.nn.softmax(logits, axis=-1)
    idx = jnp.argmax(probs, axis=-1)
    mask = jax.nn.one_hot(idx, NE, dtype=jnp.float32)
    gate = jnp.sum(probs * mask, axis=-1)
    pos = (jnp.sum(jnp.cumsum(mask, axis=0) * mask, axis=-1) - 1.0).astype(jnp.int32)
    keep = (pos < C).astype(jnp.float32)
    pos_c = jnp.clip(pos, 0, C - 1)
    # dispatch: scatter tokens into [E, C, d] expert buffers
    expert_in = jnp.zeros((NE, C, d), jnp.float32).at[idx, pos_c].add(tok * keep[:, None])
    expert_out = jax.vmap(_ffn)(expert_in, W1, b1, W2, b2)
    # combine: gather each token's expert output, weight by gate prob
    moe_out = (expert_out[idx, pos_c] * (gate * keep)[:, None]).reshape(B, S, d)
    # residual MoE branch (use_residual=True): shared MLP expert + learned 2-way coefficient
    res = _ffn(h, Wr1, br1, Wr2, br2)
    coef = jax.nn.softmax(h @ Wc + bc, axis=-1)
    out = moe_out * coef[..., 0:1] + res * coef[..., 1:2]
    return out @ W_out + b_out

if __name__ == "__main__":
    import jax
    _d = setup_inputs()
    print(jax.jit(kernel)(*tuple(_d.values())))

</pallas_src>

<mosaic_0001>
#map = affine_map<(d0, d1) -> (0, 0)>
#map1 = affine_map<(d0, d1) -> (0)>
module attributes {stable_mosaic.version = 14 : i64} {
  func.func @gath(%arg0: i32, %arg1: i32, %arg2: memref<16384x768xf32, #tpu.memory_space<hbm>>, %arg3: memref<16384xi32, #tpu.memory_space<hbm>>, %arg4: memref<16384x768xf32, #tpu.memory_space<hbm>>, %arg5: memref<4x128xi32, #tpu.memory_space<vmem>>, %arg6: memref<128x768xf32, #tpu.memory_space<vmem>>, %arg7: memref<!tpu.dma_semaphore, #tpu.memory_space<semaphore_mem>>) attributes {dimension_semantics = [#tpu.dimension_semantics<core_parallel>, #tpu.dimension_semantics<subcore_parallel>], iteration_bounds = array<i64: 2, 16>, scalar_prefetch = 0 : i64, scratch_operands = 3 : i64, tpu.core_type = #tpu.core_type<sc_vector_subcore>, window_params = [{transform_indices = #map}, {transform_indices = #map1}, {transform_indices = #map}]} {
    %mul3A = arith.constant 2 : i32
    %mul3A_0 = arith.muli %arg1, %mul3A : i32
    %add3A = arith.addi %mul3A_0, %arg0 : i32
    %mul3A_1 = arith.constant 512 : i32
    %mul3A_2 = arith.muli %add3A, %mul3A_1 : i32
    %add3A_3 = arith.constant 0 : i32
    %add3A_4 = arith.addi %mul3A_2, %add3A_3 : i32
    %run_scoped3A = arith.constant 0 : i32
    "tpu.region"() ({
      %run_scoped3A_76 = tpu.sem_alloc : memref<!tpu.dma_semaphore, #tpu.memory_space<semaphore_mem>>
      %dma_start3A_77 = arith.constant 0 : i32
      %dma_start3A_78 = tpu.memref_slice %arg5[%run_scoped3A, %dma_start3A_77] : memref<4x128xi32, #tpu.memory_space<vmem>> -> memref<1x128xi32, #tpu.memory_space<vmem>>
      %dma_start3A_79 = tpu.memref_squeeze %dma_start3A_78 : memref<1x128xi32, #tpu.memory_space<vmem>> -> memref<128xi32, #tpu.memory_space<vmem>>
      %dma_start3A_80 = tpu.memref_slice %arg3[%add3A_4] : memref<16384xi32, #tpu.memory_space<hbm>> -> memref<128xi32, #tpu.memory_space<hbm>>
      %dma_start3A_81 = arith.constant 0 : i32
      %dma_start3A_82 = tpu.memref_slice %arg5[%run_scoped3A, %dma_start3A_81] : memref<4x128xi32, #tpu.memory_space<vmem>> -> memref<1x128xi32, #tpu.memory_space<vmem>>
      %dma_start3A_83 = tpu.memref_squeeze %dma_start3A_82 : memref<1x128xi32, #tpu.memory_space<vmem>> -> memref<128xi32, #tpu.memory_space<vmem>>
      %dma_start3A_84 = tpu.memref_slice %arg3[%add3A_4] : memref<16384xi32, #tpu.memory_space<hbm>> -> memref<128xi32, #tpu.memory_space<hbm>>
      tpu.enqueue_dma source(%dma_start3A_84 : memref<128xi32, #tpu.memory_space<hbm>>) target(%dma_start3A_83 : memref<128xi32, #tpu.memory_space<vmem>>) target_semaphore(%run_scoped3A_76 : memref<!tpu.dma_semaphore, #tpu.memory_space<semaphore_mem>>)
      %dma_wait3A_85 = arith.constant 0 : i32
      %dma_wait3A_86 = tpu.memref_slice %arg5[%run_scoped3A, %dma_wait3A_85] : memref<4x128xi32, #tpu.memory_space<vmem>> -> memref<1x128xi32, #tpu.memory_space<vmem>>
      %dma_wait3A_87 = tpu.memref_squeeze %dma_wait3A_86 : memref<1x128xi32, #tpu.memory_space<vmem>> -> memref<128xi32, #tpu.memory_space<vmem>>
      %dma_wait3A_88 = tpu.memref_slice %arg3[%add3A_4] : memref<16384xi32, #tpu.memory_space<hbm>> -> memref<128xi32, #tpu.memory_space<hbm>>
      %dma_wait3A_89 = arith.constant 0 : i32
      %dma_wait3A_90 = tpu.memref_slice %arg5[%run_scoped3A, %dma_wait3A_89] : memref<4x128xi32, #tpu.memory_space<vmem>> -> memref<1x128xi32, #tpu.memory_space<vmem>>
      %dma_wait3A_91 = tpu.memref_squeeze %dma_wait3A_90 : memref<1x128xi32, #tpu.memory_space<vmem>> -> memref<128xi32, #tpu.memory_space<vmem>>
      %dma_wait3A_92 = tpu.memref_slice %arg3[%add3A_4] : memref<16384xi32, #tpu.memory_space<hbm>> -> memref<128xi32, #tpu.memory_space<hbm>>
      tpu.wait_dma2 semaphore(%run_scoped3A_76 : memref<!tpu.dma_semaphore, #tpu.memory_space<semaphore_mem>>) src(%dma_wait3A_92 : memref<128xi32, #tpu.memory_space<hbm>>) dst(%dma_wait3A_91 : memref<128xi32, #tpu.memory_space<vmem>>)
      tpu.yield
    }) : () -> ()
    %add3A_5 = arith.constant 128 : i32
    %add3A_6 = arith.addi %mul3A_2, %add3A_5 : i32
    %run_scoped3A_7 = arith.constant 1 : i32
    "tpu.region"() ({
      %run_scoped3A_76 = tpu.sem_alloc : memref<!tpu.dma_semaphore, #tpu.memory_space<semaphore_mem>>
      %dma_start3A_77 = arith.constant 0 : i32
      %dma_start3A_78 = tpu.memref_slice %arg5[%run_scoped3A_7, %dma_start3A_77] : memref<4x128xi32, #tpu.memory_space<vmem>> -> memref<1x128xi32, #tpu.memory_space<vmem>>
      %dma_start3A_79 = tpu.memref_squeeze %dma_start3A_78 : memref<1x128xi32, #tpu.memory_space<vmem>> -> memref<128xi32, #tpu.memory_space<vmem>>
      %dma_start3A_80 = tpu.memref_slice %arg3[%add3A_6] : memref<16384xi32, #tpu.memory_space<hbm>> -> memref<128xi32, #tpu.memory_space<hbm>>
      %dma_start3A_81 = arith.constant 0 : i32
      %dma_start3A_82 = tpu.memref_slice %arg5[%run_scoped3A_7, %dma_start3A_81] : memref<4x128xi32, #tpu.memory_space<vmem>> -> memref<1x128xi32, #tpu.memory_space<vmem>>
      %dma_start3A_83 = tpu.memref_squeeze %dma_start3A_82 : memref<1x128xi32, #tpu.memory_space<vmem>> -> memref<128xi32, #tpu.memory_space<vmem>>
      %dma_start3A_84 = tpu.memref_slice %arg3[%add3A_6] : memref<16384xi32, #tpu.memory_space<hbm>> -> memref<128xi32, #tpu.memory_space<hbm>>
      tpu.enqueue_dma source(%dma_start3A_84 : memref<128xi32, #tpu.memory_space<hbm>>) target(%dma_start3A_83 : memref<128xi32, #tpu.memory_space<vmem>>) target_semaphore(%run_scoped3A_76 : memref<!tpu.dma_semaphore, #tpu.memory_space<semaphore_mem>>)
      %dma_wait3A_85 = arith.constant 0 : i32
      %dma_wait3A_86 = tpu.memref_slice %arg5[%run_scoped3A_7, %dma_wait3A_85] : memref<4x128xi32, #tpu.memory_space<vmem>> -> memref<1x128xi32, #tpu.memory_space<vmem>>
      %dma_wait3A_87 = tpu.memref_squeeze %dma_wait3A_86 : memref<1x128xi32, #tpu.memory_space<vmem>> -> memref<128xi32, #tpu.memory_space<vmem>>
      %dma_wait3A_88 = tpu.memref_slice %arg3[%add3A_6] : memref<16384xi32, #tpu.memory_space<hbm>> -> memref<128xi32, #tpu.memory_space<hbm>>
      %dma_wait3A_89 = arith.constant 0 : i32
      %dma_wait3A_90 = tpu.memref_slice %arg5[%run_scoped3A_7, %dma_wait3A_89] : memref<4x128xi32, #tpu.memory_space<vmem>> -> memref<1x128xi32, #tpu.memory_space<vmem>>
      %dma_wait3A_91 = tpu.memref_squeeze %dma_wait3A_90 : memref<1x128xi32, #tpu.memory_space<vmem>> -> memref<128xi32, #tpu.memory_space<vmem>>
      %dma_wait3A_92 = tpu.memref_slice %arg3[%add3A_6] : memref<16384xi32, #tpu.memory_space<hbm>> -> memref<128xi32, #tpu.memory_space<hbm>>
      tpu.wait_dma2 semaphore(%run_scoped3A_76 : memref<!tpu.dma_semaphore, #tpu.memory_space<semaphore_mem>>) src(%dma_wait3A_92 : memref<128xi32, #tpu.memory_space<hbm>>) dst(%dma_wait3A_91 : memref<128xi32, #tpu.memory_space<vmem>>)
      tpu.yield
    }) : () -> ()
    %add3A_8 = arith.constant 256 : i32
    %add3A_9 = arith.addi %mul3A_2, %add3A_8 : i32
    %run_scoped3A_10 = arith.constant 2 : i32
    "tpu.region"() ({
      %run_scoped3A_76 = tpu.sem_alloc : memref<!tpu.dma_semaphore, #tpu.memory_space<semaphore_mem>>
      %dma_start3A_77 = arith.constant 0 : i32
      %dma_start3A_78 = tpu.memref_slice %arg5[%run_scoped3A_10, %dma_start3A_77] : memref<4x128xi32, #tpu.memory_space<vmem>> -> memref<1x128xi32, #tpu.memory_space<vmem>>
      %dma_start3A_79 = tpu.memref_squeeze %dma_start3A_78 : memref<1x128xi32, #tpu.memory_space<vmem>> -> memref<128xi32, #tpu.memory_space<vmem>>
      %dma_start3A_80 = tpu.memref_slice %arg3[%add3A_9] : memref<16384xi32, #tpu.memory_space<hbm>> -> memref<128xi32, #tpu.memory_space<hbm>>
      %dma_start3A_81 = arith.constant 0 : i32
      %dma_start3A_82 = tpu.memref_slice %arg5[%run_scoped3A_10, %dma_start3A_81] : memref<4x128xi32, #tpu.memory_space<vmem>> -> memref<1x128xi32, #tpu.memory_space<vmem>>
      %dma_start3A_83 = tpu.memref_squeeze %dma_start3A_82 : memref<1x128xi32, #tpu.memory_space<vmem>> -> memref<128xi32, #tpu.memory_space<vmem>>
      %dma_start3A_84 = tpu.memref_slice %arg3[%add3A_9] : memref<16384xi32, #tpu.memory_space<hbm>> -> memref<128xi32, #tpu.memory_space<hbm>>
      tpu.enqueue_dma source(%dma_start3A_84 : memref<128xi32, #tpu.memory_space<hbm>>) target(%dma_start3A_83 : memref<128xi32, #tpu.memory_space<vmem>>) target_semaphore(%run_scoped3A_76 : memref<!tpu.dma_semaphore, #tpu.memory_space<semaphore_mem>>)
      %dma_wait3A_85 = arith.constant 0 : i32
      %dma_wait3A_86 = tpu.memref_slice %arg5[%run_scoped3A_10, %dma_wait3A_85] : memref<4x128xi32, #tpu.memory_space<vmem>> -> memref<1x128xi32, #tpu.memory_space<vmem>>
      %dma_wait3A_87 = tpu.memref_squeeze %dma_wait3A_86 : memref<1x128xi32, #tpu.memory_space<vmem>> -> memref<128xi32, #tpu.memory_space<vmem>>
      %dma_wait3A_88 = tpu.memref_slice %arg3[%add3A_9] : memref<16384xi32, #tpu.memory_space<hbm>> -> memref<128xi32, #tpu.memory_space<hbm>>
      %dma_wait3A_89 = arith.constant 0 : i32
      %dma_wait3A_90 = tpu.memref_slice %arg5[%run_scoped3A_10, %dma_wait3A_89] : memref<4x128xi32, #tpu.memory_space<vmem>> -> memref<1x128xi32, #tpu.memory_space<vmem>>
      %dma_wait3A_91 = tpu.memref_squeeze %dma_wait3A_90 : memref<1x128xi32, #tpu.memory_space<vmem>> -> memref<128xi32, #tpu.memory_space<vmem>>
      %dma_wait3A_92 = tpu.memref_slice %arg3[%add3A_9] : memref<16384xi32, #tpu.memory_space<hbm>> -> memref<128xi32, #tpu.memory_space<hbm>>
      tpu.wait_dma2 semaphore(%run_scoped3A_76 : memref<!tpu.dma_semaphore, #tpu.memory_space<semaphore_mem>>) src(%dma_wait3A_92 : memref<128xi32, #tpu.memory_space<hbm>>) dst(%dma_wait3A_91 : memref<128xi32, #tpu.memory_space<vmem>>)
      tpu.yield
    }) : () -> ()
    %add3A_11 = arith.constant 384 : i32
    %add3A_12 = arith.addi %mul3A_2, %add3A_11 : i32
    %run_scoped3A_13 = arith.constant 3 : i32
    "tpu.region"() ({
      %run_scoped3A_76 = tpu.sem_alloc : memref<!tpu.dma_semaphore, #tpu.memory_space<semaphore_mem>>
      %dma_start3A_77 = arith.constant 0 : i32
      %dma_start3A_78 = tpu.memref_slice %arg5[%run_scoped3A_13, %dma_start3A_77] : memref<4x128xi32, #tpu.memory_space<vmem>> -> memref<1x128xi32, #tpu.memory_space<vmem>>
      %dma_start3A_79 = tpu.memref_squeeze %dma_start3A_78 : memref<1x128xi32, #tpu.memory_space<vmem>> -> memref<128xi32, #tpu.memory_space<vmem>>
      %dma_start3A_80 = tpu.memref_slice %arg3[%add3A_12] : memref<16384xi32, #tpu.memory_space<hbm>> -> memref<128xi32, #tpu.memory_space<hbm>>
      %dma_start3A_81 = arith.constant 0 : i32
      %dma_start3A_82 = tpu.memref_slice %arg5[%run_scoped3A_13, %dma_start3A_81] : memref<4x128xi32, #tpu.memory_space<vmem>> -> memref<1x128xi32, #tpu.memory_space<vmem>>
      %dma_start3A_83 = tpu.memref_squeeze %dma_start3A_82 : memref<1x128xi32, #tpu.memory_space<vmem>> -> memref<128xi32, #tpu.memory_space<vmem>>
      %dma_start3A_84 = tpu.memref_slice %arg3[%add3A_12] : memref<16384xi32, #tpu.memory_space<hbm>> -> memref<128xi32, #tpu.memory_space<hbm>>
      tpu.enqueue_dma source(%dma_start3A_84 : memref<128xi32, #tpu.memory_space<hbm>>) target(%dma_start3A_83 : memref<128xi32, #tpu.memory_space<vmem>>) target_semaphore(%run_scoped3A_76 : memref<!tpu.dma_semaphore, #tpu.memory_space<semaphore_mem>>)
      %dma_wait3A_85 = arith.constant 0 : i32
      %dma_wait3A_86 = tpu.memref_slice %arg5[%run_scoped3A_13, %dma_wait3A_85] : memref<4x128xi32, #tpu.memory_space<vmem>> -> memref<1x128xi32, #tpu.memory_space<vmem>>
      %dma_wait3A_87 = tpu.memref_squeeze %dma_wait3A_86 : memref<1x128xi32, #tpu.memory_space<vmem>> -> memref<128xi32, #tpu.memory_space<vmem>>
      %dma_wait3A_88 = tpu.memref_slice %arg3[%add3A_12] : memref<16384xi32, #tpu.memory_space<hbm>> -> memref<128xi32, #tpu.memory_space<hbm>>
      %dma_wait3A_89 = arith.constant 0 : i32
      %dma_wait3A_90 = tpu.memref_slice %arg5[%run_scoped3A_13, %dma_wait3A_89] : memref<4x128xi32, #tpu.memory_space<vmem>> -> memref<1x128xi32, #tpu.memory_space<vmem>>
      %dma_wait3A_91 = tpu.memref_squeeze %dma_wait3A_90 : memref<1x128xi32, #tpu.memory_space<vmem>> -> memref<128xi32, #tpu.memory_space<vmem>>
      %dma_wait3A_92 = tpu.memref_slice %arg3[%add3A_12] : memref<16384xi32, #tpu.memory_space<hbm>> -> memref<128xi32, #tpu.memory_space<hbm>>
      tpu.wait_dma2 semaphore(%run_scoped3A_76 : memref<!tpu.dma_semaphore, #tpu.memory_space<semaphore_mem>>) src(%dma_wait3A_92 : memref<128xi32, #tpu.memory_space<hbm>>) dst(%dma_wait3A_91 : memref<128xi32, #tpu.memory_space<vmem>>)
      tpu.yield
    }) : () -> ()
    %dma_start3A = arith.constant 0 : i32
    %dma_start3A_14 = arith.constant 0 : i32
    %dma_start3A_15 = tpu.memref_slice %arg5[%dma_start3A, %dma_start3A_14] : memref<4x128xi32, #tpu.memory_space<vmem>> -> memref<1x128xi32, #tpu.memory_space<vmem>>
    %dma_start3A_16 = tpu.memref_squeeze %dma_start3A_15 : memref<1x128xi32, #tpu.memory_space<vmem>> -> memref<128xi32, #tpu.memory_space<vmem>>
    %dma_start3A_17 = arith.constant 0 : i32
    %dma_start3A_18 = arith.constant 0 : i32
    %dma_start3A_19 = tpu.memref_slice %arg2[%dma_start3A_17, %dma_start3A_18] : memref<16384x768xf32, #tpu.memory_space<hbm>> -> memref<16384x768xf32, #tpu.memory_space<hbm>>
    tpu.enqueue_indirect_dma source(%dma_start3A_19 : memref<16384x768xf32, #tpu.memory_space<hbm>>) target(%arg6 : memref<128x768xf32, #tpu.memory_space<vmem>>) offsets(%dma_start3A_16 : memref<128xi32, #tpu.memory_space<vmem>>) semaphore(%arg7 : memref<!tpu.dma_semaphore, #tpu.memory_space<semaphore_mem>>)
    %dma_wait3A = arith.constant 0 : i32
    %dma_wait3A_20 = arith.constant 0 : i32
    %dma_wait3A_21 = tpu.memref_slice %arg5[%dma_wait3A, %dma_wait3A_20] : memref<4x128xi32, #tpu.memory_space<vmem>> -> memref<1x128xi32, #tpu.memory_space<vmem>>
    %dma_wait3A_22 = tpu.memref_squeeze %dma_wait3A_21 : memref<1x128xi32, #tpu.memory_space<vmem>> -> memref<128xi32, #tpu.memory_space<vmem>>
    %dma_wait3A_23 = arith.constant 0 : i32
    %dma_wait3A_24 = arith.constant 0 : i32
    %dma_wait3A_25 = tpu.memref_slice %arg2[%dma_wait3A_23, %dma_wait3A_24] : memref<16384x768xf32, #tpu.memory_space<hbm>> -> memref<16384x768xf32, #tpu.memory_space<hbm>>
    tpu.wait_indirect_dma semaphore(%arg7 : memref<!tpu.dma_semaphore, #tpu.memory_space<semaphore_mem>>) src(%dma_wait3A_25 : memref<16384x768xf32, #tpu.memory_space<hbm>>) dst(%arg6 : memref<128x768xf32, #tpu.memory_space<vmem>>)
    %add3A_26 = arith.constant 0 : i32
    %add3A_27 = arith.addi %mul3A_2, %add3A_26 : i32
    "tpu.region"() ({
      %run_scoped3A_76 = tpu.sem_alloc : memref<!tpu.dma_semaphore, #tpu.memory_space<semaphore_mem>>
      %dma_start3A_77 = arith.constant 0 : i32
      %dma_start3A_78 = tpu.memref_slice %arg4[%add3A_27, %dma_start3A_77] : memref<16384x768xf32, #tpu.memory_space<hbm>> -> memref<128x768xf32, #tpu.memory_space<hbm>>
      %dma_start3A_79 = arith.constant 0 : i32
      %dma_start3A_80 = tpu.memref_slice %arg4[%add3A_27, %dma_start3A_79] : memref<16384x768xf32, #tpu.memory_space<hbm>> -> memref<128x768xf32, #tpu.memory_space<hbm>>
      tpu.enqueue_dma source(%arg6 : memref<128x768xf32, #tpu.memory_space<vmem>>) target(%dma_start3A_80 : memref<128x768xf32, #tpu.memory_space<hbm>>) target_semaphore(%run_scoped3A_76 : memref<!tpu.dma_semaphore, #tpu.memory_space<semaphore_mem>>)
      %dma_wait3A_81 = arith.constant 0 : i32
      %dma_wait3A_82 = tpu.memref_slice %arg4[%add3A_27, %dma_wait3A_81] : memref<16384x768xf32, #tpu.memory_space<hbm>> -> memref<128x768xf32, #tpu.memory_space<hbm>>
      %dma_wait3A_83 = arith.constant 0 : i32
      %dma_wait3A_84 = tpu.memref_slice %arg4[%add3A_27, %dma_wait3A_83] : memref<16384x768xf32, #tpu.memory_space<hbm>> -> memref<128x768xf32, #tpu.memory_space<hbm>>
      tpu.wait_dma2 semaphore(%run_scoped3A_76 : memref<!tpu.dma_semaphore, #tpu.memory_space<semaphore_mem>>) src(%arg6 : memref<128x768xf32, #tpu.memory_space<vmem>>) dst(%dma_wait3A_84 : memref<128x768xf32, #tpu.memory_space<hbm>>)
      tpu.yield
    }) : () -> ()
    %dma_start3A_28 = arith.constant 1 : i32
    %dma_start3A_29 = arith.constant 0 : i32
    %dma_start3A_30 = tpu.memref_slice %arg5[%dma_start3A_28, %dma_start3A_29] : memref<4x128xi32, #tpu.memory_space<vmem>> -> memref<1x128xi32, #tpu.memory_space<vmem>>
    %dma_start3A_31 = tpu.memref_squeeze %dma_start3A_30 : memref<1x128xi32, #tpu.memory_space<vmem>> -> memref<128xi32, #tpu.memory_space<vmem>>
    %dma_start3A_32 = arith.constant 0 : i32
    %dma_start3A_33 = arith.constant 0 : i32
    %dma_start3A_34 = tpu.memref_slice %arg2[%dma_start3A_32, %dma_start3A_33] : memref<16384x768xf32, #tpu.memory_space<hbm>> -> memref<16384x768xf32, #tpu.memory_space<hbm>>
    tpu.enqueue_indirect_dma source(%dma_start3A_34 : memref<16384x768xf32, #tpu.memory_space<hbm>>) target(%arg6 : memref<128x768xf32, #tpu.memory_space<vmem>>) offsets(%dma_start3A_31 : memref<128xi32, #tpu.memory_space<vmem>>) semaphore(%arg7 : memref<!tpu.dma_semaphore, #tpu.memory_space<semaphore_mem>>)
    %dma_wait3A_35 = arith.constant 1 : i32
    %dma_wait3A_36 = arith.constant 0 : i32
    %dma_wait3A_37 = tpu.memref_slice %arg5[%dma_wait3A_35, %dma_wait3A_36] : memref<4x128xi32, #tpu.memory_space<vmem>> -> memref<1x128xi32, #tpu.memory_space<vmem>>
    %dma_wait3A_38 = tpu.memref_squeeze %dma_wait3A_37 : memref<1x128xi32, #tpu.memory_space<vmem>> -> memref<128xi32, #tpu.memory_space<vmem>>
    %dma_wait3A_39 = arith.constant 0 : i32
    %dma_wait3A_40 = arith.constant 0 : i32
    %dma_wait3A_41 = tpu.memref_slice %arg2[%dma_wait3A_39, %dma_wait3A_40] : memref<16384x768xf32, #tpu.memory_space<hbm>> -> memref<16384x768xf32, #tpu.memory_space<hbm>>
    tpu.wait_indirect_dma semaphore(%arg7 : memref<!tpu.dma_semaphore, #tpu.memory_space<semaphore_mem>>) src(%dma_wait3A_41 : memref<16384x768xf32, #tpu.memory_space<hbm>>) dst(%arg6 : memref<128x768xf32, #tpu.memory_space<vmem>>)
    %add3A_42 = arith.constant 128 : i32
    %add3A_43 = arith.addi %mul3A_2, %add3A_42 : i32
    "tpu.region"() ({
      %run_scoped3A_76 = tpu.sem_alloc : memref<!tpu.dma_semaphore, #tpu.memory_space<semaphore_mem>>
      %dma_start3A_77 = arith.constant 0 : i32
      %dma_start3A_78 = tpu.memref_slice %arg4[%add3A_43, %dma_start3A_77] : memref<16384x768xf32, #tpu.memory_space<hbm>> -> memref<128x768xf32, #tpu.memory_space<hbm>>
      %dma_start3A_79 = arith.constant 0 : i32
      %dma_start3A_80 = tpu.memref_slice %arg4[%add3A_43, %dma_start3A_79] : memref<16384x768xf32, #tpu.memory_space<hbm>> -> memref<128x768xf32, #tpu.memory_space<hbm>>
      tpu.enqueue_dma source(%arg6 : memref<128x768xf32, #tpu.memory_space<vmem>>) target(%dma_start3A_80 : memref<128x768xf32, #tpu.memory_space<hbm>>) target_semaphore(%run_scoped3A_76 : memref<!tpu.dma_semaphore, #tpu.memory_space<semaphore_mem>>)
      %dma_wait3A_81 = arith.constant 0 : i32
      %dma_wait3A_82 = tpu.memref_slice %arg4[%add3A_43, %dma_wait3A_81] : memref<16384x768xf32, #tpu.memory_space<hbm>> -> memref<128x768xf32, #tpu.memory_space<hbm>>
      %dma_wait3A_83 = arith.constant 0 : i32
      %dma_wait3A_84 = tpu.memref_slice %arg4[%add3A_43, %dma_wait3A_83] : memref<16384x768xf32, #tpu.memory_space<hbm>> -> memref<128x768xf32, #tpu.memory_space<hbm>>
      tpu.wait_dma2 semaphore(%run_scoped3A_76 : memref<!tpu.dma_semaphore, #tpu.memory_space<semaphore_mem>>) src(%arg6 : memref<128x768xf32, #tpu.memory_space<vmem>>) dst(%dma_wait3A_84 : memref<128x768xf32, #tpu.memory_space<hbm>>)
      tpu.yield
    }) : () -> ()
    %dma_start3A_44 = arith.constant 2 : i32
    %dma_start3A_45 = arith.constant 0 : i32
    %dma_start3A_46 = tpu.memref_slice %arg5[%dma_start3A_44, %dma_start3A_45] : memref<4x128xi32, #tpu.memory_space<vmem>> -> memref<1x128xi32, #tpu.memory_space<vmem>>
    %dma_start3A_47 = tpu.memref_squeeze %dma_start3A_46 : memref<1x128xi32, #tpu.memory_space<vmem>> -> memref<128xi32, #tpu.memory_space<vmem>>
    %dma_start3A_48 = arith.constant 0 : i32
    %dma_start3A_49 = arith.constant 0 : i32
    %dma_start3A_50 = tpu.memref_slice %arg2[%dma_start3A_48, %dma_start3A_49] : memref<16384x768xf32, #tpu.memory_space<hbm>> -> memref<16384x768xf32, #tpu.memory_space<hbm>>
    tpu.enqueue_indirect_dma source(%dma_start3A_50 : memref<16384x768xf32, #tpu.memory_space<hbm>>) target(%arg6 : memref<128x768xf32, #tpu.memory_space<vmem>>) offsets(%dma_start3A_47 : memref<128xi32, #tpu.memory_space<vmem>>) semaphore(%arg7 : memref<!tpu.dma_semaphore, #tpu.memory_space<semaphore_mem>>)
    %dma_wait3A_51 = arith.constant 2 : i32
    %dma_wait3A_52 = arith.constant 0 : i32
    %dma_wait3A_53 = tpu.memref_slice %arg5[%dma_wait3A_51, %dma_wait3A_52] : memref<4x128xi32, #tpu.memory_space<vmem>> -> memref<1x128xi32, #tpu.memory_space<vmem>>
    %dma_wait3A_54 = tpu.memref_squeeze %dma_wait3A_53 : memref<1x128xi32, #tpu.memory_space<vmem>> -> memref<128xi32, #tpu.memory_space<vmem>>
    %dma_wait3A_55 = arith.constant 0 : i32
    %dma_wait3A_56 = arith.constant 0 : i32
    %dma_wait3A_57 = tpu.memref_slice %arg2[%dma_wait3A_55, %dma_wait3A_56] : memref<16384x768xf32, #tpu.memory_space<hbm>> -> memref<16384x768xf32, #tpu.memory_space<hbm>>
    tpu.wait_indirect_dma semaphore(%arg7 : memref<!tpu.dma_semaphore, #tpu.memory_space<semaphore_mem>>) src(%dma_wait3A_57 : memref<16384x768xf32, #tpu.memory_space<hbm>>) dst(%arg6 : memref<128x768xf32, #tpu.memory_space<vmem>>)
    %add3A_58 = arith.constant 256 : i32
    %add3A_59 = arith.addi %mul3A_2, %add3A_58 : i32
    "tpu.region"() ({
      %run_scoped3A_76 = tpu.sem_alloc : memref<!tpu.dma_semaphore, #tpu.memory_space<semaphore_mem>>
      %dma_start3A_77 = arith.constant 0 : i32
      %dma_start3A_78 = tpu.memref_slice %arg4[%add3A_59, %dma_start3A_77] : memref<16384x768xf32, #tpu.memory_space<hbm>> -> memref<128x768xf32, #tpu.memory_space<hbm>>
      %dma_start3A_79 = arith.constant 0 : i32
      %dma_start3A_80 = tpu.memref_slice %arg4[%add3A_59, %dma_start3A_79] : memref<16384x768xf32, #tpu.memory_space<hbm>> -> memref<128x768xf32, #tpu.memory_space<hbm>>
      tpu.enqueue_dma source(%arg6 : memref<128x768xf32, #tpu.memory_space<vmem>>) target(%dma_start3A_80 : memref<128x768xf32, #tpu.memory_space<hbm>>) target_semaphore(%run_scoped3A_76 : memref<!tpu.dma_semaphore, #tpu.memory_space<semaphore_mem>>)
      %dma_wait3A_81 = arith.constant 0 : i32
      %dma_wait3A_82 = tpu.memref_slice %arg4[%add3A_59, %dma_wait3A_81] : memref<16384x768xf32, #tpu.memory_space<hbm>> -> memref<128x768xf32, #tpu.memory_space<hbm>>
      %dma_wait3A_83 = arith.constant 0 : i32
      %dma_wait3A_84 = tpu.memref_slice %arg4[%add3A_59, %dma_wait3A_83] : memref<16384x768xf32, #tpu.memory_space<hbm>> -> memref<128x768xf32, #tpu.memory_space<hbm>>
      tpu.wait_dma2 semaphore(%run_scoped3A_76 : memref<!tpu.dma_semaphore, #tpu.memory_space<semaphore_mem>>) src(%arg6 : memref<128x768xf32, #tpu.memory_space<vmem>>) dst(%dma_wait3A_84 : memref<128x768xf32, #tpu.memory_space<hbm>>)
      tpu.yield
    }) : () -> ()
    %dma_start3A_60 = arith.constant 3 : i32
    %dma_start3A_61 = arith.constant 0 : i32
    %dma_start3A_62 = tpu.memref_slice %arg5[%dma_start3A_60, %dma_start3A_61] : memref<4x128xi32, #tpu.memory_space<vmem>> -> memref<1x128xi32, #tpu.memory_space<vmem>>
    %dma_start3A_63 = tpu.memref_squeeze %dma_start3A_62 : memref<1x128xi32, #tpu.memory_space<vmem>> -> memref<128xi32, #tpu.memory_space<vmem>>
    %dma_start3A_64 = arith.constant 0 : i32
    %dma_start3A_65 = arith.constant 0 : i32
    %dma_start3A_66 = tpu.memref_slice %arg2[%dma_start3A_64, %dma_start3A_65] : memref<16384x768xf32, #tpu.memory_space<hbm>> -> memref<16384x768xf32, #tpu.memory_space<hbm>>
    tpu.enqueue_indirect_dma source(%dma_start3A_66 : memref<16384x768xf32, #tpu.memory_space<hbm>>) target(%arg6 : memref<128x768xf32, #tpu.memory_space<vmem>>) offsets(%dma_start3A_63 : memref<128xi32, #tpu.memory_space<vmem>>) semaphore(%arg7 : memref<!tpu.dma_semaphore, #tpu.memory_space<semaphore_mem>>)
    %dma_wait3A_67 = arith.constant 3 : i32
    %dma_wait3A_68 = arith.constant 0 : i32
    %dma_wait3A_69 = tpu.memref_slice %arg5[%dma_wait3A_67, %dma_wait3A_68] : memref<4x128xi32, #tpu.memory_space<vmem>> -> memref<1x128xi32, #tpu.memory_space<vmem>>
    %dma_wait3A_70 = tpu.memref_squeeze %dma_wait3A_69 : memref<1x128xi32, #tpu.memory_space<vmem>> -> memref<128xi32, #tpu.memory_space<vmem>>
    %dma_wait3A_71 = arith.constant 0 : i32
    %dma_wait3A_72 = arith.constant 0 : i32
    %dma_wait3A_73 = tpu.memref_slice %arg2[%dma_wait3A_71, %dma_wait3A_72] : memref<16384x768xf32, #tpu.memory_space<hbm>> -> memref<16384x768xf32, #tpu.memory_space<hbm>>
    tpu.wait_indirect_dma semaphore(%arg7 : memref<!tpu.dma_semaphore, #tpu.memory_space<semaphore_mem>>) src(%dma_wait3A_73 : memref<16384x768xf32, #tpu.memory_space<hbm>>) dst(%arg6 : memref<128x768xf32, #tpu.memory_space<vmem>>)
    %add3A_74 = arith.constant 384 : i32
    %add3A_75 = arith.addi %mul3A_2, %add3A_74 : i32
    "tpu.region"() ({
      %run_scoped3A_76 = tpu.sem_alloc : memref<!tpu.dma_semaphore, #tpu.memory_space<semaphore_mem>>
      %dma_start3A_77 = arith.constant 0 : i32
      %dma_start3A_78 = tpu.memref_slice %arg4[%add3A_75, %dma_start3A_77] : memref<16384x768xf32, #tpu.memory_space<hbm>> -> memref<128x768xf32, #tpu.memory_space<hbm>>
      %dma_start3A_79 = arith.constant 0 : i32
      %dma_start3A_80 = tpu.memref_slice %arg4[%add3A_75, %dma_start3A_79] : memref<16384x768xf32, #tpu.memory_space<hbm>> -> memref<128x768xf32, #tpu.memory_space<hbm>>
      tpu.enqueue_dma source(%arg6 : memref<128x768xf32, #tpu.memory_space<vmem>>) target(%dma_start3A_80 : memref<128x768xf32, #tpu.memory_space<hbm>>) target_semaphore(%run_scoped3A_76 : memref<!tpu.dma_semaphore, #tpu.memory_space<semaphore_mem>>)
      %dma_wait3A_81 = arith.constant 0 : i32
      %dma_wait3A_82 = tpu.memref_slice %arg4[%add3A_75, %dma_wait3A_81] : memref<16384x768xf32, #tpu.memory_space<hbm>> -> memref<128x768xf32, #tpu.memory_space<hbm>>
      %dma_wait3A_83 = arith.constant 0 : i32
      %dma_wait3A_84 = tpu.memref_slice %arg4[%add3A_75, %dma_wait3A_83] : memref<16384x768xf32, #tpu.memory_space<hbm>> -> memref<128x768xf32, #tpu.memory_space<hbm>>
      tpu.wait_dma2 semaphore(%run_scoped3A_76 : memref<!tpu.dma_semaphore, #tpu.memory_space<semaphore_mem>>) src(%arg6 : memref<128x768xf32, #tpu.memory_space<vmem>>) dst(%dma_wait3A_84 : memref<128x768xf32, #tpu.memory_space<hbm>>)
      tpu.yield
    }) : () -> ()
    return
  }
}

#map = affine_map<(d0, d1) -> (0, 0)>
#map1 = affine_map<(d0, d1) -> (0)>
module attributes {stable_mosaic.version = 14 : i64} {
  func.func @scat(%arg0: i32, %arg1: i32, %arg2: memref<16384x768xf32, #tpu.memory_space<hbm>>, %arg3: memref<16384xi32, #tpu.memory_space<hbm>>, %arg4: memref<16640x768xf32, #tpu.memory_space<hbm>>, %arg5: memref<4x128xi32, #tpu.memory_space<vmem>>, %arg6: memref<128x768xf32, #tpu.memory_space<vmem>>, %arg7: memref<!tpu.dma_semaphore, #tpu.memory_space<semaphore_mem>>) attributes {dimension_semantics = [#tpu.dimension_semantics<core_parallel>, #tpu.dimension_semantics<subcore_parallel>], iteration_bounds = array<i64: 2, 16>, scalar_prefetch = 0 : i64, scratch_operands = 3 : i64, tpu.core_type = #tpu.core_type<sc_vector_subcore>, window_params = [{transform_indices = #map}, {transform_indices = #map1}, {transform_indices = #map}]} {
    %mul3A = arith.constant 2 : i32
    %mul3A_0 = arith.muli %arg1, %mul3A : i32
    %add3A = arith.addi %mul3A_0, %arg0 : i32
    %mul3A_1 = arith.constant 512 : i32
    %mul3A_2 = arith.muli %add3A, %mul3A_1 : i32
    %add3A_3 = arith.constant 0 : i32
    %add3A_4 = arith.addi %mul3A_2, %add3A_3 : i32
    %run_scoped3A = arith.constant 0 : i32
    "tpu.region"() ({
      %run_scoped3A_56 = tpu.sem_alloc : memref<!tpu.dma_semaphore, #tpu.memory_space<semaphore_mem>>
      %dma_start3A_57 = arith.constant 0 : i32
      %dma_start3A_58 = tpu.memref_slice %arg5[%run_scoped3A, %dma_start3A_57] : memref<4x128xi32, #tpu.memory_space<vmem>> -> memref<1x128xi32, #tpu.memory_space<vmem>>
      %dma_start3A_59 = tpu.memref_squeeze %dma_start3A_58 : memref<1x128xi32, #tpu.memory_space<vmem>> -> memref<128xi32, #tpu.memory_space<vmem>>
      %dma_start3A_60 = tpu.memref_slice %arg3[%add3A_4] : memref<16384xi32, #tpu.memory_space<hbm>> -> memref<128xi32, #tpu.memory_space<hbm>>
      %dma_start3A_61 = arith.constant 0 : i32
      %dma_start3A_62 = tpu.memref_slice %arg5[%run_scoped3A, %dma_start3A_61] : memref<4x128xi32, #tpu.memory_space<vmem>> -> memref<1x128xi32, #tpu.memory_space<vmem>>
      %dma_start3A_63 = tpu.memref_squeeze %dma_start3A_62 : memref<1x128xi32, #tpu.memory_space<vmem>> -> memref<128xi32, #tpu.memory_space<vmem>>
      %dma_start3A_64 = tpu.memref_slice %arg3[%add3A_4] : memref<16384xi32, #tpu.memory_space<hbm>> -> memref<128xi32, #tpu.memory_space<hbm>>
      tpu.enqueue_dma source(%dma_start3A_64 : memref<128xi32, #tpu.memory_space<hbm>>) target(%dma_start3A_63 : memref<128xi32, #tpu.memory_space<vmem>>) target_semaphore(%run_scoped3A_56 : memref<!tpu.dma_semaphore, #tpu.memory_space<semaphore_mem>>)
      %dma_wait3A_65 = arith.constant 0 : i32
      %dma_wait3A_66 = tpu.memref_slice %arg5[%run_scoped3A, %dma_wait3A_65] : memref<4x128xi32, #tpu.memory_space<vmem>> -> memref<1x128xi32, #tpu.memory_space<vmem>>
      %dma_wait3A_67 = tpu.memref_squeeze %dma_wait3A_66 : memref<1x128xi32, #tpu.memory_space<vmem>> -> memref<128xi32, #tpu.memory_space<vmem>>
      %dma_wait3A_68 = tpu.memref_slice %arg3[%add3A_4] : memref<16384xi32, #tpu.memory_space<hbm>> -> memref<128xi32, #tpu.memory_space<hbm>>
      %dma_wait3A_69 = arith.constant 0 : i32
      %dma_wait3A_70 = tpu.memref_slice %arg5[%run_scoped3A, %dma_wait3A_69] : memref<4x128xi32, #tpu.memory_space<vmem>> -> memref<1x128xi32, #tpu.memory_space<vmem>>
      %dma_wait3A_71 = tpu.memref_squeeze %dma_wait3A_70 : memref<1x128xi32, #tpu.memory_space<vmem>> -> memref<128xi32, #tpu.memory_space<vmem>>
      %dma_wait3A_72 = tpu.memref_slice %arg3[%add3A_4] : memref<16384xi32, #tpu.memory_space<hbm>> -> memref<128xi32, #tpu.memory_space<hbm>>
      tpu.wait_dma2 semaphore(%run_scoped3A_56 : memref<!tpu.dma_semaphore, #tpu.memory_space<semaphore_mem>>) src(%dma_wait3A_72 : memref<128xi32, #tpu.memory_space<hbm>>) dst(%dma_wait3A_71 : memref<128xi32, #tpu.memory_space<vmem>>)
      tpu.yield
    }) : () -> ()
    %add3A_5 = arith.constant 128 : i32
    %add3A_6 = arith.addi %mul3A_2, %add3A_5 : i32
    %run_scoped3A_7 = arith.constant 1 : i32
    "tpu.region"() ({
      %run_scoped3A_56 = tpu.sem_alloc : memref<!tpu.dma_semaphore, #tpu.memory_space<semaphore_mem>>
      %dma_start3A_57 = arith.constant 0 : i32
      %dma_start3A_58 = tpu.memref_slice %arg5[%run_scoped3A_7, %dma_start3A_57] : memref<4x128xi32, #tpu.memory_space<vmem>> -> memref<1x128xi32, #tpu.memory_space<vmem>>
      %dma_start3A_59 = tpu.memref_squeeze %dma_start3A_58 : memref<1x128xi32, #tpu.memory_space<vmem>> -> memref<128xi32, #tpu.memory_space<vmem>>
      %dma_start3A_60 = tpu.memref_slice %arg3[%add3A_6] : memref<16384xi32, #tpu.memory_space<hbm>> -> memref<128xi32, #tpu.memory_space<hbm>>
      %dma_start3A_61 = arith.constant 0 : i32
      %dma_start3A_62 = tpu.memref_slice %arg5[%run_scoped3A_7, %dma_start3A_61] : memref<4x128xi32, #tpu.memory_space<vmem>> -> memref<1x128xi32, #tpu.memory_space<vmem>>
      %dma_start3A_63 = tpu.memref_squeeze %dma_start3A_62 : memref<1x128xi32, #tpu.memory_space<vmem>> -> memref<128xi32, #tpu.memory_space<vmem>>
      %dma_start3A_64 = tpu.memref_slice %arg3[%add3A_6] : memref<16384xi32, #tpu.memory_space<hbm>> -> memref<128xi32, #tpu.memory_space<hbm>>
      tpu.enqueue_dma source(%dma_start3A_64 : memref<128xi32, #tpu.memory_space<hbm>>) target(%dma_start3A_63 : memref<128xi32, #tpu.memory_space<vmem>>) target_semaphore(%run_scoped3A_56 : memref<!tpu.dma_semaphore, #tpu.memory_space<semaphore_mem>>)
      %dma_wait3A_65 = arith.constant 0 : i32
      %dma_wait3A_66 = tpu.memref_slice %arg5[%run_scoped3A_7, %dma_wait3A_65] : memref<4x128xi32, #tpu.memory_space<vmem>> -> memref<1x128xi32, #tpu.memory_space<vmem>>
      %dma_wait3A_67 = tpu.memref_squeeze %dma_wait3A_66 : memref<1x128xi32, #tpu.memory_space<vmem>> -> memref<128xi32, #tpu.memory_space<vmem>>
      %dma_wait3A_68 = tpu.memref_slice %arg3[%add3A_6] : memref<16384xi32, #tpu.memory_space<hbm>> -> memref<128xi32, #tpu.memory_space<hbm>>
      %dma_wait3A_69 = arith.constant 0 : i32
      %dma_wait3A_70 = tpu.memref_slice %arg5[%run_scoped3A_7, %dma_wait3A_69] : memref<4x128xi32, #tpu.memory_space<vmem>> -> memref<1x128xi32, #tpu.memory_space<vmem>>
      %dma_wait3A_71 = tpu.memref_squeeze %dma_wait3A_70 : memref<1x128xi32, #tpu.memory_space<vmem>> -> memref<128xi32, #tpu.memory_space<vmem>>
      %dma_wait3A_72 = tpu.memref_slice %arg3[%add3A_6] : memref<16384xi32, #tpu.memory_space<hbm>> -> memref<128xi32, #tpu.memory_space<hbm>>
      tpu.wait_dma2 semaphore(%run_scoped3A_56 : memref<!tpu.dma_semaphore, #tpu.memory_space<semaphore_mem>>) src(%dma_wait3A_72 : memref<128xi32, #tpu.memory_space<hbm>>) dst(%dma_wait3A_71 : memref<128xi32, #tpu.memory_space<vmem>>)
      tpu.yield
    }) : () -> ()
    %add3A_8 = arith.constant 256 : i32
    %add3A_9 = arith.addi %mul3A_2, %add3A_8 : i32
    %run_scoped3A_10 = arith.constant 2 : i32
    "tpu.region"() ({
      %run_scoped3A_56 = tpu.sem_alloc : memref<!tpu.dma_semaphore, #tpu.memory_space<semaphore_mem>>
      %dma_start3A_57 = arith.constant 0 : i32
      %dma_start3A_58 = tpu.memref_slice %arg5[%run_scoped3A_10, %dma_start3A_57] : memref<4x128xi32, #tpu.memory_space<vmem>> -> memref<1x128xi32, #tpu.memory_space<vmem>>
      %dma_start3A_59 = tpu.memref_squeeze %dma_start3A_58 : memref<1x128xi32, #tpu.memory_space<vmem>> -> memref<128xi32, #tpu.memory_space<vmem>>
      %dma_start3A_60 = tpu.memref_slice %arg3[%add3A_9] : memref<16384xi32, #tpu.memory_space<hbm>> -> memref<128xi32, #tpu.memory_space<hbm>>
      %dma_start3A_61 = arith.constant 0 : i32
      %dma_start3A_62 = tpu.memref_slice %arg5[%run_scoped3A_10, %dma_start3A_61] : memref<4x128xi32, #tpu.memory_space<vmem>> -> memref<1x128xi32, #tpu.memory_space<vmem>>
      %dma_start3A_63 = tpu.memref_squeeze %dma_start3A_62 : memref<1x128xi32, #tpu.memory_space<vmem>> -> memref<128xi32, #tpu.memory_space<vmem>>
      %dma_start3A_64 = tpu.memref_slice %arg3[%add3A_9] : memref<16384xi32, #tpu.memory_space<hbm>> -> memref<128xi32, #tpu.memory_space<hbm>>
      tpu.enqueue_dma source(%dma_start3A_64 : memref<128xi32, #tpu.memory_space<hbm>>) target(%dma_start3A_63 : memref<128xi32, #tpu.memory_space<vmem>>) target_semaphore(%run_scoped3A_56 : memref<!tpu.dma_semaphore, #tpu.memory_space<semaphore_mem>>)
      %dma_wait3A_65 = arith.constant 0 : i32
      %dma_wait3A_66 = tpu.memref_slice %arg5[%run_scoped3A_10, %dma_wait3A_65] : memref<4x128xi32, #tpu.memory_space<vmem>> -> memref<1x128xi32, #tpu.memory_space<vmem>>
      %dma_wait3A_67 = tpu.memref_squeeze %dma_wait3A_66 : memref<1x128xi32, #tpu.memory_space<vmem>> -> memref<128xi32, #tpu.memory_space<vmem>>
      %dma_wait3A_68 = tpu.memref_slice %arg3[%add3A_9] : memref<16384xi32, #tpu.memory_space<hbm>> -> memref<128xi32, #tpu.memory_space<hbm>>
      %dma_wait3A_69 = arith.constant 0 : i32
      %dma_wait3A_70 = tpu.memref_slice %arg5[%run_scoped3A_10, %dma_wait3A_69] : memref<4x128xi32, #tpu.memory_space<vmem>> -> memref<1x128xi32, #tpu.memory_space<vmem>>
      %dma_wait3A_71 = tpu.memref_squeeze %dma_wait3A_70 : memref<1x128xi32, #tpu.memory_space<vmem>> -> memref<128xi32, #tpu.memory_space<vmem>>
      %dma_wait3A_72 = tpu.memref_slice %arg3[%add3A_9] : memref<16384xi32, #tpu.memory_space<hbm>> -> memref<128xi32, #tpu.memory_space<hbm>>
      tpu.wait_dma2 semaphore(%run_scoped3A_56 : memref<!tpu.dma_semaphore, #tpu.memory_space<semaphore_mem>>) src(%dma_wait3A_72 : memref<128xi32, #tpu.memory_space<hbm>>) dst(%dma_wait3A_71 : memref<128xi32, #tpu.memory_space<vmem>>)
      tpu.yield
    }) : () -> ()
    %add3A_11 = arith.constant 384 : i32
    %add3A_12 = arith.addi %mul3A_2, %add3A_11 : i32
    %run_scoped3A_13 = arith.constant 3 : i32
    "tpu.region"() ({
      %run_scoped3A_56 = tpu.sem_alloc : memref<!tpu.dma_semaphore, #tpu.memory_space<semaphore_mem>>
      %dma_start3A_57 = arith.constant 0 : i32
      %dma_start3A_58 = tpu.memref_slice %arg5[%run_scoped3A_13, %dma_start3A_57] : memref<4x128xi32, #tpu.memory_space<vmem>> -> memref<1x128xi32, #tpu.memory_space<vmem>>
      %dma_start3A_59 = tpu.memref_squeeze %dma_start3A_58 : memref<1x128xi32, #tpu.memory_space<vmem>> -> memref<128xi32, #tpu.memory_space<vmem>>
      %dma_start3A_60 = tpu.memref_slice %arg3[%add3A_12] : memref<16384xi32, #tpu.memory_space<hbm>> -> memref<128xi32, #tpu.memory_space<hbm>>
      %dma_start3A_61 = arith.constant 0 : i32
      %dma_start3A_62 = tpu.memref_slice %arg5[%run_scoped3A_13, %dma_start3A_61] : memref<4x128xi32, #tpu.memory_space<vmem>> -> memref<1x128xi32, #tpu.memory_space<vmem>>
      %dma_start3A_63 = tpu.memref_squeeze %dma_start3A_62 : memref<1x128xi32, #tpu.memory_space<vmem>> -> memref<128xi32, #tpu.memory_space<vmem>>
      %dma_start3A_64 = tpu.memref_slice %arg3[%add3A_12] : memref<16384xi32, #tpu.memory_space<hbm>> -> memref<128xi32, #tpu.memory_space<hbm>>
      tpu.enqueue_dma source(%dma_start3A_64 : memref<128xi32, #tpu.memory_space<hbm>>) target(%dma_start3A_63 : memref<128xi32, #tpu.memory_space<vmem>>) target_semaphore(%run_scoped3A_56 : memref<!tpu.dma_semaphore, #tpu.memory_space<semaphore_mem>>)
      %dma_wait3A_65 = arith.constant 0 : i32
      %dma_wait3A_66 = tpu.memref_slice %arg5[%run_scoped3A_13, %dma_wait3A_65] : memref<4x128xi32, #tpu.memory_space<vmem>> -> memref<1x128xi32, #tpu.memory_space<vmem>>
      %dma_wait3A_67 = tpu.memref_squeeze %dma_wait3A_66 : memref<1x128xi32, #tpu.memory_space<vmem>> -> memref<128xi32, #tpu.memory_space<vmem>>
      %dma_wait3A_68 = tpu.memref_slice %arg3[%add3A_12] : memref<16384xi32, #tpu.memory_space<hbm>> -> memref<128xi32, #tpu.memory_space<hbm>>
      %dma_wait3A_69 = arith.constant 0 : i32
      %dma_wait3A_70 = tpu.memref_slice %arg5[%run_scoped3A_13, %dma_wait3A_69] : memref<4x128xi32, #tpu.memory_space<vmem>> -> memref<1x128xi32, #tpu.memory_space<vmem>>
      %dma_wait3A_71 = tpu.memref_squeeze %dma_wait3A_70 : memref<1x128xi32, #tpu.memory_space<vmem>> -> memref<128xi32, #tpu.memory_space<vmem>>
      %dma_wait3A_72 = tpu.memref_slice %arg3[%add3A_12] : memref<16384xi32, #tpu.memory_space<hbm>> -> memref<128xi32, #tpu.memory_space<hbm>>
      tpu.wait_dma2 semaphore(%run_scoped3A_56 : memref<!tpu.dma_semaphore, #tpu.memory_space<semaphore_mem>>) src(%dma_wait3A_72 : memref<128xi32, #tpu.memory_space<hbm>>) dst(%dma_wait3A_71 : memref<128xi32, #tpu.memory_space<vmem>>)
      tpu.yield
    }) : () -> ()
    %add3A_14 = arith.constant 0 : i32
    %add3A_15 = arith.addi %mul3A_2, %add3A_14 : i32
    %dma_start3A = arith.constant 0 : i32
    %dma_start3A_16 = tpu.memref_slice %arg2[%add3A_15, %dma_start3A] : memref<16384x768xf32, #tpu.memory_space<hbm>> -> memref<128x768xf32, #tpu.memory_space<hbm>>
    %dma_start3A_17 = arith.constant 0 : i32
    %dma_start3A_18 = tpu.memref_slice %arg2[%add3A_15, %dma_start3A_17] : memref<16384x768xf32, #tpu.memory_space<hbm>> -> memref<128x768xf32, #tpu.memory_space<hbm>>
    tpu.enqueue_dma source(%dma_start3A_18 : memref<128x768xf32, #tpu.memory_space<hbm>>) target(%arg6 : memref<128x768xf32, #tpu.memory_space<vmem>>) target_semaphore(%arg7 : memref<!tpu.dma_semaphore, #tpu.memory_space<semaphore_mem>>)
    %dma_wait3A = arith.constant 0 : i32
    %dma_wait3A_19 = tpu.memref_slice %arg2[%add3A_15, %dma_wait3A] : memref<16384x768xf32, #tpu.memory_space<hbm>> -> memref<128x768xf32, #tpu.memory_space<hbm>>
    %dma_wait3A_20 = arith.constant 0 : i32
    %dma_wait3A_21 = tpu.memref_slice %arg2[%add3A_15, %dma_wait3A_20] : memref<16384x768xf32, #tpu.memory_space<hbm>> -> memref<128x768xf32, #tpu.memory_space<hbm>>
    tpu.wait_dma2 semaphore(%arg7 : memref<!tpu.dma_semaphore, #tpu.memory_space<semaphore_mem>>) src(%dma_wait3A_21 : memref<128x768xf32, #tpu.memory_space<hbm>>) dst(%arg6 : memref<128x768xf32, #tpu.memory_space<vmem>>)
    %run_scoped3A_22 = arith.constant 0 : i32
    "tpu.region"() ({
      %run_scoped3A_56 = tpu.sem_alloc : memref<!tpu.dma_semaphore, #tpu.memory_space<semaphore_mem>>
      %dma_start3A_57 = arith.constant 0 : i32
      %dma_start3A_58 = tpu.memref_slice %arg5[%run_scoped3A_22, %dma_start3A_57] : memref<4x128xi32, #tpu.memory_space<vmem>> -> memref<1x128xi32, #tpu.memory_space<vmem>>
      %dma_start3A_59 = tpu.memref_squeeze %dma_start3A_58 : memref<1x128xi32, #tpu.memory_space<vmem>> -> memref<128xi32, #tpu.memory_space<vmem>>
      %dma_start3A_60 = arith.constant 0 : i32
      %dma_start3A_61 = arith.constant 0 : i32
      %dma_start3A_62 = tpu.memref_slice %arg4[%dma_start3A_60, %dma_start3A_61] : memref<16640x768xf32, #tpu.memory_space<hbm>> -> memref<16640x768xf32, #tpu.memory_space<hbm>>
      tpu.enqueue_indirect_dma source(%arg6 : memref<128x768xf32, #tpu.memory_space<vmem>>) target(%dma_start3A_62 : memref<16640x768xf32, #tpu.memory_space<hbm>>) offsets(%dma_start3A_59 : memref<128xi32, #tpu.memory_space<vmem>>) semaphore(%run_scoped3A_56 : memref<!tpu.dma_semaphore, #tpu.memory_space<semaphore_mem>>)
      %dma_wait3A_63 = arith.constant 0 : i32
      %dma_wait3A_64 = tpu.memref_slice %arg5[%run_scoped3A_22, %dma_wait3A_63] : memref<4x128xi32, #tpu.memory_space<vmem>> -> memref<1x128xi32, #tpu.memory_space<vmem>>
      %dma_wait3A_65 = tpu.memref_squeeze %dma_wait3A_64 : memref<1x128xi32, #tpu.memory_space<vmem>> -> memref<128xi32, #tpu.memory_space<vmem>>
      %dma_wait3A_66 = arith.constant 0 : i32
      %dma_wait3A_67 = arith.constant 0 : i32
      %dma_wait3A_68 = tpu.memref_slice %arg4[%dma_wait3A_66, %dma_wait3A_67] : memref<16640x768xf32, #tpu.memory_space<hbm>> -> memref<16640x768xf32, #tpu.memory_space<hbm>>
      tpu.wait_indirect_dma semaphore(%run_scoped3A_56 : memref<!tpu.dma_semaphore, #tpu.memory_space<semaphore_mem>>) src(%arg6 : memref<128x768xf32, #tpu.memory_space<vmem>>) dst(%dma_wait3A_68 : memref<16640x768xf32, #tpu.memory_space<hbm>>)
      tpu.yield
    }) : () -> ()
    %add3A_23 = arith.constant 128 : i32
    %add3A_24 = arith.addi %mul3A_2, %add3A_23 : i32
    %dma_start3A_25 = arith.constant 0 : i32
    %dma_start3A_26 = tpu.memref_slice %arg2[%add3A_24, %dma_start3A_25] : memref<16384x768xf32, #tpu.memory_space<hbm>> -> memref<128x768xf32, #tpu.memory_space<hbm>>
    %dma_start3A_27 = arith.constant 0 : i32
    %dma_start3A_28 = tpu.memref_slice %arg2[%add3A_24, %dma_start3A_27] : memref<16384x768xf32, #tpu.memory_space<hbm>> -> memref<128x768xf32, #tpu.memory_space<hbm>>
    tpu.enqueue_dma source(%dma_start3A_28 : memref<128x768xf32, #tpu.memory_space<hbm>>) target(%arg6 : memref<128x768xf32, #tpu.memory_space<vmem>>) target_semaphore(%arg7 : memref<!tpu.dma_semaphore, #tpu.memory_space<semaphore_mem>>)
    %dma_wait3A_29 = arith.constant 0 : i32
    %dma_wait3A_30 = tpu.memref_slice %arg2[%add3A_24, %dma_wait3A_29] : memref<16384x768xf32, #tpu.memory_space<hbm>> -> memref<128x768xf32, #tpu.memory_space<hbm>>
    %dma_wait3A_31 = arith.constant 0 : i32
    %dma_wait3A_32 = tpu.memref_slice %arg2[%add3A_24, %dma_wait3A_31] : memref<16384x768xf32, #tpu.memory_space<hbm>> -> memref<128x768xf32, #tpu.memory_space<hbm>>
    tpu.wait_dma2 semaphore(%arg7 : memref<!tpu.dma_semaphore, #tpu.memory_space<semaphore_mem>>) src(%dma_wait3A_32 : memref<128x768xf32, #tpu.memory_space<hbm>>) dst(%arg6 : memref<128x768xf32, #tpu.memory_space<vmem>>)
    %run_scoped3A_33 = arith.constant 1 : i32
    "tpu.region"() ({
      %run_scoped3A_56 = tpu.sem_alloc : memref<!tpu.dma_semaphore, #tpu.memory_space<semaphore_mem>>
      %dma_start3A_57 = arith.constant 0 : i32
      %dma_start3A_58 = tpu.memref_slice %arg5[%run_scoped3A_33, %dma_start3A_57] : memref<4x128xi32, #tpu.memory_space<vmem>> -> memref<1x128xi32, #tpu.memory_space<vmem>>
      %dma_start3A_59 = tpu.memref_squeeze %dma_start3A_58 : memref<1x128xi32, #tpu.memory_space<vmem>> -> memref<128xi32, #tpu.memory_space<vmem>>
      %dma_start3A_60 = arith.constant 0 : i32
      %dma_start3A_61 = arith.constant 0 : i32
      %dma_start3A_62 = tpu.memref_slice %arg4[%dma_start3A_60, %dma_start3A_61] : memref<16640x768xf32, #tpu.memory_space<hbm>> -> memref<16640x768xf32, #tpu.memory_space<hbm>>
      tpu.enqueue_indirect_dma source(%arg6 : memref<128x768xf32, #tpu.memory_space<vmem>>) target(%dma_start3A_62 : memref<16640x768xf32, #tpu.memory_space<hbm>>) offsets(%dma_start3A_59 : memref<128xi32, #tpu.memory_space<vmem>>) semaphore(%run_scoped3A_56 : memref<!tpu.dma_semaphore, #tpu.memory_space<semaphore_mem>>)
      %dma_wait3A_63 = arith.constant 0 : i32
      %dma_wait3A_64 = tpu.memref_slice %arg5[%run_scoped3A_33, %dma_wait3A_63] : memref<4x128xi32, #tpu.memory_space<vmem>> -> memref<1x128xi32, #tpu.memory_space<vmem>>
      %dma_wait3A_65 = tpu.memref_squeeze %dma_wait3A_64 : memref<1x128xi32, #tpu.memory_space<vmem>> -> memref<128xi32, #tpu.memory_space<vmem>>
      %dma_wait3A_66 = arith.constant 0 : i32
      %dma_wait3A_67 = arith.constant 0 : i32
      %dma_wait3A_68 = tpu.memref_slice %arg4[%dma_wait3A_66, %dma_wait3A_67] : memref<16640x768xf32, #tpu.memory_space<hbm>> -> memref<16640x768xf32, #tpu.memory_space<hbm>>
      tpu.wait_indirect_dma semaphore(%run_scoped3A_56 : memref<!tpu.dma_semaphore, #tpu.memory_space<semaphore_mem>>) src(%arg6 : memref<128x768xf32, #tpu.memory_space<vmem>>) dst(%dma_wait3A_68 : memref<16640x768xf32, #tpu.memory_space<hbm>>)
      tpu.yield
    }) : () -> ()
    %add3A_34 = arith.constant 256 : i32
    %add3A_35 = arith.addi %mul3A_2, %add3A_34 : i32
    %dma_start3A_36 = arith.constant 0 : i32
    %dma_start3A_37 = tpu.memref_slice %arg2[%add3A_35, %dma_start3A_36] : memref<16384x768xf32, #tpu.memory_space<hbm>> -> memref<128x768xf32, #tpu.memory_space<hbm>>
    %dma_start3A_38 = arith.constant 0 : i32
    %dma_start3A_39 = tpu.memref_slice %arg2[%add3A_35, %dma_start3A_38] : memref<16384x768xf32, #tpu.memory_space<hbm>> -> memref<128x768xf32, #tpu.memory_space<hbm>>
    tpu.enqueue_dma source(%dma_start3A_39 : memref<128x768xf32, #tpu.memory_space<hbm>>) target(%arg6 : memref<128x768xf32, #tpu.memory_space<vmem>>) target_semaphore(%arg7 : memref<!tpu.dma_semaphore, #tpu.memory_space<semaphore_mem>>)
    %dma_wait3A_40 = arith.constant 0 : i32
    %dma_wait3A_41 = tpu.memref_slice %arg2[%add3A_35, %dma_wait3A_40] : memref<16384x768xf32, #tpu.memory_space<hbm>> -> memref<128x768xf32, #tpu.memory_space<hbm>>
    %dma_wait3A_42 = arith.constant 0 : i32
    %dma_wait3A_43 = tpu.memref_slice %arg2[%add3A_35, %dma_wait3A_42] : memref<16384x768xf32, #tpu.memory_space<hbm>> -> memref<128x768xf32, #tpu.memory_space<hbm>>
    tpu.wait_dma2 semaphore(%arg7 : memref<!tpu.dma_semaphore, #tpu.memory_space<semaphore_mem>>) src(%dma_wait3A_43 : memref<128x768xf32, #tpu.memory_space<hbm>>) dst(%arg6 : memref<128x768xf32, #tpu.memory_space<vmem>>)
    %run_scoped3A_44 = arith.constant 2 : i32
    "tpu.region"() ({
      %run_scoped3A_56 = tpu.sem_alloc : memref<!tpu.dma_semaphore, #tpu.memory_space<semaphore_mem>>
      %dma_start3A_57 = arith.constant 0 : i32
      %dma_start3A_58 = tpu.memref_slice %arg5[%run_scoped3A_44, %dma_start3A_57] : memref<4x128xi32, #tpu.memory_space<vmem>> -> memref<1x128xi32, #tpu.memory_space<vmem>>
      %dma_start3A_59 = tpu.memref_squeeze %dma_start3A_58 : memref<1x128xi32, #tpu.memory_space<vmem>> -> memref<128xi32, #tpu.memory_space<vmem>>
      %dma_start3A_60 = arith.constant 0 : i32
      %dma_start3A_61 = arith.constant 0 : i32
      %dma_start3A_62 = tpu.memref_slice %arg4[%dma_start3A_60, %dma_start3A_61] : memref<16640x768xf32, #tpu.memory_space<hbm>> -> memref<16640x768xf32, #tpu.memory_space<hbm>>
      tpu.enqueue_indirect_dma source(%arg6 : memref<128x768xf32, #tpu.memory_space<vmem>>) target(%dma_start3A_62 : memref<16640x768xf32, #tpu.memory_space<hbm>>) offsets(%dma_start3A_59 : memref<128xi32, #tpu.memory_space<vmem>>) semaphore(%run_scoped3A_56 : memref<!tpu.dma_semaphore, #tpu.memory_space<semaphore_mem>>)
      %dma_wait3A_63 = arith.constant 0 : i32
      %dma_wait3A_64 = tpu.memref_slice %arg5[%run_scoped3A_44, %dma_wait3A_63] : memref<4x128xi32, #tpu.memory_space<vmem>> -> memref<1x128xi32, #tpu.memory_space<vmem>>
      %dma_wait3A_65 = tpu.memref_squeeze %dma_wait3A_64 : memref<1x128xi32, #tpu.memory_space<vmem>> -> memref<128xi32, #tpu.memory_space<vmem>>
      %dma_wait3A_66 = arith.constant 0 : i32
      %dma_wait3A_67 = arith.constant 0 : i32
      %dma_wait3A_68 = tpu.memref_slice %arg4[%dma_wait3A_66, %dma_wait3A_67] : memref<16640x768xf32, #tpu.memory_space<hbm>> -> memref<16640x768xf32, #tpu.memory_space<hbm>>
      tpu.wait_indirect_dma semaphore(%run_scoped3A_56 : memref<!tpu.dma_semaphore, #tpu.memory_space<semaphore_mem>>) src(%arg6 : memref<128x768xf32, #tpu.memory_space<vmem>>) dst(%dma_wait3A_68 : memref<16640x768xf32, #tpu.memory_space<hbm>>)
      tpu.yield
    }) : () -> ()
    %add3A_45 = arith.constant 384 : i32
    %add3A_46 = arith.addi %mul3A_2, %add3A_45 : i32
    %dma_start3A_47 = arith.constant 0 : i32
    %dma_start3A_48 = tpu.memref_slice %arg2[%add3A_46, %dma_start3A_47] : memref<16384x768xf32, #tpu.memory_space<hbm>> -> memref<128x768xf32, #tpu.memory_space<hbm>>
    %dma_start3A_49 = arith.constant 0 : i32
    %dma_start3A_50 = tpu.memref_slice %arg2[%add3A_46, %dma_start3A_49] : memref<16384x768xf32, #tpu.memory_space<hbm>> -> memref<128x768xf32, #tpu.memory_space<hbm>>
    tpu.enqueue_dma source(%dma_start3A_50 : memref<128x768xf32, #tpu.memory_space<hbm>>) target(%arg6 : memref<128x768xf32, #tpu.memory_space<vmem>>) target_semaphore(%arg7 : memref<!tpu.dma_semaphore, #tpu.memory_space<semaphore_mem>>)
    %dma_wait3A_51 = arith.constant 0 : i32
    %dma_wait3A_52 = tpu.memref_slice %arg2[%add3A_46, %dma_wait3A_51] : memref<16384x768xf32, #tpu.memory_space<hbm>> -> memref<128x768xf32, #tpu.memory_space<hbm>>
    %dma_wait3A_53 = arith.constant 0 : i32
    %dma_wait3A_54 = tpu.memref_slice %arg2[%add3A_46, %dma_wait3A_53] : memref<16384x768xf32, #tpu.memory_space<hbm>> -> memref<128x768xf32, #tpu.memory_space<hbm>>
    tpu.wait_dma2 semaphore(%arg7 : memref<!tpu.dma_semaphore, #tpu.memory_space<semaphore_mem>>) src(%dma_wait3A_54 : memref<128x768xf32, #tpu.memory_space<hbm>>) dst(%arg6 : memref<128x768xf32, #tpu.memory_space<vmem>>)
    %run_scoped3A_55 = arith.constant 3 : i32
    "tpu.region"() ({
      %run_scoped3A_56 = tpu.sem_alloc : memref<!tpu.dma_semaphore, #tpu.memory_space<semaphore_mem>>
      %dma_start3A_57 = arith.constant 0 : i32
      %dma_start3A_58 = tpu.memref_slice %arg5[%run_scoped3A_55, %dma_start3A_57] : memref<4x128xi32, #tpu.memory_space<vmem>> -> memref<1x128xi32, #tpu.memory_space<vmem>>
      %dma_start3A_59 = tpu.memref_squeeze %dma_start3A_58 : memref<1x128xi32, #tpu.memory_space<vmem>> -> memref<128xi32, #tpu.memory_space<vmem>>
      %dma_start3A_60 = arith.constant 0 : i32
      %dma_start3A_61 = arith.constant 0 : i32
      %dma_start3A_62 = tpu.memref_slice %arg4[%dma_start3A_60, %dma_start3A_61] : memref<16640x768xf32, #tpu.memory_space<hbm>> -> memref<16640x768xf32, #tpu.memory_space<hbm>>
      tpu.enqueue_indirect_dma source(%arg6 : memref<128x768xf32, #tpu.memory_space<vmem>>) target(%dma_start3A_62 : memref<16640x768xf32, #tpu.memory_space<hbm>>) offsets(%dma_start3A_59 : memref<128xi32, #tpu.memory_space<vmem>>) semaphore(%run_scoped3A_56 : memref<!tpu.dma_semaphore, #tpu.memory_space<semaphore_mem>>)
      %dma_wait3A_63 = arith.constant 0 : i32
      %dma_wait3A_64 = tpu.memref_slice %arg5[%run_scoped3A_55, %dma_wait3A_63] : memref<4x128xi32, #tpu.memory_space<vmem>> -> memref<1x128xi32, #tpu.memory_space<vmem>>
      %dma_wait3A_65 = tpu.memref_squeeze %dma_wait3A_64 : memref<1x128xi32, #tpu.memory_space<vmem>> -> memref<128xi32, #tpu.memory_space<vmem>>
      %dma_wait3A_66 = arith.constant 0 : i32
      %dma_wait3A_67 = arith.constant 0 : i32
      %dma_wait3A_68 = tpu.memref_slice %arg4[%dma_wait3A_66, %dma_wait3A_67] : memref<16640x768xf32, #tpu.memory_space<hbm>> -> memref<16640x768xf32, #tpu.memory_space<hbm>>
      tpu.wait_indirect_dma semaphore(%run_scoped3A_56 : memref<!tpu.dma_semaphore, #tpu.memory_space<semaphore_mem>>) src(%arg6 : memref<128x768xf32, #tpu.memory_space<vmem>>) dst(%dma_wait3A_68 : memref<16640x768xf32, #tpu.memory_space<hbm>>)
      tpu.yield
    }) : () -> ()
    return
  }
}

module attributes {stable_mosaic.version = 14 : i64} {
  func.func @_prep_body(%arg0: i32, %arg1: memref<1024x768xf32, #tpu.memory_space<vmem>>, %arg2: memref<768x768xf32, #tpu.memory_space<vmem>>, %arg3: memref<1x768xf32, #tpu.memory_space<vmem>>, %arg4: memref<768x64xf32, #tpu.memory_space<vmem>>, %arg5: memref<1024x768xf32, #tpu.memory_space<vmem>>, %arg6: memref<1024x1xi32, #tpu.memory_space<vmem>>, %arg7: memref<1024x1xi32, #tpu.memory_space<vmem>>, %arg8: memref<1024x1xf32, #tpu.memory_space<vmem>>, %arg9: memref<1x64xf32, #tpu.memory_space<vmem>>) attributes {dimension_semantics = [#tpu.dimension_semantics<arbitrary>], iteration_bounds = array<i64: 16>, scalar_prefetch = 0 : i64, scratch_operands = 1 : i64, tpu.core_type = #tpu.core_type<tc>, window_params = [{transform_indices = @transform_0, window_bounds = array<i64: 1024, 768>}, {pipeline_mode = #tpu.pipeline_mode<synchronous>, transform_indices = @transform_1, window_bounds = array<i64: 768, 768>}, {pipeline_mode = #tpu.pipeline_mode<synchronous>, transform_indices = @transform_2, window_bounds = array<i64: 1, 768>}, {pipeline_mode = #tpu.pipeline_mode<synchronous>, transform_indices = @transform_3, window_bounds = array<i64: 768, 64>}, {transform_indices = @transform_4, window_bounds = array<i64: 1024, 768>}, {transform_indices = @transform_5, window_bounds = array<i64: 1024, 1>}, {transform_indices = @transform_6, window_bounds = array<i64: 1024, 1>}, {transform_indices = @transform_7, window_bounds = array<i64: 1024, 1>}]} {
    %eq3A = arith.constant 0 : i32
    %eq3A_0 = arith.cmpi eq, %arg0, %eq3A : i32
    %convert_element_type3A = arith.extui %eq3A_0 : i1 to i32
    %cond3A = arith.constant 0 : i32
    %cond3A_1 = arith.cmpi ne, %convert_element_type3A, %cond3A : i32
    scf.if %cond3A_1 {
      %broadcast_in_dim3A_83 = arith.constant 0.000000e+00 : f32
      %broadcast_in_dim3A_84 = vector.broadcast %broadcast_in_dim3A_83 : f32 to vector<1x64xf32>
      %swap3A_85 = arith.constant 0 : index
      %swap3A_86 = arith.constant 0 : index
      %swap3A_87 = vector.load %arg9[%swap3A_85, %swap3A_86] : memref<1x64xf32, #tpu.memory_space<vmem>>, vector<1x64xf32>
      tpu.vector_store %arg9[%swap3A_85, %swap3A_86], %broadcast_in_dim3A_84 {strides = array<i32>} : memref<1x64xf32, #tpu.memory_space<vmem>>, vector<1x64xf32>,
    } else {
    }
    %get3A = arith.constant 0 : index
    %get3A_2 = arith.constant 0 : index
    %get3A_3 = vector.load %arg1[%get3A, %get3A_2] : memref<1024x768xf32, #tpu.memory_space<vmem>>, vector<1024x768xf32>
    %get3A_4 = arith.constant 0 : index
    %get3A_5 = arith.constant 0 : index
    %get3A_6 = vector.load %arg2[%get3A_4, %get3A_5] : memref<768x768xf32, #tpu.memory_space<vmem>>, vector<768x768xf32>
    %dot_general3A = arith.constant dense<0.000000e+00> : vector<1024x768xf32>
    %dot_general3A_7 = tpu.matmul %get3A_3, %get3A_6, %dot_general3A {dimension_numbers = #tpu.dot_dimension_numbers<[1], [0], [0], [1], [0, 0, 1, 1], [], []>, transpose_lhs_hint = false} : vector<1024x768xf32>, vector<768x768xf32>, vector<1024x768xf32> -> vector<1024x768xf32>
    %get3A_8 = arith.constant 0 : index
    %get3A_9 = arith.constant 0 : index
    %get3A_10 = vector.load %arg3[%get3A_8, %get3A_9] : memref<1x768xf32, #tpu.memory_space<vmem>>, vector<1x768xf32>
    %add3A = vector.broadcast %get3A_10 : vector<1x768xf32> to vector<1024x768xf32>
    %add3A_11 = arith.addf %dot_general3A_7, %add3A : vector<1024x768xf32>
    %get3A_12 = arith.constant 0 : index
    %get3A_13 = arith.constant 0 : index
    %get3A_14 = vector.load %arg4[%get3A_12, %get3A_13] : memref<768x64xf32, #tpu.memory_space<vmem>>, vector<768x64xf32>
    %dot_general3A_15 = arith.constant dense<0.000000e+00> : vector<1024x64xf32>
    %dot_general3A_16 = tpu.matmul %add3A_11, %get3A_14, %dot_general3A_15 {dimension_numbers = #tpu.dot_dimension_numbers<[1], [0], [0], [1], [0, 0, 1, 1], [], []>, transpose_lhs_hint = false} : vector<1024x768xf32>, vector<768x64xf32>, vector<1024x64xf32> -> vector<1024x64xf32>
    %reduce_max3A = arith.constant dense<0xFF800000> : vector<1024xf32>
    %reduce_max3A_17 = vector.multi_reduction <maximumf>, %dot_general3A_16, %reduce_max3A [1] : vector<1024x64xf32> to vector<1024xf32>
    %broadcast_in_dim3A = vector.shape_cast %reduce_max3A_17 : vector<1024xf32> to vector<1024x1xf32>
    %sub3A = vector.broadcast %broadcast_in_dim3A : vector<1024x1xf32> to vector<1024x64xf32>
    %sub3A_18 = arith.subf %dot_general3A_16, %sub3A : vector<1024x64xf32>
    %exp3A = math.exp %sub3A_18 : vector<1024x64xf32>
    %reduce_sum3A = arith.constant dense<0.000000e+00> : vector<1024xf32>
    %reduce_sum3A_19 = vector.multi_reduction <add>, %exp3A, %reduce_sum3A [1] : vector<1024x64xf32> to vector<1024xf32>
    %broadcast_in_dim3A_20 = vector.shape_cast %reduce_sum3A_19 : vector<1024xf32> to vector<1024x1xf32>
    %div3A = arith.constant 1.000000e+00 : f32
    %div3A_21 = vector.broadcast %div3A : f32 to vector<1024x1xf32>
    %div3A_22 = arith.divf %div3A_21, %broadcast_in_dim3A_20 : vector<1024x1xf32>
    %iota3A = tpu.iota {dimensions = array<i32: 1>} : vector<1024x64xi32>
    %eq3A_23 = vector.broadcast %broadcast_in_dim3A : vector<1024x1xf32> to vector<1024x64xf32>
    %eq3A_24 = arith.cmpf oeq, %dot_general3A_16, %eq3A_23 : vector<1024x64xf32>
    %jit3A = arith.constant 64 : i32
    %broadcast_in_dim3A_25 = vector.broadcast %jit3A : i32 to vector<1024x64xi32>
    %select_n3A = arith.select %eq3A_24, %iota3A, %broadcast_in_dim3A_25 : vector<1024x64xi1>, vector<1024x64xi32>
    %reduce_min3A = arith.constant dense<2147483647> : vector<1024xi32>
    %reduce_min3A_26 = vector.multi_reduction <minsi>, %select_n3A, %reduce_min3A [1] : vector<1024x64xi32> to vector<1024xi32>
    %broadcast_in_dim3A_27 = vector.shape_cast %reduce_min3A_26 : vector<1024xi32> to vector<1024x1xi32>
    %eq3A_28 = vector.broadcast %broadcast_in_dim3A_27 : vector<1024x1xi32> to vector<1024x64xi32>
    %eq3A_29 = arith.cmpi eq, %iota3A, %eq3A_28 : vector<1024x64xi32>
    %convert_element_type3A_30 = arith.extui %eq3A_29 : vector<1024x64xi1> to vector<1024x64xi32>
    %convert_element_type3A_31 = arith.sitofp %convert_element_type3A_30 : vector<1024x64xi32> to vector<1024x64xf32>
    %iota3A_32 = tpu.iota {dimensions = array<i32: 0>} : vector<1024x1024xi32>
    %iota3A_33 = tpu.iota {dimensions = array<i32: 1>} : vector<1024x1024xi32>
    %ge3A = arith.cmpi sge, %iota3A_32, %iota3A_33 : vector<1024x1024xi32>
    %convert_element_type3A_34 = arith.extui %ge3A : vector<1024x1024xi1> to vector<1024x1024xi32>
    %convert_element_type3A_35 = arith.sitofp %convert_element_type3A_34 : vector<1024x1024xi32> to vector<1024x1024xf32>
    %dot_general3A_36 = arith.constant dense<0.000000e+00> : vector<1024x64xf32>
    %dot_general3A_37 = tpu.matmul %convert_element_type3A_35, %convert_element_type3A_31, %dot_general3A_36 {dimension_numbers = #tpu.dot_dimension_numbers<[1], [0], [0], [1], [0, 0, 1, 1], [], []>, transpose_lhs_hint = false} : vector<1024x1024xf32>, vector<1024x64xf32>, vector<1024x64xf32> -> vector<1024x64xf32>
    %get3A_38 = arith.constant 0 : index
    %get3A_39 = arith.constant 0 : index
    %get3A_40 = vector.load %arg9[%get3A_38, %get3A_39] : memref<1x64xf32, #tpu.memory_space<vmem>>, vector<1x64xf32>
    %sub3A_41 = arith.constant 1.000000e+00 : f32
    %sub3A_42 = vector.broadcast %sub3A_41 : f32 to vector<1024x64xf32>
    %sub3A_43 = arith.subf %dot_general3A_37, %sub3A_42 : vector<1024x64xf32>
    %add3A_44 = vector.broadcast %get3A_40 : vector<1x64xf32> to vector<1024x64xf32>
    %add3A_45 = arith.addf %sub3A_43, %add3A_44 : vector<1024x64xf32>
    %mul3A = arith.mulf %convert_element_type3A_31, %add3A_45 : vector<1024x64xf32>
    %reduce_sum3A_46 = arith.constant dense<0.000000e+00> : vector<1024xf32>
    %reduce_sum3A_47 = vector.multi_reduction <add>, %mul3A, %reduce_sum3A_46 [1] : vector<1024x64xf32> to vector<1024xf32>
    %broadcast_in_dim3A_48 = vector.shape_cast %reduce_sum3A_47 : vector<1024xf32> to vector<1024x1xf32>
    %slice3A = vector.extract_strided_slice %dot_general3A_37 {offsets = [1023, 0], sizes = [1, 64], strides = [1, 1]} : vector<1024x64xf32> to vector<1x64xf32>
    %add3A_49 = arith.addf %get3A_40, %slice3A : vector<1x64xf32>
    %swap3A = arith.constant 0 : index
    %swap3A_50 = arith.constant 0 : index
    %swap3A_51 = vector.load %arg9[%swap3A, %swap3A_50] : memref<1x64xf32, #tpu.memory_space<vmem>>, vector<1x64xf32>
    tpu.vector_store %arg9[%swap3A, %swap3A_50], %add3A_49 {strides = array<i32>} : memref<1x64xf32, #tpu.memory_space<vmem>>, vector<1x64xf32>,
    %convert_element_type3A_52 = arith.fptosi %broadcast_in_dim3A_48 : vector<1024x1xf32> to vector<1024x1xi32>
    %lt3A = arith.constant 256 : i32
    %lt3A_53 = vector.broadcast %lt3A : i32 to vector<1024x1xi32>
    %lt3A_54 = arith.cmpi slt, %convert_element_type3A_52, %lt3A_53 : vector<1024x1xi32>
    %swap3A_55 = arith.constant 0 : index
    %swap3A_56 = arith.constant 0 : index
    %swap3A_57 = vector.load %arg5[%swap3A_55, %swap3A_56] : memref<1024x768xf32, #tpu.memory_space<vmem>>, vector<1024x768xf32>
    tpu.vector_store %arg5[%swap3A_55, %swap3A_56], %add3A_11 {strides = array<i32>} : memref<1024x768xf32, #tpu.memory_space<vmem>>, vector<1024x768xf32>,
    %mul3A_58 = arith.constant 256 : i32
    %mul3A_59 = vector.broadcast %mul3A_58 : i32 to vector<1024x1xi32>
    %mul3A_60 = arith.muli %broadcast_in_dim3A_27, %mul3A_59 : vector<1024x1xi32>
    %add3A_61 = arith.addi %mul3A_60, %convert_element_type3A_52 : vector<1024x1xi32>
    %jit3A_62 = arith.constant 16384 : i32
    %broadcast_in_dim3A_63 = vector.broadcast %jit3A_62 : i32 to vector<1024x1xi32>
    %select_n3A_64 = arith.select %lt3A_54, %add3A_61, %broadcast_in_dim3A_63 : vector<1024x1xi1>, vector<1024x1xi32>
    %swap3A_65 = arith.constant 0 : index
    %swap3A_66 = arith.constant 0 : index
    %swap3A_67 = vector.load %arg6[%swap3A_65, %swap3A_66] : memref<1024x1xi32, #tpu.memory_space<vmem>>, vector<1024x1xi32>
    tpu.vector_store %arg6[%swap3A_65, %swap3A_66], %select_n3A_64 {strides = array<i32>} : memref<1024x1xi32, #tpu.memory_space<vmem>>, vector<1024x1xi32>,
    %mul3A_68 = arith.constant 256 : i32
    %mul3A_69 = vector.broadcast %mul3A_68 : i32 to vector<1024x1xi32>
    %mul3A_70 = arith.muli %broadcast_in_dim3A_27, %mul3A_69 : vector<1024x1xi32>
    %min3A = arith.constant 255 : i32
    %min3A_71 = vector.broadcast %min3A : i32 to vector<1024x1xi32>
    %min3A_72 = arith.minsi %convert_element_type3A_52, %min3A_71 : vector<1024x1xi32>
    %add3A_73 = arith.addi %mul3A_70, %min3A_72 : vector<1024x1xi32>
    %swap3A_74 = arith.constant 0 : index
    %swap3A_75 = arith.constant 0 : index
    %swap3A_76 = vector.load %arg7[%swap3A_74, %swap3A_75] : memref<1024x1xi32, #tpu.memory_space<vmem>>, vector<1024x1xi32>
    tpu.vector_store %arg7[%swap3A_74, %swap3A_75], %add3A_73 {strides = array<i32>} : memref<1024x1xi32, #tpu.memory_space<vmem>>, vector<1024x1xi32>,
    %convert_element_type3A_77 = arith.extui %lt3A_54 : vector<1024x1xi1> to vector<1024x1xi32>
    %convert_element_type3A_78 = arith.sitofp %convert_element_type3A_77 : vector<1024x1xi32> to vector<1024x1xf32>
    %mul3A_79 = arith.mulf %div3A_22, %convert_element_type3A_78 : vector<1024x1xf32>
    %swap3A_80 = arith.constant 0 : index
    %swap3A_81 = arith.constant 0 : index
    %swap3A_82 = vector.load %arg8[%swap3A_80, %swap3A_81] : memref<1024x1xf32, #tpu.memory_space<vmem>>, vector<1024x1xf32>
    tpu.vector_store %arg8[%swap3A_80, %swap3A_81], %mul3A_79 {strides = array<i32>} : memref<1024x1xf32, #tpu.memory_space<vmem>>, vector<1024x1xf32>,
    return
  }
  func.func @transform_0(%arg0: i32) -> (i32, i32) {
    %c0_i32 = arith.constant 0 : i32
    %c0_i32_0 = arith.constant 0 : i32
    return %arg0, %c0_i32 : i32, i32
  }
  func.func @transform_1(%arg0: i32) -> (i32, i32) {
    %c0_i32 = arith.constant 0 : i32
    %c0_i32_0 = arith.constant 0 : i32
    %c0_i32_1 = arith.constant 0 : i32
    return %c0_i32, %c0_i32_0 : i32, i32
  }
  func.func @transform_2(%arg0: i32) -> (i32, i32) {
    %c0_i32 = arith.constant 0 : i32
    %c0_i32_0 = arith.constant 0 : i32
    %c0_i32_1 = arith.constant 0 : i32
    return %c0_i32, %c0_i32_0 : i32, i32
  }
  func.func @transform_3(%arg0: i32) -> (i32, i32) {
    %c0_i32 = arith.constant 0 : i32
    %c0_i32_0 = arith.constant 0 : i32
    %c0_i32_1 = arith.constant 0 : i32
    return %c0_i32, %c0_i32_0 : i32, i32
  }
  func.func @transform_4(%arg0: i32) -> (i32, i32) {
    %c0_i32 = arith.constant 0 : i32
    %c0_i32_0 = arith.constant 0 : i32
    return %arg0, %c0_i32 : i32, i32
  }
  func.func @transform_5(%arg0: i32) -> (i32, i32) {
    %c0_i32 = arith.constant 0 : i32
    %c0_i32_0 = arith.constant 0 : i32
    return %arg0, %c0_i32 : i32, i32
  }
  func.func @transform_6(%arg0: i32) -> (i32, i32) {
    %c0_i32 = arith.constant 0 : i32
    %c0_i32_0 = arith.constant 0 : i32
    return %arg0, %c0_i32 : i32, i32
  }
  func.func @transform_7(%arg0: i32) -> (i32, i32) {
    %c0_i32 = arith.constant 0 : i32
    %c0_i32_0 = arith.constant 0 : i32
    return %arg0, %c0_i32 : i32, i32
  }
}

module attributes {stable_mosaic.version = 14 : i64} {
  func.func @_ffn_body(%arg0: i32, %arg1: memref<256x768xf32, #tpu.memory_space<vmem>>, %arg2: memref<1x768x768xf32, #tpu.memory_space<vmem>>, %arg3: memref<1x1x768xf32, #tpu.memory_space<vmem>>, %arg4: memref<1x768x768xf32, #tpu.memory_space<vmem>>, %arg5: memref<1x1x768xf32, #tpu.memory_space<vmem>>, %arg6: memref<256x768xf32, #tpu.memory_space<vmem>>) attributes {dimension_semantics = [#tpu.dimension_semantics<arbitrary>], iteration_bounds = array<i64: 64>, scalar_prefetch = 0 : i64, scratch_operands = 0 : i64, tpu.core_type = #tpu.core_type<tc>, window_params = [{transform_indices = @transform_0, window_bounds = array<i64: 256, 768>}, {transform_indices = @transform_1, window_bounds = array<i64: 1, 768, 768>}, {transform_indices = @transform_2, window_bounds = array<i64: 1, 1, 768>}, {transform_indices = @transform_3, window_bounds = array<i64: 1, 768, 768>}, {transform_indices = @transform_4, window_bounds = array<i64: 1, 1, 768>}, {transform_indices = @transform_5, window_bounds = array<i64: 256, 768>}]} {
    %get3A = arith.constant 0 : index
    %get3A_0 = arith.constant 0 : index
    %get3A_1 = vector.load %arg1[%get3A, %get3A_0] : memref<256x768xf32, #tpu.memory_space<vmem>>, vector<256x768xf32>
    %get3A_2 = arith.constant 0 : index
    %get3A_3 = arith.constant 0 : index
    %get3A_4 = arith.constant 0 : index
    %get3A_5 = vector.load %arg2[%get3A_2, %get3A_3, %get3A_4] : memref<1x768x768xf32, #tpu.memory_space<vmem>>, vector<1x768x768xf32>
    %get3A_6 = vector.shape_cast %get3A_5 : vector<1x768x768xf32> to vector<768x768xf32>
    %dot_general3A = arith.constant dense<0.000000e+00> : vector<256x768xf32>
    %dot_general3A_7 = tpu.matmul %get3A_1, %get3A_6, %dot_general3A {dimension_numbers = #tpu.dot_dimension_numbers<[1], [0], [0], [1], [0, 0, 1, 1], [], []>, transpose_lhs_hint = false} : vector<256x768xf32>, vector<768x768xf32>, vector<256x768xf32> -> vector<256x768xf32>
    %get3A_8 = arith.constant 0 : index
    %get3A_9 = arith.constant 0 : index
    %get3A_10 = arith.constant 0 : index
    %get3A_11 = vector.load %arg3[%get3A_8, %get3A_9, %get3A_10] : memref<1x1x768xf32, #tpu.memory_space<vmem>>, vector<1x1x768xf32>
    %get3A_12 = vector.shape_cast %get3A_11 : vector<1x1x768xf32> to vector<1x768xf32>
    %add3A = vector.broadcast %get3A_12 : vector<1x768xf32> to vector<256x768xf32>
    %add3A_13 = arith.addf %dot_general3A_7, %add3A : vector<256x768xf32>
    %max3A = arith.constant 0.000000e+00 : f32
    %max3A_14 = vector.broadcast %max3A : f32 to vector<256x768xf32>
    %max3A_15 = arith.maximumf %add3A_13, %max3A_14 : vector<256x768xf32>
    %get3A_16 = arith.constant 0 : index
    %get3A_17 = arith.constant 0 : index
    %get3A_18 = arith.constant 0 : index
    %get3A_19 = vector.load %arg4[%get3A_16, %get3A_17, %get3A_18] : memref<1x768x768xf32, #tpu.memory_space<vmem>>, vector<1x768x768xf32>
    %get3A_20 = vector.shape_cast %get3A_19 : vector<1x768x768xf32> to vector<768x768xf32>
    %dot_general3A_21 = arith.constant dense<0.000000e+00> : vector<256x768xf32>
    %dot_general3A_22 = tpu.matmul %max3A_15, %get3A_20, %dot_general3A_21 {dimension_numbers = #tpu.dot_dimension_numbers<[1], [0], [0], [1], [0, 0, 1, 1], [], []>, transpose_lhs_hint = false} : vector<256x768xf32>, vector<768x768xf32>, vector<256x768xf32> -> vector<256x768xf32>
    %get3A_23 = arith.constant 0 : index
    %get3A_24 = arith.constant 0 : index
    %get3A_25 = arith.constant 0 : index
    %get3A_26 = vector.load %arg5[%get3A_23, %get3A_24, %get3A_25] : memref<1x1x768xf32, #tpu.memory_space<vmem>>, vector<1x1x768xf32>
    %get3A_27 = vector.shape_cast %get3A_26 : vector<1x1x768xf32> to vector<1x768xf32>
    %add3A_28 = vector.broadcast %get3A_27 : vector<1x768xf32> to vector<256x768xf32>
    %add3A_29 = arith.addf %dot_general3A_22, %add3A_28 : vector<256x768xf32>
    %swap3A = arith.constant 0 : index
    %swap3A_30 = arith.constant 0 : index
    %swap3A_31 = vector.load %arg6[%swap3A, %swap3A_30] : memref<256x768xf32, #tpu.memory_space<vmem>>, vector<256x768xf32>
    tpu.vector_store %arg6[%swap3A, %swap3A_30], %add3A_29 {strides = array<i32>} : memref<256x768xf32, #tpu.memory_space<vmem>>, vector<256x768xf32>,
    return
  }
  func.func @transform_0(%arg0: i32) -> (i32, i32) {
    %c0_i32 = arith.constant 0 : i32
    %c0_i32_0 = arith.constant 0 : i32
    return %arg0, %c0_i32 : i32, i32
  }
  func.func @transform_1(%arg0: i32) -> (i32, i32, i32) {
    %c0_i32 = arith.constant 0 : i32
    %c0_i32_0 = arith.constant 0 : i32
    %c0_i32_1 = arith.constant 0 : i32
    return %arg0, %c0_i32, %c0_i32_0 : i32, i32, i32
  }
  func.func @transform_2(%arg0: i32) -> (i32, i32, i32) {
    %c0_i32 = arith.constant 0 : i32
    %c0_i32_0 = arith.constant 0 : i32
    %c0_i32_1 = arith.constant 0 : i32
    return %arg0, %c0_i32, %c0_i32_0 : i32, i32, i32
  }
  func.func @transform_3(%arg0: i32) -> (i32, i32, i32) {
    %c0_i32 = arith.constant 0 : i32
    %c0_i32_0 = arith.constant 0 : i32
    %c0_i32_1 = arith.constant 0 : i32
    return %arg0, %c0_i32, %c0_i32_0 : i32, i32, i32
  }
  func.func @transform_4(%arg0: i32) -> (i32, i32, i32) {
    %c0_i32 = arith.constant 0 : i32
    %c0_i32_0 = arith.constant 0 : i32
    %c0_i32_1 = arith.constant 0 : i32
    return %arg0, %c0_i32, %c0_i32_0 : i32, i32, i32
  }
  func.func @transform_5(%arg0: i32) -> (i32, i32) {
    %c0_i32 = arith.constant 0 : i32
    %c0_i32_0 = arith.constant 0 : i32
    return %arg0, %c0_i32 : i32, i32
  }
}

module attributes {stable_mosaic.version = 14 : i64} {
  func.func @_res_body(%arg0: i32, %arg1: memref<1024x768xf32, #tpu.memory_space<vmem>>, %arg2: memref<1024x1xf32, #tpu.memory_space<vmem>>, %arg3: memref<768x768xf32, #tpu.memory_space<vmem>>, %arg4: memref<1x768xf32, #tpu.memory_space<vmem>>, %arg5: memref<768x768xf32, #tpu.memory_space<vmem>>, %arg6: memref<1x768xf32, #tpu.memory_space<vmem>>, %arg7: memref<768x2xf32, #tpu.memory_space<vmem>>, %arg8: memref<1x2xf32, #tpu.memory_space<vmem>>, %arg9: memref<1024x768xf32, #tpu.memory_space<vmem>>, %arg10: memref<1024x1xf32, #tpu.memory_space<vmem>>) attributes {dimension_semantics = [#tpu.dimension_semantics<arbitrary>], iteration_bounds = array<i64: 16>, scalar_prefetch = 0 : i64, scratch_operands = 0 : i64, tpu.core_type = #tpu.core_type<tc>, window_params = [{transform_indices = @transform_0, window_bounds = array<i64: 1024, 768>}, {transform_indices = @transform_1, window_bounds = array<i64: 1024, 1>}, {pipeline_mode = #tpu.pipeline_mode<synchronous>, transform_indices = @transform_2, window_bounds = array<i64: 768, 768>}, {pipeline_mode = #tpu.pipeline_mode<synchronous>, transform_indices = @transform_3, window_bounds = array<i64: 1, 768>}, {pipeline_mode = #tpu.pipeline_mode<synchronous>, transform_indices = @transform_4, window_bounds = array<i64: 768, 768>}, {pipeline_mode = #tpu.pipeline_mode<synchronous>, transform_indices = @transform_5, window_bounds = array<i64: 1, 768>}, {pipeline_mode = #tpu.pipeline_mode<synchronous>, transform_indices = @transform_6, window_bounds = array<i64: 768, 2>}, {pipeline_mode = #tpu.pipeline_mode<synchronous>, transform_indices = @transform_7, window_bounds = array<i64: 1, 2>}, {transform_indices = @transform_8, window_bounds = array<i64: 1024, 768>}, {transform_indices = @transform_9, window_bounds = array<i64: 1024, 1>}]} {
    %get3A = arith.constant 0 : index
    %get3A_0 = arith.constant 0 : index
    %get3A_1 = vector.load %arg1[%get3A, %get3A_0] : memref<1024x768xf32, #tpu.memory_space<vmem>>, vector<1024x768xf32>
    %get3A_2 = arith.constant 0 : index
    %get3A_3 = arith.constant 0 : index
    %get3A_4 = vector.load %arg3[%get3A_2, %get3A_3] : memref<768x768xf32, #tpu.memory_space<vmem>>, vector<768x768xf32>
    %dot_general3A = arith.constant dense<0.000000e+00> : vector<1024x768xf32>
    %dot_general3A_5 = tpu.matmul %get3A_1, %get3A_4, %dot_general3A {dimension_numbers = #tpu.dot_dimension_numbers<[1], [0], [0], [1], [0, 0, 1, 1], [], []>, transpose_lhs_hint = false} : vector<1024x768xf32>, vector<768x768xf32>, vector<1024x768xf32> -> vector<1024x768xf32>
    %get3A_6 = arith.constant 0 : index
    %get3A_7 = arith.constant 0 : index
    %get3A_8 = vector.load %arg4[%get3A_6, %get3A_7] : memref<1x768xf32, #tpu.memory_space<vmem>>, vector<1x768xf32>
    %add3A = vector.broadcast %get3A_8 : vector<1x768xf32> to vector<1024x768xf32>
    %add3A_9 = arith.addf %dot_general3A_5, %add3A : vector<1024x768xf32>
    %max3A = arith.constant 0.000000e+00 : f32
    %max3A_10 = vector.broadcast %max3A : f32 to vector<1024x768xf32>
    %max3A_11 = arith.maximumf %add3A_9, %max3A_10 : vector<1024x768xf32>
    %get3A_12 = arith.constant 0 : index
    %get3A_13 = arith.constant 0 : index
    %get3A_14 = vector.load %arg5[%get3A_12, %get3A_13] : memref<768x768xf32, #tpu.memory_space<vmem>>, vector<768x768xf32>
    %dot_general3A_15 = arith.constant dense<0.000000e+00> : vector<1024x768xf32>
    %dot_general3A_16 = tpu.matmul %max3A_11, %get3A_14, %dot_general3A_15 {dimension_numbers = #tpu.dot_dimension_numbers<[1], [0], [0], [1], [0, 0, 1, 1], [], []>, transpose_lhs_hint = false} : vector<1024x768xf32>, vector<768x768xf32>, vector<1024x768xf32> -> vector<1024x768xf32>
    %get3A_17 = arith.constant 0 : index
    %get3A_18 = arith.constant 0 : index
    %get3A_19 = vector.load %arg6[%get3A_17, %get3A_18] : memref<1x768xf32, #tpu.memory_space<vmem>>, vector<1x768xf32>
    %add3A_20 = vector.broadcast %get3A_19 : vector<1x768xf32> to vector<1024x768xf32>
    %add3A_21 = arith.addf %dot_general3A_16, %add3A_20 : vector<1024x768xf32>
    %get3A_22 = arith.constant 0 : index
    %get3A_23 = arith.constant 0 : index
    %get3A_24 = vector.load %arg7[%get3A_22, %get3A_23] : memref<768x2xf32, #tpu.memory_space<vmem>>, vector<768x2xf32>
    %dot_general3A_25 = arith.constant dense<0.000000e+00> : vector<1024x2xf32>
    %dot_general3A_26 = tpu.matmul %get3A_1, %get3A_24, %dot_general3A_25 {dimension_numbers = #tpu.dot_dimension_numbers<[1], [0], [0], [1], [0, 0, 1, 1], [], []>, transpose_lhs_hint = false} : vector<1024x768xf32>, vector<768x2xf32>, vector<1024x2xf32> -> vector<1024x2xf32>
    %get3A_27 = arith.constant 0 : index
    %get3A_28 = arith.constant 0 : index
    %get3A_29 = vector.load %arg8[%get3A_27, %get3A_28] : memref<1x2xf32, #tpu.memory_space<vmem>>, vector<1x2xf32>
    %add3A_30 = vector.broadcast %get3A_29 : vector<1x2xf32> to vector<1024x2xf32>
    %add3A_31 = arith.addf %dot_general3A_26, %add3A_30 : vector<1024x2xf32>
    %reduce_max3A = arith.constant dense<0xFF800000> : vector<1024xf32>
    %reduce_max3A_32 = vector.multi_reduction <maximumf>, %add3A_31, %reduce_max3A [1] : vector<1024x2xf32> to vector<1024xf32>
    %broadcast_in_dim3A = vector.shape_cast %reduce_max3A_32 : vector<1024xf32> to vector<1024x1xf32>
    %sub3A = vector.broadcast %broadcast_in_dim3A : vector<1024x1xf32> to vector<1024x2xf32>
    %sub3A_33 = arith.subf %add3A_31, %sub3A : vector<1024x2xf32>
    %exp3A = math.exp %sub3A_33 : vector<1024x2xf32>
    %reduce_sum3A = arith.constant dense<0.000000e+00> : vector<1024xf32>
    %reduce_sum3A_34 = vector.multi_reduction <add>, %exp3A, %reduce_sum3A [1] : vector<1024x2xf32> to vector<1024xf32>
    %broadcast_in_dim3A_35 = vector.shape_cast %reduce_sum3A_34 : vector<1024xf32> to vector<1024x1xf32>
    %div3A = vector.broadcast %broadcast_in_dim3A_35 : vector<1024x1xf32> to vector<1024x2xf32>
    %div3A_36 = arith.divf %exp3A, %div3A : vector<1024x2xf32>
    %slice3A = vector.extract_strided_slice %div3A_36 {offsets = [0, 1], sizes = [1024, 1], strides = [1, 1]} : vector<1024x2xf32> to vector<1024x1xf32>
    %mul3A = vector.broadcast %slice3A : vector<1024x1xf32> to vector<1024x768xf32>
    %mul3A_37 = arith.mulf %add3A_21, %mul3A : vector<1024x768xf32>
    %swap3A = arith.constant 0 : index
    %swap3A_38 = arith.constant 0 : index
    %swap3A_39 = vector.load %arg9[%swap3A, %swap3A_38] : memref<1024x768xf32, #tpu.memory_space<vmem>>, vector<1024x768xf32>
    tpu.vector_store %arg9[%swap3A, %swap3A_38], %mul3A_37 {strides = array<i32>} : memref<1024x768xf32, #tpu.memory_space<vmem>>, vector<1024x768xf32>,
    %get3A_40 = arith.constant 0 : index
    %get3A_41 = arith.constant 0 : index
    %get3A_42 = vector.load %arg2[%get3A_40, %get3A_41] : memref<1024x1xf32, #tpu.memory_space<vmem>>, vector<1024x1xf32>
    %slice3A_43 = vector.extract_strided_slice %div3A_36 {offsets = [0, 0], sizes = [1024, 1], strides = [1, 1]} : vector<1024x2xf32> to vector<1024x1xf32>
    %mul3A_44 = arith.mulf %get3A_42, %slice3A_43 : vector<1024x1xf32>
    %swap3A_45 = arith.constant 0 : index
    %swap3A_46 = arith.constant 0 : index
    %swap3A_47 = vector.load %arg10[%swap3A_45, %swap3A_46] : memref<1024x1xf32, #tpu.memory_space<vmem>>, vector<1024x1xf32>
    tpu.vector_store %arg10[%swap3A_45, %swap3A_46], %mul3A_44 {strides = array<i32>} : memref<1024x1xf32, #tpu.memory_space<vmem>>, vector<1024x1xf32>,
    return
  }
  func.func @transform_0(%arg0: i32) -> (i32, i32) {
    %c0_i32 = arith.constant 0 : i32
    %c0_i32_0 = arith.constant 0 : i32
    return %arg0, %c0_i32 : i32, i32
  }
  func.func @transform_1(%arg0: i32) -> (i32, i32) {
    %c0_i32 = arith.constant 0 : i32
    %c0_i32_0 = arith.constant 0 : i32
    return %arg0, %c0_i32 : i32, i32
  }
  func.func @transform_2(%arg0: i32) -> (i32, i32) {
    %c0_i32 = arith.constant 0 : i32
    %c0_i32_0 = arith.constant 0 : i32
    %c0_i32_1 = arith.constant 0 : i32
    return %c0_i32, %c0_i32_0 : i32, i32
  }
  func.func @transform_3(%arg0: i32) -> (i32, i32) {
    %c0_i32 = arith.constant 0 : i32
    %c0_i32_0 = arith.constant 0 : i32
    %c0_i32_1 = arith.constant 0 : i32
    return %c0_i32, %c0_i32_0 : i32, i32
  }
  func.func @transform_4(%arg0: i32) -> (i32, i32) {
    %c0_i32 = arith.constant 0 : i32
    %c0_i32_0 = arith.constant 0 : i32
    %c0_i32_1 = arith.constant 0 : i32
    return %c0_i32, %c0_i32_0 : i32, i32
  }
  func.func @transform_5(%arg0: i32) -> (i32, i32) {
    %c0_i32 = arith.constant 0 : i32
    %c0_i32_0 = arith.constant 0 : i32
    %c0_i32_1 = arith.constant 0 : i32
    return %c0_i32, %c0_i32_0 : i32, i32
  }
  func.func @transform_6(%arg0: i32) -> (i32, i32) {
    %c0_i32 = arith.constant 0 : i32
    %c0_i32_0 = arith.constant 0 : i32
    %c0_i32_1 = arith.constant 0 : i32
    return %c0_i32, %c0_i32_0 : i32, i32
  }
  func.func @transform_7(%arg0: i32) -> (i32, i32) {
    %c0_i32 = arith.constant 0 : i32
    %c0_i32_0 = arith.constant 0 : i32
    %c0_i32_1 = arith.constant 0 : i32
    return %c0_i32, %c0_i32_0 : i32, i32
  }
  func.func @transform_8(%arg0: i32) -> (i32, i32) {
    %c0_i32 = arith.constant 0 : i32
    %c0_i32_0 = arith.constant 0 : i32
    return %arg0, %c0_i32 : i32, i32
  }
  func.func @transform_9(%arg0: i32) -> (i32, i32) {
    %c0_i32 = arith.constant 0 : i32
    %c0_i32_0 = arith.constant 0 : i32
    return %arg0, %c0_i32 : i32, i32
  }
}

module attributes {stable_mosaic.version = 14 : i64} {
  func.func @_combine_body(%arg0: i32, %arg1: memref<1024x768xf32, #tpu.memory_space<vmem>>, %arg2: memref<1024x1xf32, #tpu.memory_space<vmem>>, %arg3: memref<1024x768xf32, #tpu.memory_space<vmem>>, %arg4: memref<768x768xf32, #tpu.memory_space<vmem>>, %arg5: memref<1x768xf32, #tpu.memory_space<vmem>>, %arg6: memref<1024x768xf32, #tpu.memory_space<vmem>>) attributes {dimension_semantics = [#tpu.dimension_semantics<arbitrary>], iteration_bounds = array<i64: 16>, scalar_prefetch = 0 : i64, scratch_operands = 0 : i64, tpu.core_type = #tpu.core_type<tc>, window_params = [{transform_indices = @transform_0, window_bounds = array<i64: 1024, 768>}, {transform_indices = @transform_1, window_bounds = array<i64: 1024, 1>}, {transform_indices = @transform_2, window_bounds = array<i64: 1024, 768>}, {pipeline_mode = #tpu.pipeline_mode<synchronous>, transform_indices = @transform_3, window_bounds = array<i64: 768, 768>}, {pipeline_mode = #tpu.pipeline_mode<synchronous>, transform_indices = @transform_4, window_bounds = array<i64: 1, 768>}, {transform_indices = @transform_5, window_bounds = array<i64: 1024, 768>}]} {
    %get3A = arith.constant 0 : index
    %get3A_0 = arith.constant 0 : index
    %get3A_1 = vector.load %arg1[%get3A, %get3A_0] : memref<1024x768xf32, #tpu.memory_space<vmem>>, vector<1024x768xf32>
    %get3A_2 = arith.constant 0 : index
    %get3A_3 = arith.constant 0 : index
    %get3A_4 = vector.load %arg2[%get3A_2, %get3A_3] : memref<1024x1xf32, #tpu.memory_space<vmem>>, vector<1024x1xf32>
    %mul3A = vector.broadcast %get3A_4 : vector<1024x1xf32> to vector<1024x768xf32>
    %mul3A_5 = arith.mulf %get3A_1, %mul3A : vector<1024x768xf32>
    %get3A_6 = arith.constant 0 : index
    %get3A_7 = arith.constant 0 : index
    %get3A_8 = vector.load %arg3[%get3A_6, %get3A_7] : memref<1024x768xf32, #tpu.memory_space<vmem>>, vector<1024x768xf32>
    %add3A = arith.addf %mul3A_5, %get3A_8 : vector<1024x768xf32>
    %get3A_9 = arith.constant 0 : index
    %get3A_10 = arith.constant 0 : index
    %get3A_11 = vector.load %arg4[%get3A_9, %get3A_10] : memref<768x768xf32, #tpu.memory_space<vmem>>, vector<768x768xf32>
    %dot_general3A = arith.constant dense<0.000000e+00> : vector<1024x768xf32>
    %dot_general3A_12 = tpu.matmul %add3A, %get3A_11, %dot_general3A {dimension_numbers = #tpu.dot_dimension_numbers<[1], [0], [0], [1], [0, 0, 1, 1], [], []>, transpose_lhs_hint = false} : vector<1024x768xf32>, vector<768x768xf32>, vector<1024x768xf32> -> vector<1024x768xf32>
    %get3A_13 = arith.constant 0 : index
    %get3A_14 = arith.constant 0 : index
    %get3A_15 = vector.load %arg5[%get3A_13, %get3A_14] : memref<1x768xf32, #tpu.memory_space<vmem>>, vector<1x768xf32>
    %add3A_16 = vector.broadcast %get3A_15 : vector<1x768xf32> to vector<1024x768xf32>
    %add3A_17 = arith.addf %dot_general3A_12, %add3A_16 : vector<1024x768xf32>
    %swap3A = arith.constant 0 : index
    %swap3A_18 = arith.constant 0 : index
    %swap3A_19 = vector.load %arg6[%swap3A, %swap3A_18] : memref<1024x768xf32, #tpu.memory_space<vmem>>, vector<1024x768xf32>
    tpu.vector_store %arg6[%swap3A, %swap3A_18], %add3A_17 {strides = array<i32>} : memref<1024x768xf32, #tpu.memory_space<vmem>>, vector<1024x768xf32>,
    return
  }
  func.func @transform_0(%arg0: i32) -> (i32, i32) {
    %c0_i32 = arith.constant 0 : i32
    %c0_i32_0 = arith.constant 0 : i32
    return %arg0, %c0_i32 : i32, i32
  }
  func.func @transform_1(%arg0: i32) -> (i32, i32) {
    %c0_i32 = arith.constant 0 : i32
    %c0_i32_0 = arith.constant 0 : i32
    return %arg0, %c0_i32 : i32, i32
  }
  func.func @transform_2(%arg0: i32) -> (i32, i32) {
    %c0_i32 = arith.constant 0 : i32
    %c0_i32_0 = arith.constant 0 : i32
    return %arg0, %c0_i32 : i32, i32
  }
  func.func @transform_3(%arg0: i32) -> (i32, i32) {
    %c0_i32 = arith.constant 0 : i32
    %c0_i32_0 = arith.constant 0 : i32
    %c0_i32_1 = arith.constant 0 : i32
    return %c0_i32, %c0_i32_0 : i32, i32
  }
  func.func @transform_4(%arg0: i32) -> (i32, i32) {
    %c0_i32 = arith.constant 0 : i32
    %c0_i32_0 = arith.constant 0 : i32
    %c0_i32_1 = arith.constant 0 : i32
    return %c0_i32, %c0_i32_0 : i32, i32
  }
  func.func @transform_5(%arg0: i32) -> (i32, i32) {
    %c0_i32 = arith.constant 0 : i32
    %c0_i32_0 = arith.constant 0 : i32
    return %arg0, %c0_i32 : i32, i32
  }
}

</mosaic_0001>

<sc_bundles>
// kernel: kernel.11.cloned.1.call-start
scs
__scs_entry_jumppad:
0x0: {  	(pc) =	sbr.rel $0x88, $3  }
0x1: {  	(tag) =	ssettag $0x0;
	lr =	simm.s32 $0x1  }
0x2: {  	[smem:$0x3F91] =	sst lr;
	_ =	strace $0xD0000000  }
0x3: {  	_ = 	snop  }
0x4: {  	_ = 	snop  }
0x5: {  	_ = 	snop  }
0x6: {  	_ = 	snop  }
0x7: {  	_ = 	snop  }
__scs_overlays_trampoline_lowered:
0x8: {  	[smem:$0x3FA0] =	sst s0  }
0x9: {  	[smem:$0x3FA1] =	sst s1  }
0xa: {  	[smem:$0x3FA2] =	sst s2  }
0xb: {  	[smem:$0x3FA3] =	sst s3  }
0xc: {  	[smem:$0x3FA4] =	sst s4  }
0xd: {  	[smem:$0x3FA5] =	sst s5  }
0xe: {  	[smem:$0x3FA6] =	sst s6  }
0xf: {  	[smem:$0x3FA7] =	sst s7  }
0x10: {  	[smem:$0x3FA8] =	sst s8  }
0x11: {  	[smem:$0x3FA9] =	sst s9;
	s0 =	simm.s32 @!p0 $0x0  }
0x12: {  	s1 =	sld [smem:$0x3F8F];
	s0 =	simm.s32 @p0 $0x1  }
0x13: {  	[smem:$0x3FAA] =	sst s0;
	s0 =	simm.s32 @!p1 $0x0  }
0x14: {  	s2 =	sld [smem:$0x3F8E];
	s0 =	simm.s32 @p1 $0x1  }
0x15: {  	[smem:$0x3FAB] =	sst s0;
	s0 =	simm.s32 @!p2 $0x0  }
0x16: {  	s3 =	sld [smem:$0x3FDB];
	s0 =	simm.s32 @p2 $0x1  }
0x17: {  	s4 =	simm.s32 $0x1BF5;
	[smem:$0x3FAD] =	sst s0  }
0x18: {  	s0 =	sld [smem:$0x3F90];
	_ =	swait.ge [sflag:s4], $0x0  }
0x19: {  	s7 =	sld [smem:$0x3F91]  }
0x1a: {  	s8 =	sadd.s32 $0xFFFFE003, lr  }
0x1b: {  	s9 =	sadd.s32 $0xFFFFFEF7, lr;
	s5 =	simm.s32 $0xFFFFFFFF;
	p2 =	slt.u32 s8, $0xFFFFF086  }
0x1c: {  	p1 =	slt.u32 s9, $0xF7A;
	s5 =	simm.s32 @!p2 $0x0  }
0x1d: {  	s5 =	simm.s32 @p1 $0x1;
	p0 =	seq.s32 s7, s2  }
0x1e: {  	s7 =	smul.u32 @!p0 $0xF7A, s2;
	p2 =	seq.s32 @!p0 s5, $0x0  }
0x1f: {  	s9 =	smul.u32 $0xF7A, s1;
	s8 =	simm.s32 @!p0 $0x1BF5;
	p2 =	por !p2, p0  }
0x20: {  	[sflag:s8] =	ssyncset.s32 @!p0 $0xFFFFF086;
	s6 =	sadd.s32 @!p0 s3, s7;
	s7 =	simm.s32 @!p0 $0x108  }
0x21: {  	s3 =	sadd.s32 s3, s9;
	s6 =	sadd.s32 @!p0 $0x88, s6;
	s7 =	simm.s32 @p2 $0x1082  }
0x22: {  	[simem:s7], [sflag:s8] =	dma.local @!p0 [hbm:s6], $0xF7A  }
0x23: {  	s9 =	sor.u32 $0xD0000000, s2;
	s6 =	simm.s32 $0x108;
	_ =	swait.ge @!p0 [sflag:s8], $0x0  }
0x24: {  	s3 =	sadd.s32 $0x88, s3;
	s6 =	simm.s32 @!p1 $0x1082;
	[sflag:s4] =	ssyncset.s32 $0xFFFFF086  }
0x25: {  	[simem:s6], [sflag:s4] =	dma.local [hbm:s3], $0xF7A  }
0x26: {  	[smem:$0x3F91] =	sst s1;
	(tag) =	ssettag s2;
	_ =	strace s9  }
0x27: {  	s1 =	sld [smem:$0x3FA1]  }
0x28: {  	s2 =	sld [smem:$0x3FA2]  }
0x29: {  	s4 =	sld [smem:$0x3FA4]  }
0x2a: {  	p0 =	seq.s32 s5, $0x0;
	s5 =	sld [smem:$0x3FA5]  }
0x2b: {  	s6 =	sld [smem:$0x3FA6]  }
0x2c: {  	s7 =	sld [smem:$0x3FA7]  }
0x2d: {  	s3 =	simm.s32 $0x108;
	s8 =	sld [smem:$0x3FA8]  }
0x2e: {  	s3 =	simm.s32 @!p0 $0x1082;
	s9 =	sld [smem:$0x3FA9]  }
0x2f: {  	lr =	sadd.s32 s0, s3;
	s0 =	sld [smem:$0x3FA0]  }
0x30: {  	s3 =	sld [smem:$0x3FA3]  }
0x31: {  	[smem:$0x3FAC] =	sst s10  }
0x32: {  	s10 =	sld [smem:$0x3FAA];
	_ =	sdelay $0x3  }
0x33: {  	p0 =	seq.s32 s10, $0x1;
	s10 =	sld [smem:$0x3FAC];
	_ =	sdelay $0x3  }
0x34: {  	[smem:$0x3FAC] =	sst s10  }
0x35: {  	s10 =	sld [smem:$0x3FAB];
	_ =	sdelay $0x3  }
0x36: {  	p1 =	seq.s32 s10, $0x1;
	s10 =	sld [smem:$0x3FAC];
	_ =	sdelay $0x3  }
0x37: {  	[smem:$0x3FAC] =	sst s10  }
0x38: {  	s10 =	sld [smem:$0x3FAD]  }
0x39: {  	_ = 	snop;
	(pc) =	sbr.ind lr, $3  }
0x3a: {  	_ = 	snop  }
0x3b: {  	_ = 	snop  }
0x3c: {  	p2 =	seq.s32 s10, $0x1;
	s10 =	sld [smem:$0x3FAC]  }
0x3d: {  	_ =	shalt  }
0x3e: {  	_ =	shalt  }
0x3f: {  	_ =	shalt  }
0x40: {  	_ =	shalt  }
0x41: {  	_ =	shalt  }
0x42: {  	_ =	shalt  }
0x43: {  	_ =	shalt  }
0x44: {  	_ =	shalt  }
0x45: {  	_ =	shalt  }
0x46: {  	_ =	shalt  }
0x47: {  	_ =	shalt  }
0x48: {  	_ =	shalt  }
0x49: {  	_ =	shalt  }
0x4a: {  	_ =	shalt  }
0x4b: {  	_ =	shalt  }
0x4c: {  	_ =	shalt  }
0x4d: {  	_ =	shalt  }
0x4e: {  	_ =	shalt  }
0x4f: {  	_ =	shalt  }
0x50: {  	_ =	shalt  }
0x51: {  	_ =	shalt  }
0x52: {  	_ =	shalt  }
0x53: {  	_ =	shalt  }
0x54: {  	_ =	shalt  }
0x55: {  	_ =	shalt  }
0x56: {  	_ =	shalt  }
0x57: {  	_ =	shalt  }
0x58: {  	_ =	shalt  }
0x59: {  	_ =	shalt  }
0x5a: {  	_ =	shalt  }
0x5b: {  	_ =	shalt  }
0x5c: {  	_ =	shalt  }
0x5d: {  	_ =	shalt  }
0x5e: {  	_ =	shalt  }
0x5f: {  	_ =	shalt  }
0x60: {  	_ =	shalt  }
0x61: {  	_ =	shalt  }
0x62: {  	_ =	shalt  }
0x63: {  	_ =	shalt  }
0x64: {  	_ =	shalt  }
0x65: {  	_ =	shalt  }
0x66: {  	_ =	shalt  }
0x67: {  	_ =	shalt  }
0x68: {  	_ =	shalt  }
0x69: {  	_ =	shalt  }
0x6a: {  	_ =	shalt  }
0x6b: {  	_ =	shalt  }
0x6c: {  	_ =	shalt  }
0x6d: {  	_ =	shalt  }
0x6e: {  	_ =	shalt  }
0x6f: {  	_ =	shalt  }
0x70: {  	_ =	shalt  }
0x71: {  	_ =	shalt  }
0x72: {  	_ =	shalt  }
0x73: {  	_ =	shalt  }
0x74: {  	_ =	shalt  }
0x75: {  	_ =	shalt  }
0x76: {  	_ =	shalt  }
0x77: {  	_ =	shalt  }
0x78: {  	_ =	shalt  }
0x79: {  	_ =	shalt  }
0x7a: {  	_ =	shalt  }
0x7b: {  	_ =	shalt  }
0x7c: {  	_ =	shalt  }
0x7d: {  	_ =	shalt  }
0x7e: {  	_ =	shalt  }
0x7f: {  	_ =	shalt  }
0x80: {  	_ =	shalt  }
0x81: {  	_ =	shalt  }
0x82: {  	_ =	shalt  }
0x83: {  	_ =	shalt  }
0x84: {  	_ =	shalt  }
0x85: {  	_ =	shalt  }
0x86: {  	_ =	shalt  }
0x87: {  	_ =	shalt  }
.Lfunc_end0:
.L_simem_size_0:
called_computation.1_lowered:
.L_overlay_start_0:
0x88: {  	s2 =	sld [smem:$0x3FD9]  }
0x89: {  	s3 =	sld [smem:$0x3FFE];
	_ =	sdelay $0x1  }
0x8a: {  	s1 =	srdreg.scid  }
0x8b: {  	s0 =	sand.u32 $0x1, s1  }
0x8c: {  	s16 =	sshll.u32 s0, $0xA;
	s2 =	sadd.s32 s3, s2  }
0x8d: {  	s2 =	sadd.s32 s2, s16  }
0x8e: {  	[smem:$0x3FB8] =	sst s2  }
0x8f: {  	_ = 	snop  }
0x90: {  	(tm) =	ssettm $0x1  }
0x91: {  	s17 =	sld [smem:$0x3FFB];
	_ =	sdelay $0x3  }
0x92: {  	_ =	strace s17  }
0x93: {  	s2 =	sld [smem:$0x3FFC];
	_ =	sdelay $0x3  }
0x94: {  	_ =	strace s2  }
0x95: {  	s2 =	sld [smem:$0x3FFD];
	_ =	sdelay $0x3  }
0x96: {  	_ =	strace s2  }
0x97: {  	_ =	strace $0x8FFFFFFF  }
0x98: {  	s18 =	sld [smem:$0x3FDB];
	_ =	sdelay $0x1  }
0x99: {  	s19 =	simm.s32 $_scs_section_size  }
0x9a: {  	s4 =	simm.s32 $_size__tile_overlayer_lowered;
	s5 =	simm.s32 $_tile_overlayer_lowered  }
0x9b: {  	s22 =	simm.s32 $0x1BFF;
	s21 =	sshll.u32 s5, $0x1;
	s2 =	sadd.s32 s19, s18  }
0x9c: {  	s6 =	simm.s32 $0x0;
	s20 =	sshll.u32 s4, $0x1;
	s4 =	sadd.s32 s21, s2  }
0x9d: {  	[timem:s6], [sflag:s22] =	dma.local [hbm:s4], s20  }
0x9e: {  	_ =	swait.ge [sflag:s22], s20  }
0x9f: {  	s3 =	ssub.s32 $0x0, s20;
	[sflag:s22] =	ssyncset.done $0x0  }
0xa0: {  	[sflag:s22] =	ssyncadd.s32 s3;
	_ =	sdelay $0x1  }
0xa1: {  	s23 =	simm.s32 $0x1B8B  }
0xa2: {  	_ =	swait.ge [sflag:s23], $0x1  }
0xa3: {  	[sflag:s23] =	ssyncset.done $0x0  }
0xa4: {  	s25 =	simm.s32 $0x1B8E;
	s24 =	sld [smem:$0x3FFE];
	[sflag:s23] =	ssyncadd.s32 $0xFFFFFFFF  }
0xa5: {  	s26 =	simm.s32 $execute0_lowered;
	[smem:$0x3FD2] =	sst s25  }
0xa6: {  	s4 =	sshll.u32 s26, $0x1;
	_ =	strace $0x80000049;
	[dreg:$0x1] =	wrdreg $0xFFFFFFFF  }
0xa7: {  	s28 =	simm.s32 $_size_execute0_lowered;
	s2 =	sadd.s32 s2, s4;
	[dreg:$0x0] =	wrdreg $0x0  }
0xa8: {  	s4 =	sshll.u32 s28, $0x1;
	[dreg:$0x2] =	wrdreg s2  }
0xa9: {  	[dreg:$0x3] =	wrdreg s4  }
0xaa: {  	[dreg:$0x4] =	wrdreg $0xC0  }
0xab: {  	_ =	task [dreg:s6], $0x5FFFF  }
0xac: {  	[dreg:$0x1] =	wrdreg $0xFFFFFFFF  }
0xad: {  	[dreg:$0x0] =	wrdreg $0x60  }
0xae: {  	[dreg:$0x2] =	wrdreg s24  }
0xaf: {  	[dreg:$0x3] =	wrdreg $0x9  }
0xb0: {  	_ =	task.clear_ibuf [dreg:s6], $0x4FFFF;
	_ =	strace $0x90000049  }
0xb1: {  	s29 =	simm.s32 $0x9;
	_ =	strace $0x8000004B  }
0xb2: {  	_ =	swait.ge [sflag:s29], $0x1  }
0xb3: {  	[sflag:s29] =	ssyncadd.s32 $0xFFFFFFFF  }
0xb4: {  	_ =	strace $0x9000004B  }
0xb5: {  	_ =	sfence  }
0xb6: {  	s30 =	sld [smem:$0x0];
	_ =	sdelay $0x2  }
0xb7: {  	s31 =	sshll.u32 s1, $0xD;
	s1 =	sshrl.u32 s1, $0x2  }
0xb8: {  	s3 =	sand.u32 $0x4000, s31;
	s1 =	sadd.s32 s1, s30  }
0xb9: {  	s0 =	sor.u32 s3, s0;
	s1 =	sshll.u32 s1, $0x11  }
0xba: {  	s0 =	sor.u32 s1, s0  }
0xbb: {  	s0 =	sadd.s32 $0x8F2B, s0  }
0xbc: {  	[sflag:s0] =	ssyncadd.remote.s32 $0x1  }
0xbd: {  	_ =	sfence.sel $0xFFFF  }
0xbe: {  	[dreg:$0x0] =	wrdreg $0xFFFFFFFF;
	(pc) =	sbr.abs _section_cstart, $3  }
0xbf: {  	[dreg:$0x1] =	wrdreg $0xFFFFFFFF  }
0xc0: {  	_ =	task.clear_ibuf [dreg:s6], $0x2FFFF;
	_ =	strace $0x9FFFFFFF  }
0xc1: {  	(tm) =	ssettm $0x7FFFFFFF  }
tec
execute0_lowered:
.L_overlay_start_1:
0x0: {  	(tag) =	ssettag $0x1  }
0x1: {  	s0 =	rddreg [dreg:$0x0];
	s1 =	srdreg.scid;
	s2 =	simm.s32 $0x0  }
0x2: {  	s3 =	stileid.u32;
	s29 =	simm.s32 $0x80;
	s30 =	simm.s32 $0x100  }
0x3: {  	s31 =	simm.s32 $0x180;
	s16 =	simm.s32 $0x200;
	s1 =	sand.u32 $0x1, s1  }
0x4: {  	[smem:$0x7FF] =	sst s2;
	s3 =	sshll.u32 s3, $0x7;
	s5 =	sadd.s32 $0x1C8200, s0  }
0x5: {  	s8 =	sadd.s32 $0x41A00, s0;
	_ =	strace $0x8000004A;
	[dreg:$0xa] =	wrdreg s29  }
0x6: {  	s4 =	sshll.u32 s1, $0x6;
	s1 =	ssub.s32 $0x2, s1;
	[dreg:$0xb] =	wrdreg s30  }
0x7: {  	[dreg:$0xc] =	wrdreg s31;
	s4 =	sor.u32 s4, s3;
	s3 =	sadd.s32 $0x1C8A00, s0  }
0x8: {  	s25 =	sshrl.u32 s1, $0x1;
	s6 =	sadd.s32 s5, s4;
	s7 =	sor.u32 $0x10, s4  }
0x9: {  	s21 =	sor.u32 $0x20, s4;
	s10 =	sor.u32 $0x30, s4;
	s4 =	smul.u32 $0x300, s4  }
0xa: {  	s1 =	ssub.s32 s1, s25;
	[dreg:$0x2] =	wrdreg s6;
	s20 =	sadd.s32 s5, s7  }
0xb: {  	s9 =	sadd.s32 s5, s21;
	s7 =	smul.u32 $0x300, s7;
	[dreg:$0x3] =	wrdreg s20  }
0xc: {  	s5 =	sadd.s32 s5, s10;
	s22 =	smul.u32 $0x300, s21;
	[dreg:$0x4] =	wrdreg s9  }
0xd: {  	s24 =	smul.u32 $0x300, s10;
	[dreg:$0x5] =	wrdreg s5;
	s4 =	sadd.s32 s8, s4  }
0xe: {  	s6 =	smax.u32 s1, $0x1;
	[dreg:$0x6] =	wrdreg s4;
	s23 =	sadd.s32 s8, s7  }
0xf: {  	v2 =	vlaneseq.u32;
	s1 =	simm.s32 $0x1;
	s26 =	sadd.s32 s8, s22;
	[dreg:$0x7] =	wrdreg s23  }
0x10: {  	vm0 =	vmmov $0xffff;
	v1 =	vshrl.u32 v2, $0x3;
	s5 =	sadd.s32 $0x1C8C00, s0;
	s28 =	sadd.s32 s8, s24;
	[dreg:$0x8] =	wrdreg s26  }
0x11: {  	v0 =	vand.u32 $0x7, v2;
	v2 =	vor.u32 $0x8, v2;
	v1 =	vmul.u32 $0x8, v1;
	s4 =	sadd.s32 $0x1C8B00, s0;
	s7 =	simm.s32 $0x2;
	[dreg:$0x9] =	wrdreg s28  }
.LBB2_1:
0x12: {  	s9 =	rddreg [dreg:$0x2]  }
0x13: {  	[tilespmem:s2], [sflag:$0x2] =	stream.linear.gather [hbm4b:s9+s2], $0x80, $0x38;
	[tilespmem:$0x18200] =	vst v63  }
0x14: {  	_ =	swait.ge [sflag:s7], $0x80  }
0x15: {  	s24 =	rddreg [dreg:$0x3];
	[sflag:s7] =	ssyncset.done $0x0  }
0x16: {  	s10 =	rddreg [dreg:$0xa];
	[sflag:s7] =	ssyncadd.s32 $0xFFFFFF80  }
0x17: {  	[tilespmem:s10], [sflag:$0x2] =	stream.linear.gather [hbm4b:s24+s2], $0x80, $0x38;
	[tilespmem:$0x18200] =	vst v63  }
0x18: {  	_ =	swait.ge [sflag:s7], $0x80  }
0x19: {  	s25 =	rddreg [dreg:$0x4];
	[sflag:s7] =	ssyncset.done $0x0  }
0x1a: {  	s26 =	rddreg [dreg:$0xb];
	[sflag:s7] =	ssyncadd.s32 $0xFFFFFF80  }
0x1b: {  	[tilespmem:s26], [sflag:$0x2] =	stream.linear.gather [hbm4b:s25+s2], $0x80, $0x38;
	[tilespmem:$0x18200] =	vst v63  }
0x1c: {  	_ =	swait.ge [sflag:s7], $0x80  }
0x1d: {  	s28 =	rddreg [dreg:$0x5];
	[sflag:s7] =	ssyncset.done $0x0  }
0x1e: {  	s29 =	rddreg [dreg:$0xc];
	[sflag:s7] =	ssyncadd.s32 $0xFFFFFF80  }
0x1f: {  	[tilespmem:s29], [sflag:$0x2] =	stream.linear.gather [hbm4b:s28+s2], $0x80, $0x38;
	[tilespmem:$0x18200] =	vst v63  }
0x20: {  	_ =	swait.ge [sflag:s7], $0x80  }
0x21: {  	[sflag:s7] =	ssyncset.done $0x0  }
0x22: {  	[sflag:s7] =	ssyncadd.s32 $0xFFFFFF80  }
0x23: {  	v3 =	vld [tilespmem:$0x0];
	_ =	sdelay $0x4  }
0x24: {  	v4 =	vshrl.u32 v3, $0x3  }
0x25: {  	v4 =	vmul.u32 $0x30, v4  }
0x26: {  	v3 =	vand.u32 $0x7, v3  }
0x27: {  	v3 =	vor.u32 v3, v4  }
0x28: {  	v4 =	vperm.xlane v3, v0;
	_ =	sdelay $0x1  }
0x29: {  	v4 =	vadd.s32 v1, v4;
	_ =	sdelay $0x3  }
0x2a: {  	v3 =	vperm.xlane v3, v2  }
0x2b: {  	[tilespmem:s16], [sflag:$0x1] =	stream.indirect_vreg.gather [hbm4b:s3+s2], $0x80, v4, vm0, $0xb8;
	[tilespmem:$0x18200] =	vst v63  }
0x2c: {  	s0 =	simm.s32 $0xA00;
	v3 =	vadd.s32 v1, v3  }
0x2d: {  	[tilespmem:s0], [sflag:$0x1] =	stream.indirect_vreg.gather [hbm4b:s4+s2], $0x80, v4, vm0, $0xb8;
	[tilespmem:$0x18200] =	vst v63  }
0x2e: {  	s30 =	simm.s32 $0x1200  }
0x2f: {  	[tilespmem:s30], [sflag:$0x1] =	stream.indirect_vreg.gather [hbm4b:s5+s2], $0x80, v4, vm0, $0xb8;
	[tilespmem:$0x18200] =	vst v63  }
0x30: {  	s31 =	simm.s32 $0x1A00  }
0x31: {  	[tilespmem:s31], [sflag:$0x1] =	stream.indirect_vreg.gather [hbm4b:s3+s2], $0x80, v3, vm0, $0xb8;
	[tilespmem:$0x18200] =	vst v63  }
0x32: {  	s8 =	simm.s32 $0x2200  }
0x33: {  	[tilespmem:s8], [sflag:$0x1] =	stream.indirect_vreg.gather [hbm4b:s4+s2], $0x80, v3, vm0, $0xb8;
	[tilespmem:$0x18200] =	vst v63  }
0x34: {  	s9 =	simm.s32 $0x2A00  }
0x35: {  	[tilespmem:s9], [sflag:$0x1] =	stream.indirect_vreg.gather [hbm4b:s5+s2], $0x80, v3, vm0, $0xb8;
	[tilespmem:$0x18200] =	vst v63  }
0x36: {  	v3 =	vld [tilespmem:$0x10];
	_ =	sdelay $0x4  }
0x37: {  	v33 =	vshrl.u32 v3, $0x3  }
0x38: {  	v4 =	vmul.u32 $0x30, v33  }
0x39: {  	v3 =	vand.u32 $0x7, v3  }
0x3a: {  	v3 =	vor.u32 v3, v4  }
0x3b: {  	v4 =	vperm.xlane v3, v0;
	_ =	sdelay $0x1  }
0x3c: {  	v4 =	vadd.s32 v1, v4;
	_ =	sdelay $0x3  }
0x3d: {  	s10 =	simm.s32 $0x3200;
	v3 =	vperm.xlane v3, v2  }
0x3e: {  	[tilespmem:s10], [sflag:$0x1] =	stream.indirect_vreg.gather [hbm4b:s3+s2], $0x80, v4, vm0, $0xb8;
	[tilespmem:$0x18200] =	vst v63  }
0x3f: {  	s11 =	simm.s32 $0x3A00;
	v3 =	vadd.s32 v1, v3  }
0x40: {  	[tilespmem:s11], [sflag:$0x1] =	stream.indirect_vreg.gather [hbm4b:s4+s2], $0x80, v4, vm0, $0xb8;
	[tilespmem:$0x18200] =	vst v63  }
0x41: {  	s12 =	simm.s32 $0x4200  }
0x42: {  	[tilespmem:s12], [sflag:$0x1] =	stream.indirect_vreg.gather [hbm4b:s5+s2], $0x80, v4, vm0, $0xb8;
	[tilespmem:$0x18200] =	vst v63  }
0x43: {  	s13 =	simm.s32 $0x4A00  }
0x44: {  	[tilespmem:s13], [sflag:$0x1] =	stream.indirect_vreg.gather [hbm4b:s3+s2], $0x80, v3, vm0, $0xb8;
	[tilespmem:$0x18200] =	vst v63  }
0x45: {  	s14 =	simm.s32 $0x5200  }
0x46: {  	[tilespmem:s14], [sflag:$0x1] =	stream.indirect_vreg.gather [hbm4b:s4+s2], $0x80, v3, vm0, $0xb8;
	[tilespmem:$0x18200] =	vst v63  }
0x47: {  	s15 =	simm.s32 $0x5A00  }
0x48: {  	[tilespmem:s15], [sflag:$0x1] =	stream.indirect_vreg.gather [hbm4b:s5+s2], $0x80, v3, vm0, $0xb8;
	[tilespmem:$0x18200] =	vst v63  }
0x49: {  	v3 =	vld [tilespmem:$0x20];
	_ =	sdelay $0x4  }
0x4a: {  	v34 =	vshrl.u32 v3, $0x3  }
0x4b: {  	v4 =	vmul.u32 $0x30, v34  }
0x4c: {  	v3 =	vand.u32 $0x7, v3  }
0x4d: {  	v3 =	vor.u32 v3, v4  }
0x4e: {  	v4 =	vperm.xlane v3, v0;
	_ =	sdelay $0x1  }
0x4f: {  	v4 =	vadd.s32 v1, v4;
	_ =	sdelay $0x3  }
0x50: {  	s17 =	simm.s32 $0x6200;
	v3 =	vperm.xlane v3, v2  }
0x51: {  	[tilespmem:s17], [sflag:$0x1] =	stream.indirect_vreg.gather [hbm4b:s3+s2], $0x80, v4, vm0, $0xb8;
	[tilespmem:$0x18200] =	vst v63  }
0x52: {  	s18 =	simm.s32 $0x6A00;
	v3 =	vadd.s32 v1, v3  }
0x53: {  	[tilespmem:s18], [sflag:$0x1] =	stream.indirect_vreg.gather [hbm4b:s4+s2], $0x80, v4, vm0, $0xb8;
	[tilespmem:$0x18200] =	vst v63  }
0x54: {  	s19 =	simm.s32 $0x7200  }
0x55: {  	[tilespmem:s19], [sflag:$0x1] =	stream.indirect_vreg.gather [hbm4b:s5+s2], $0x80, v4, vm0, $0xb8;
	[tilespmem:$0x18200] =	vst v63  }
0x56: {  	s20 =	simm.s32 $0x7A00  }
0x57: {  	[tilespmem:s20], [sflag:$0x1] =	stream.indirect_vreg.gather [hbm4b:s3+s2], $0x80, v3, vm0, $0xb8;
	[tilespmem:$0x18200] =	vst v63  }
0x58: {  	s21 =	simm.s32 $0x8200  }
0x59: {  	[tilespmem:s21], [sflag:$0x1] =	stream.indirect_vreg.gather [hbm4b:s4+s2], $0x80, v3, vm0, $0xb8;
	[tilespmem:$0x18200] =	vst v63  }
0x5a: {  	s22 =	simm.s32 $0x8A00  }
0x5b: {  	[tilespmem:s22], [sflag:$0x1] =	stream.indirect_vreg.gather [hbm4b:s5+s2], $0x80, v3, vm0, $0xb8;
	[tilespmem:$0x18200] =	vst v63  }
0x5c: {  	v3 =	vld [tilespmem:$0x30];
	_ =	sdelay $0x4  }
0x5d: {  	v35 =	vshrl.u32 v3, $0x3  }
0x5e: {  	v4 =	vmul.u32 $0x30, v35  }
0x5f: {  	v3 =	vand.u32 $0x7, v3  }
0x60: {  	v3 =	vor.u32 v3, v4  }
0x61: {  	v4 =	vperm.xlane v3, v0;
	_ =	sdelay $0x1  }
0x62: {  	v4 =	vadd.s32 v1, v4;
	_ =	sdelay $0x3  }
0x63: {  	s23 =	simm.s32 $0x9200;
	v3 =	vperm.xlane v3, v2  }
0x64: {  	[tilespmem:s23], [sflag:$0x1] =	stream.indirect_vreg.gather [hbm4b:s3+s2], $0x80, v4, vm0, $0xb8;
	[tilespmem:$0x18200] =	vst v63  }
0x65: {  	s24 =	simm.s32 $0x9A00;
	v3 =	vadd.s32 v1, v3  }
0x66: {  	[tilespmem:s24], [sflag:$0x1] =	stream.indirect_vreg.gather [hbm4b:s4+s2], $0x80, v4, vm0, $0xb8;
	[tilespmem:$0x18200] =	vst v63  }
0x67: {  	s26 =	simm.s32 $0xA200  }
0x68: {  	[tilespmem:s26], [sflag:$0x1] =	stream.indirect_vreg.gather [hbm4b:s5+s2], $0x80, v4, vm0, $0xb8;
	[tilespmem:$0x18200] =	vst v63  }
0x69: {  	s28 =	simm.s32 $0xAA00  }
0x6a: {  	[tilespmem:s28], [sflag:$0x1] =	stream.indirect_vreg.gather [hbm4b:s3+s2], $0x80, v3, vm0, $0xb8;
	[tilespmem:$0x18200] =	vst v63  }
0x6b: {  	s29 =	simm.s32 $0xB200  }
0x6c: {  	[tilespmem:s29], [sflag:$0x1] =	stream.indirect_vreg.gather [hbm4b:s4+s2], $0x80, v3, vm0, $0xb8;
	[tilespmem:$0x18200] =	vst v63  }
0x6d: {  	s30 =	simm.s32 $0xBA00  }
0x6e: {  	[tilespmem:s30], [sflag:$0x1] =	stream.indirect_vreg.gather [hbm4b:s5+s2], $0x80, v3, vm0, $0xb8;
	[tilespmem:$0x18200] =	vst v63  }
0x6f: {  	v3 =	vld [tilespmem:$0x40];
	_ =	sdelay $0x4  }
0x70: {  	v36 =	vshrl.u32 v3, $0x3  }
0x71: {  	v4 =	vmul.u32 $0x30, v36  }
0x72: {  	v3 =	vand.u32 $0x7, v3  }
0x73: {  	v3 =	vor.u32 v3, v4  }
0x74: {  	v4 =	vperm.xlane v3, v0;
	_ =	sdelay $0x1  }
0x75: {  	v4 =	vadd.s32 v1, v4;
	_ =	sdelay $0x3  }
0x76: {  	s31 =	simm.s32 $0xC200;
	v3 =	vperm.xlane v3, v2  }
0x77: {  	[tilespmem:s31], [sflag:$0x1] =	stream.indirect_vreg.gather [hbm4b:s3+s2], $0x80, v4, vm0, $0xb8;
	[tilespmem:$0x18200] =	vst v63  }
0x78: {  	s0 =	simm.s32 $0xCA00;
	v3 =	vadd.s32 v1, v3  }
0x79: {  	[tilespmem:s0], [sflag:$0x1] =	stream.indirect_vreg.gather [hbm4b:s4+s2], $0x80, v4, vm0, $0xb8;
	[tilespmem:$0x18200] =	vst v63  }
0x7a: {  	s15 =	simm.s32 $0xD200  }
0x7b: {  	[tilespmem:s15], [sflag:$0x1] =	stream.indirect_vreg.gather [hbm4b:s5+s2], $0x80, v4, vm0, $0xb8;
	[tilespmem:$0x18200] =	vst v63  }
0x7c: {  	s19 =	simm.s32 $0xDA00  }
0x7d: {  	[tilespmem:s19], [sflag:$0x1] =	stream.indirect_vreg.gather [hbm4b:s3+s2], $0x80, v3, vm0, $0xb8;
	[tilespmem:$0x18200] =	vst v63  }
0x7e: {  	s20 =	simm.s32 $0xE200  }
0x7f: {  	[tilespmem:s20], [sflag:$0x1] =	stream.indirect_vreg.gather [hbm4b:s4+s2], $0x80, v3, vm0, $0xb8;
	[tilespmem:$0x18200] =	vst v63  }
0x80: {  	s21 =	simm.s32 $0xEA00  }
0x81: {  	[tilespmem:s21], [sflag:$0x1] =	stream.indirect_vreg.gather [hbm4b:s5+s2], $0x80, v3, vm0, $0xb8;
	[tilespmem:$0x18200] =	vst v63  }
0x82: {  	v3 =	vld [tilespmem:$0x50];
	_ =	sdelay $0x4  }
0x83: {  	v37 =	vshrl.u32 v3, $0x3  }
0x84: {  	v4 =	vmul.u32 $0x30, v37  }
0x85: {  	v3 =	vand.u32 $0x7, v3  }
0x86: {  	v3 =	vor.u32 v3, v4  }
0x87: {  	v4 =	vperm.xlane v3, v0;
	_ =	sdelay $0x1  }
0x88: {  	v4 =	vadd.s32 v1, v4;
	_ =	sdelay $0x3  }
0x89: {  	s22 =	simm.s32 $0xF200;
	v3 =	vperm.xlane v3, v2  }
0x8a: {  	[tilespmem:s22], [sflag:$0x1] =	stream.indirect_vreg.gather [hbm4b:s3+s2], $0x80, v4, vm0, $0xb8;
	[tilespmem:$0x18200] =	vst v63  }
0x8b: {  	s23 =	simm.s32 $0xFA00;
	v3 =	vadd.s32 v1, v3  }
0x8c: {  	[tilespmem:s23], [sflag:$0x1] =	stream.indirect_vreg.gather [hbm4b:s4+s2], $0x80, v4, vm0, $0xb8;
	[tilespmem:$0x18200] =	vst v63  }
0x8d: {  	s24 =	simm.s32 $0x10200  }
0x8e: {  	[tilespmem:s24], [sflag:$0x1] =	stream.indirect_vreg.gather [hbm4b:s5+s2], $0x80, v4, vm0, $0xb8;
	[tilespmem:$0x18200] =	vst v63  }
0x8f: {  	s26 =	simm.s32 $0x10A00  }
0x90: {  	[tilespmem:s26], [sflag:$0x1] =	stream.indirect_vreg.gather [hbm4b:s3+s2], $0x80, v3, vm0, $0xb8;
	[tilespmem:$0x18200] =	vst v63  }
0x91: {  	s28 =	simm.s32 $0x11200  }
0x92: {  	[tilespmem:s28], [sflag:$0x1] =	stream.indirect_vreg.gather [hbm4b:s4+s2], $0x80, v3, vm0, $0xb8;
	[tilespmem:$0x18200] =	vst v63  }
0x93: {  	s29 =	simm.s32 $0x11A00  }
0x94: {  	[tilespmem:s29], [sflag:$0x1] =	stream.indirect_vreg.gather [hbm4b:s5+s2], $0x80, v3, vm0, $0xb8;
	[tilespmem:$0x18200] =	vst v63  }
0x95: {  	v3 =	vld [tilespmem:$0x60];
	_ =	sdelay $0x4  }
0x96: {  	v38 =	vshrl.u32 v3, $0x3  }
0x97: {  	v4 =	vmul.u32 $0x30, v38  }
0x98: {  	v3 =	vand.u32 $0x7, v3  }
0x99: {  	v3 =	vor.u32 v3, v4  }
0x9a: {  	v4 =	vperm.xlane v3, v0;
	_ =	sdelay $0x1  }
0x9b: {  	v4 =	vadd.s32 v1, v4;
	_ =	sdelay $0x3  }
0x9c: {  	s30 =	simm.s32 $0x12200;
	v3 =	vperm.xlane v3, v2  }
0x9d: {  	[tilespmem:s30], [sflag:$0x1] =	stream.indirect_vreg.gather [hbm4b:s3+s2], $0x80, v4, vm0, $0xb8;
	[tilespmem:$0x18200] =	vst v63  }
0x9e: {  	s31 =	simm.s32 $0x12A00;
	v3 =	vadd.s32 v1, v3  }
0x9f: {  	[tilespmem:s31], [sflag:$0x1] =	stream.indirect_vreg.gather [hbm4b:s4+s2], $0x80, v4, vm0, $0xb8;
	[tilespmem:$0x18200] =	vst v63  }
0xa0: {  	s0 =	simm.s32 $0x13200  }
0xa1: {  	[tilespmem:s0], [sflag:$0x1] =	stream.indirect_vreg.gather [hbm4b:s5+s2], $0x80, v4, vm0, $0xb8;
	[tilespmem:$0x18200] =	vst v63  }
0xa2: {  	s15 =	simm.s32 $0x13A00  }
0xa3: {  	[tilespmem:s15], [sflag:$0x1] =	stream.indirect_vreg.gather [hbm4b:s3+s2], $0x80, v3, vm0, $0xb8;
	[tilespmem:$0x18200] =	vst v63  }
0xa4: {  	s23 =	simm.s32 $0x14200  }
0xa5: {  	[tilespmem:s23], [sflag:$0x1] =	stream.indirect_vreg.gather [hbm4b:s4+s2], $0x80, v3, vm0, $0xb8;
	[tilespmem:$0x18200] =	vst v63  }
0xa6: {  	s24 =	simm.s32 $0x14A00  }
0xa7: {  	[tilespmem:s24], [sflag:$0x1] =	stream.indirect_vreg.gather [hbm4b:s5+s2], $0x80, v3, vm0, $0xb8;
	[tilespmem:$0x18200] =	vst v63  }
0xa8: {  	v3 =	vld [tilespmem:$0x70];
	_ =	sdelay $0x4  }
0xa9: {  	v39 =	vshrl.u32 v3, $0x3  }
0xaa: {  	v4 =	vmul.u32 $0x30, v39  }
0xab: {  	v3 =	vand.u32 $0x7, v3  }
0xac: {  	v3 =	vor.u32 v3, v4  }
0xad: {  	v4 =	vperm.xlane v3, v0;
	_ =	sdelay $0x1  }
0xae: {  	v4 =	vadd.s32 v1, v4;
	_ =	sdelay $0x3  }
0xaf: {  	s26 =	simm.s32 $0x15200;
	v3 =	vperm.xlane v3, v2  }
0xb0: {  	[tilespmem:s26], [sflag:$0x1] =	stream.indirect_vreg.gather [hbm4b:s3+s2], $0x80, v4, vm0, $0xb8;
	[tilespmem:$0x18200] =	vst v63  }
0xb1: {  	s28 =	simm.s32 $0x15A00;
	v3 =	vadd.s32 v1, v3  }
0xb2: {  	[tilespmem:s28], [sflag:$0x1] =	stream.indirect_vreg.gather [hbm4b:s4+s2], $0x80, v4, vm0, $0xb8;
	[tilespmem:$0x18200] =	vst v63  }
0xb3: {  	s29 =	simm.s32 $0x16200  }
0xb4: {  	[tilespmem:s29], [sflag:$0x1] =	stream.indirect_vreg.gather [hbm4b:s5+s2], $0x80, v4, vm0, $0xb8;
	[tilespmem:$0x18200] =	vst v63  }
0xb5: {  	s30 =	simm.s32 $0x16A00  }
0xb6: {  	[tilespmem:s30], [sflag:$0x1] =	stream.indirect_vreg.gather [hbm4b:s3+s2], $0x80, v3, vm0, $0xb8;
	[tilespmem:$0x18200] =	vst v63  }
0xb7: {  	s31 =	simm.s32 $0x17200  }
0xb8: {  	[tilespmem:s31], [sflag:$0x1] =	stream.indirect_vreg.gather [hbm4b:s4+s2], $0x80, v3, vm0, $0xb8;
	[tilespmem:$0x18200] =	vst v63  }
0xb9: {  	s0 =	simm.s32 $0x17A00  }
0xba: {  	[tilespmem:s0], [sflag:$0x1] =	stream.indirect_vreg.gather [hbm4b:s5+s2], $0x80, v3, vm0, $0xb8;
	[tilespmem:$0x18200] =	vst v63  }
0xbb: {  	_ =	swait.ge [sflag:s1], $0x18000  }
0xbc: {  	[sflag:s1] =	ssyncset.done $0x0  }
0xbd: {  	s15 =	rddreg [dreg:$0x6];
	[sflag:s1] =	ssyncadd.s32 $0xFFFE8000  }
0xbe: {  	[hbm4b:s15+s2] =	stream.linear.scatter [tilespmem:s16], [sflag:$0x2], $0x18000, $0x38;
	[tilespmem:$0x18200] =	vst v63  }
0xbf: {  	_ =	swait.ge [sflag:s7], $0x18000  }
0xc0: {  	[sflag:s7] =	ssyncset.done $0x0  }
0xc1: {  	[sflag:s7] =	ssyncadd.s32 $0xFFFE8000  }
0xc2: {  	v3 =	vld [tilespmem:$0x80];
	_ =	sdelay $0x4  }
0xc3: {  	v40 =	vshrl.u32 v3, $0x3  }
0xc4: {  	v4 =	vmul.u32 $0x30, v40  }
0xc5: {  	v3 =	vand.u32 $0x7, v3  }
0xc6: {  	v3 =	vor.u32 v3, v4  }
0xc7: {  	v4 =	vperm.xlane v3, v0;
	_ =	sdelay $0x1  }
0xc8: {  	v4 =	vadd.s32 v1, v4;
	_ =	sdelay $0x3  }
0xc9: {  	v3 =	vperm.xlane v3, v2  }
0xca: {  	[tilespmem:s16], [sflag:$0x1] =	stream.indirect_vreg.gather [hbm4b:s3+s2], $0x80, v4, vm0, $0xb8;
	[tilespmem:$0x18200] =	vst v63  }
0xcb: {  	s25 =	simm.s32 $0xA00;
	v3 =	vadd.s32 v1, v3  }
0xcc: {  	[tilespmem:s25], [sflag:$0x1] =	stream.indirect_vreg.gather [hbm4b:s4+s2], $0x80, v4, vm0, $0xb8;
	[tilespmem:$0x18200] =	vst v63  }
0xcd: {  	s25 =	simm.s32 $0x1200  }
0xce: {  	[tilespmem:s25], [sflag:$0x1] =	stream.indirect_vreg.gather [hbm4b:s5+s2], $0x80, v4, vm0, $0xb8;
	[tilespmem:$0x18200] =	vst v63  }
0xcf: {  	s26 =	simm.s32 $0x1A00  }
0xd0: {  	[tilespmem:s26], [sflag:$0x1] =	stream.indirect_vreg.gather [hbm4b:s3+s2], $0x80, v3, vm0, $0xb8;
	[tilespmem:$0x18200] =	vst v63  }
0xd1: {  	s28 =	simm.s32 $0x2200  }
0xd2: {  	[tilespmem:s28], [sflag:$0x1] =	stream.indirect_vreg.gather [hbm4b:s4+s2], $0x80, v3, vm0, $0xb8;
	[tilespmem:$0x18200] =	vst v63  }
0xd3: {  	s8 =	simm.s32 $0x2A00  }
0xd4: {  	[tilespmem:s8], [sflag:$0x1] =	stream.indirect_vreg.gather [hbm4b:s5+s2], $0x80, v3, vm0, $0xb8;
	[tilespmem:$0x18200] =	vst v63  }
0xd5: {  	v3 =	vld [tilespmem:$0x90];
	_ =	sdelay $0x4  }
0xd6: {  	v41 =	vshrl.u32 v3, $0x3  }
0xd7: {  	v4 =	vmul.u32 $0x30, v41  }
0xd8: {  	v3 =	vand.u32 $0x7, v3  }
0xd9: {  	v3 =	vor.u32 v3, v4  }
0xda: {  	v4 =	vperm.xlane v3, v0;
	_ =	sdelay $0x1  }
0xdb: {  	v4 =	vadd.s32 v1, v4;
	_ =	sdelay $0x3  }
0xdc: {  	s10 =	simm.s32 $0x3200;
	v3 =	vperm.xlane v3, v2  }
0xdd: {  	[tilespmem:s10], [sflag:$0x1] =	stream.indirect_vreg.gather [hbm4b:s3+s2], $0x80, v4, vm0, $0xb8;
	[tilespmem:$0x18200] =	vst v63  }
0xde: {  	s29 =	simm.s32 $0x3A00;
	v3 =	vadd.s32 v1, v3  }
0xdf: {  	[tilespmem:s29], [sflag:$0x1] =	stream.indirect_vreg.gather [hbm4b:s4+s2], $0x80, v4, vm0, $0xb8;
	[tilespmem:$0x18200] =	vst v63  }
0xe0: {  	s30 =	simm.s32 $0x4200  }
0xe1: {  	[tilespmem:s30], [sflag:$0x1] =	stream.indirect_vreg.gather [hbm4b:s5+s2], $0x80, v4, vm0, $0xb8;
	[tilespmem:$0x18200] =	vst v63  }
0xe2: {  	s31 =	simm.s32 $0x4A00  }
0xe3: {  	[tilespmem:s31], [sflag:$0x1] =	stream.indirect_vreg.gather [hbm4b:s3+s2], $0x80, v3, vm0, $0xb8;
	[tilespmem:$0x18200] =	vst v63  }
0xe4: {  	s0 =	simm.s32 $0x5200  }
0xe5: {  	[tilespmem:s0], [sflag:$0x1] =	stream.indirect_vreg.gather [hbm4b:s4+s2], $0x80, v3, vm0, $0xb8;
	[tilespmem:$0x18200] =	vst v63  }
0xe6: {  	s11 =	simm.s32 $0x5A00  }
0xe7: {  	[tilespmem:s11], [sflag:$0x1] =	stream.indirect_vreg.gather [hbm4b:s5+s2], $0x80, v3, vm0, $0xb8;
	[tilespmem:$0x18200] =	vst v63  }
0xe8: {  	v3 =	vld [tilespmem:$0xA0];
	_ =	sdelay $0x4  }
0xe9: {  	v42 =	vshrl.u32 v3, $0x3  }
0xea: {  	v4 =	vmul.u32 $0x30, v42  }
0xeb: {  	v3 =	vand.u32 $0x7, v3  }
0xec: {  	v3 =	vor.u32 v3, v4  }
0xed: {  	v4 =	vperm.xlane v3, v0;
	_ =	sdelay $0x1  }
0xee: {  	v4 =	vadd.s32 v1, v4;
	_ =	sdelay $0x3  }
0xef: {  	s12 =	simm.s32 $0x6200;
	v3 =	vperm.xlane v3, v2  }
0xf0: {  	[tilespmem:s12], [sflag:$0x1] =	stream.indirect_vreg.gather [hbm4b:s3+s2], $0x80, v4, vm0, $0xb8;
	[tilespmem:$0x18200] =	vst v63  }
0xf1: {  	s8 =	simm.s32 $0x6A00;
	v3 =	vadd.s32 v1, v3  }
0xf2: {  	[tilespmem:s8], [sflag:$0x1] =	stream.indirect_vreg.gather [hbm4b:s4+s2], $0x80, v4, vm0, $0xb8;
	[tilespmem:$0x18200] =	vst v63  }
0xf3: {  	s10 =	simm.s32 $0x7200  }
0xf4: {  	[tilespmem:s10], [sflag:$0x1] =	stream.indirect_vreg.gather [hbm4b:s5+s2], $0x80, v4, vm0, $0xb8;
	[tilespmem:$0x18200] =	vst v63  }
0xf5: {  	s11 =	simm.s32 $0x7A00  }
0xf6: {  	[tilespmem:s11], [sflag:$0x1] =	stream.indirect_vreg.gather [hbm4b:s3+s2], $0x80, v3, vm0, $0xb8;
	[tilespmem:$0x18200] =	vst v63  }
0xf7: {  	s12 =	simm.s32 $0x8200  }
0xf8: {  	[tilespmem:s12], [sflag:$0x1] =	stream.indirect_vreg.gather [hbm4b:s4+s2], $0x80, v3, vm0, $0xb8;
	[tilespmem:$0x18200] =	vst v63  }
0xf9: {  	s13 =	simm.s32 $0x8A00  }
0xfa: {  	[tilespmem:s13], [sflag:$0x1] =	stream.indirect_vreg.gather [hbm4b:s5+s2], $0x80, v3, vm0, $0xb8;
	[tilespmem:$0x18200] =	vst v63  }
0xfb: {  	v3 =	vld [tilespmem:$0xB0];
	_ =	sdelay $0x4  }
0xfc: {  	v43 =	vshrl.u32 v3, $0x3  }
0xfd: {  	v4 =	vmul.u32 $0x30, v43  }
0xfe: {  	v3 =	vand.u32 $0x7, v3  }
0xff: {  	v3 =	vor.u32 v3, v4  }
0x100: {  	v4 =	vperm.xlane v3, v0;
	_ =	sdelay $0x1  }
0x101: {  	v4 =	vadd.s32 v1, v4;
	_ =	sdelay $0x3  }
0x102: {  	s14 =	simm.s32 $0x9200;
	v3 =	vperm.xlane v3, v2  }
0x103: {  	[tilespmem:s14], [sflag:$0x1] =	stream.indirect_vreg.gather [hbm4b:s3+s2], $0x80, v4, vm0, $0xb8;
	[tilespmem:$0x18200] =	vst v63  }
0x104: {  	s13 =	simm.s32 $0x9A00;
	v3 =	vadd.s32 v1, v3  }
0x105: {  	[tilespmem:s13], [sflag:$0x1] =	stream.indirect_vreg.gather [hbm4b:s4+s2], $0x80, v4, vm0, $0xb8;
	[tilespmem:$0x18200] =	vst v63  }
0x106: {  	s14 =	simm.s32 $0xA200  }
0x107: {  	[tilespmem:s14], [sflag:$0x1] =	stream.indirect_vreg.gather [hbm4b:s5+s2], $0x80, v4, vm0, $0xb8;
	[tilespmem:$0x18200] =	vst v63  }
0x108: {  	s15 =	simm.s32 $0xAA00  }
0x109: {  	[tilespmem:s15], [sflag:$0x1] =	stream.indirect_vreg.gather [hbm4b:s3+s2], $0x80, v3, vm0, $0xb8;
	[tilespmem:$0x18200] =	vst v63  }
0x10a: {  	s9 =	simm.s32 $0xB200  }
0x10b: {  	[tilespmem:s9], [sflag:$0x1] =	stream.indirect_vreg.gather [hbm4b:s4+s2], $0x80, v3, vm0, $0xb8;
	[tilespmem:$0x18200] =	vst v63  }
0x10c: {  	s17 =	simm.s32 $0xBA00  }
0x10d: {  	[tilespmem:s17], [sflag:$0x1] =	stream.indirect_vreg.gather [hbm4b:s5+s2], $0x80, v3, vm0, $0xb8;
	[tilespmem:$0x18200] =	vst v63  }
0x10e: {  	v3 =	vld [tilespmem:$0xC0];
	_ =	sdelay $0x4  }
0x10f: {  	v44 =	vshrl.u32 v3, $0x3  }
0x110: {  	v4 =	vmul.u32 $0x30, v44  }
0x111: {  	v3 =	vand.u32 $0x7, v3  }
0x112: {  	v3 =	vor.u32 v3, v4  }
0x113: {  	v4 =	vperm.xlane v3, v0;
	_ =	sdelay $0x1  }
0x114: {  	v4 =	vadd.s32 v1, v4;
	_ =	sdelay $0x3  }
0x115: {  	s18 =	simm.s32 $0xC200;
	v3 =	vperm.xlane v3, v2  }
0x116: {  	[tilespmem:s18], [sflag:$0x1] =	stream.indirect_vreg.gather [hbm4b:s3+s2], $0x80, v4, vm0, $0xb8;
	[tilespmem:$0x18200] =	vst v63  }
0x117: {  	v3 =	vadd.s32 v1, v3;
	s18 =	simm.s32 $0xCA00  }
0x118: {  	[tilespmem:s18], [sflag:$0x1] =	stream.indirect_vreg.gather [hbm4b:s4+s2], $0x80, v4, vm0, $0xb8;
	[tilespmem:$0x18200] =	vst v63  }
0x119: {  	s17 =	simm.s32 $0xD200  }
0x11a: {  	[tilespmem:s17], [sflag:$0x1] =	stream.indirect_vreg.gather [hbm4b:s5+s2], $0x80, v4, vm0, $0xb8;
	[tilespmem:$0x18200] =	vst v63  }
0x11b: {  	s17 =	simm.s32 $0xDA00  }
0x11c: {  	[tilespmem:s17], [sflag:$0x1] =	stream.indirect_vreg.gather [hbm4b:s3+s2], $0x80, v3, vm0, $0xb8;
	[tilespmem:$0x18200] =	vst v63  }
0x11d: {  	s17 =	simm.s32 $0xE200  }
0x11e: {  	[tilespmem:s17], [sflag:$0x1] =	stream.indirect_vreg.gather [hbm4b:s4+s2], $0x80, v3, vm0, $0xb8;
	[tilespmem:$0x18200] =	vst v63  }
0x11f: {  	s19 =	simm.s32 $0xEA00  }
0x120: {  	[tilespmem:s19], [sflag:$0x1] =	stream.indirect_vreg.gather [hbm4b:s5+s2], $0x80, v3, vm0, $0xb8;
	[tilespmem:$0x18200] =	vst v63  }
0x121: {  	v3 =	vld [tilespmem:$0xD0];
	_ =	sdelay $0x4  }
0x122: {  	v45 =	vshrl.u32 v3, $0x3  }
0x123: {  	v4 =	vmul.u32 $0x30, v45  }
0x124: {  	v3 =	vand.u32 $0x7, v3  }
0x125: {  	v3 =	vor.u32 v3, v4  }
0x126: {  	v4 =	vperm.xlane v3, v0;
	_ =	sdelay $0x1  }
0x127: {  	v4 =	vadd.s32 v1, v4;
	_ =	sdelay $0x3  }
0x128: {  	s20 =	simm.s32 $0xF200;
	v3 =	vperm.xlane v3, v2  }
0x129: {  	[tilespmem:s20], [sflag:$0x1] =	stream.indirect_vreg.gather [hbm4b:s3+s2], $0x80, v4, vm0, $0xb8;
	[tilespmem:$0x18200] =	vst v63  }
0x12a: {  	s17 =	simm.s32 $0xFA00;
	v3 =	vadd.s32 v1, v3  }
0x12b: {  	[tilespmem:s17], [sflag:$0x1] =	stream.indirect_vreg.gather [hbm4b:s4+s2], $0x80, v4, vm0, $0xb8;
	[tilespmem:$0x18200] =	vst v63  }
0x12c: {  	s19 =	simm.s32 $0x10200  }
0x12d: {  	[tilespmem:s19], [sflag:$0x1] =	stream.indirect_vreg.gather [hbm4b:s5+s2], $0x80, v4, vm0, $0xb8;
	[tilespmem:$0x18200] =	vst v63  }
0x12e: {  	s17 =	simm.s32 $0x10A00  }
0x12f: {  	[tilespmem:s17], [sflag:$0x1] =	stream.indirect_vreg.gather [hbm4b:s3+s2], $0x80, v3, vm0, $0xb8;
	[tilespmem:$0x18200] =	vst v63  }
0x130: {  	s19 =	simm.s32 $0x11200  }
0x131: {  	[tilespmem:s19], [sflag:$0x1] =	stream.indirect_vreg.gather [hbm4b:s4+s2], $0x80, v3, vm0, $0xb8;
	[tilespmem:$0x18200] =	vst v63  }
0x132: {  	s21 =	simm.s32 $0x11A00  }
0x133: {  	[tilespmem:s21], [sflag:$0x1] =	stream.indirect_vreg.gather [hbm4b:s5+s2], $0x80, v3, vm0, $0xb8;
	[tilespmem:$0x18200] =	vst v63  }
0x134: {  	v3 =	vld [tilespmem:$0xE0];
	_ =	sdelay $0x4  }
0x135: {  	v46 =	vshrl.u32 v3, $0x3  }
0x136: {  	v4 =	vmul.u32 $0x30, v46  }
0x137: {  	v3 =	vand.u32 $0x7, v3  }
0x138: {  	v3 =	vor.u32 v3, v4  }
0x139: {  	v4 =	vperm.xlane v3, v0;
	_ =	sdelay $0x1  }
0x13a: {  	v4 =	vadd.s32 v1, v4;
	_ =	sdelay $0x3  }
0x13b: {  	s22 =	simm.s32 $0x12200;
	v3 =	vperm.xlane v3, v2  }
0x13c: {  	[tilespmem:s22], [sflag:$0x1] =	stream.indirect_vreg.gather [hbm4b:s3+s2], $0x80, v4, vm0, $0xb8;
	[tilespmem:$0x18200] =	vst v63  }
0x13d: {  	s17 =	simm.s32 $0x12A00;
	v3 =	vadd.s32 v1, v3  }
0x13e: {  	[tilespmem:s17], [sflag:$0x1] =	stream.indirect_vreg.gather [hbm4b:s4+s2], $0x80, v4, vm0, $0xb8;
	[tilespmem:$0x18200] =	vst v63  }
0x13f: {  	s19 =	simm.s32 $0x13200  }
0x140: {  	[tilespmem:s19], [sflag:$0x1] =	stream.indirect_vreg.gather [hbm4b:s5+s2], $0x80, v4, vm0, $0xb8;
	[tilespmem:$0x18200] =	vst v63  }
0x141: {  	s21 =	simm.s32 $0x13A00  }
0x142: {  	[tilespmem:s21], [sflag:$0x1] =	stream.indirect_vreg.gather [hbm4b:s3+s2], $0x80, v3, vm0, $0xb8;
	[tilespmem:$0x18200] =	vst v63  }
0x143: {  	s22 =	simm.s32 $0x14200  }
0x144: {  	[tilespmem:s22], [sflag:$0x1] =	stream.indirect_vreg.gather [hbm4b:s4+s2], $0x80, v3, vm0, $0xb8;
	[tilespmem:$0x18200] =	vst v63  }
0x145: {  	s23 =	simm.s32 $0x14A00  }
0x146: {  	[tilespmem:s23], [sflag:$0x1] =	stream.indirect_vreg.gather [hbm4b:s5+s2], $0x80, v3, vm0, $0xb8;
	[tilespmem:$0x18200] =	vst v63  }
0x147: {  	v3 =	vld [tilespmem:$0xF0];
	_ =	sdelay $0x4  }
0x148: {  	v47 =	vshrl.u32 v3, $0x3  }
0x149: {  	v4 =	vmul.u32 $0x30, v47  }
0x14a: {  	v3 =	vand.u32 $0x7, v3  }
0x14b: {  	v3 =	vor.u32 v3, v4  }
0x14c: {  	v4 =	vperm.xlane v3, v0;
	_ =	sdelay $0x1  }
0x14d: {  	v4 =	vadd.s32 v1, v4;
	_ =	sdelay $0x3  }
0x14e: {  	s24 =	simm.s32 $0x15200;
	v3 =	vperm.xlane v3, v2  }
0x14f: {  	[tilespmem:s24], [sflag:$0x1] =	stream.indirect_vreg.gather [hbm4b:s3+s2], $0x80, v4, vm0, $0xb8;
	[tilespmem:$0x18200] =	vst v63  }
0x150: {  	v3 =	vadd.s32 v1, v3;
	s24 =	simm.s32 $0x15A00  }
0x151: {  	[tilespmem:s24], [sflag:$0x1] =	stream.indirect_vreg.gather [hbm4b:s4+s2], $0x80, v4, vm0, $0xb8;
	[tilespmem:$0x18200] =	vst v63  }
0x152: {  	s17 =	simm.s32 $0x16200  }
0x153: {  	[tilespmem:s17], [sflag:$0x1] =	stream.indirect_vreg.gather [hbm4b:s5+s2], $0x80, v4, vm0, $0xb8;
	[tilespmem:$0x18200] =	vst v63  }
0x154: {  	s19 =	simm.s32 $0x16A00  }
0x155: {  	[tilespmem:s19], [sflag:$0x1] =	stream.indirect_vreg.gather [hbm4b:s3+s2], $0x80, v3, vm0, $0xb8;
	[tilespmem:$0x18200] =	vst v63  }
0x156: {  	s21 =	simm.s32 $0x17200  }
0x157: {  	[tilespmem:s21], [sflag:$0x1] =	stream.indirect_vreg.gather [hbm4b:s4+s2], $0x80, v3, vm0, $0xb8;
	[tilespmem:$0x18200] =	vst v63  }
0x158: {  	s22 =	simm.s32 $0x17A00  }
0x159: {  	[tilespmem:s22], [sflag:$0x1] =	stream.indirect_vreg.gather [hbm4b:s5+s2], $0x80, v3, vm0, $0xb8;
	[tilespmem:$0x18200] =	vst v63  }
0x15a: {  	_ =	swait.ge [sflag:s1], $0x18000  }
0x15b: {  	[sflag:s1] =	ssyncset.done $0x0  }
0x15c: {  	s23 =	rddreg [dreg:$0x7];
	[sflag:s1] =	ssyncadd.s32 $0xFFFE8000  }
0x15d: {  	[hbm4b:s23+s2] =	stream.linear.scatter [tilespmem:s16], [sflag:$0x2], $0x18000, $0x38;
	[tilespmem:$0x18200] =	vst v63  }
0x15e: {  	_ =	swait.ge [sflag:s7], $0x18000  }
0x15f: {  	[sflag:s7] =	ssyncset.done $0x0  }
0x160: {  	[sflag:s7] =	ssyncadd.s32 $0xFFFE8000  }
0x161: {  	v3 =	vld [tilespmem:$0x100];
	_ =	sdelay $0x4  }
0x162: {  	v48 =	vshrl.u32 v3, $0x3  }
0x163: {  	v4 =	vmul.u32 $0x30, v48  }
0x164: {  	v3 =	vand.u32 $0x7, v3  }
0x165: {  	v3 =	vor.u32 v3, v4  }
0x166: {  	v4 =	vperm.xlane v3, v0;
	_ =	sdelay $0x1  }
0x167: {  	v4 =	vadd.s32 v1, v4;
	_ =	sdelay $0x3  }
0x168: {  	v3 =	vperm.xlane v3, v2  }
0x169: {  	[tilespmem:s16], [sflag:$0x1] =	stream.indirect_vreg.gather [hbm4b:s3+s2], $0x80, v4, vm0, $0xb8;
	[tilespmem:$0x18200] =	vst v63  }
0x16a: {  	s24 =	simm.s32 $0xA00;
	v3 =	vadd.s32 v1, v3  }
0x16b: {  	[tilespmem:s24], [sflag:$0x1] =	stream.indirect_vreg.gather [hbm4b:s4+s2], $0x80, v4, vm0, $0xb8;
	[tilespmem:$0x18200] =	vst v63  }
0x16c: {  	_ = 	snop  }
0x16d: {  	[tilespmem:s25], [sflag:$0x1] =	stream.indirect_vreg.gather [hbm4b:s5+s2], $0x80, v4, vm0, $0xb8;
	[tilespmem:$0x18200] =	vst v63  }
0x16e: {  	_ = 	snop  }
0x16f: {  	[tilespmem:s26], [sflag:$0x1] =	stream.indirect_vreg.gather [hbm4b:s3+s2], $0x80, v3, vm0, $0xb8;
	[tilespmem:$0x18200] =	vst v63  }
0x170: {  	_ = 	snop  }
0x171: {  	[tilespmem:s28], [sflag:$0x1] =	stream.indirect_vreg.gather [hbm4b:s4+s2], $0x80, v3, vm0, $0xb8;
	[tilespmem:$0x18200] =	vst v63  }
0x172: {  	s26 =	simm.s32 $0x2A00  }
0x173: {  	[tilespmem:s26], [sflag:$0x1] =	stream.indirect_vreg.gather [hbm4b:s5+s2], $0x80, v3, vm0, $0xb8;
	[tilespmem:$0x18200] =	vst v63  }
0x174: {  	v3 =	vld [tilespmem:$0x110];
	_ =	sdelay $0x4  }
0x175: {  	v49 =	vshrl.u32 v3, $0x3  }
0x176: {  	v4 =	vmul.u32 $0x30, v49  }
0x177: {  	v3 =	vand.u32 $0x7, v3  }
0x178: {  	v3 =	vor.u32 v3, v4  }
0x179: {  	v4 =	vperm.xlane v3, v0;
	_ =	sdelay $0x1  }
0x17a: {  	v4 =	vadd.s32 v1, v4;
	_ =	sdelay $0x3  }
0x17b: {  	s28 =	simm.s32 $0x3200;
	v3 =	vperm.xlane v3, v2  }
0x17c: {  	[tilespmem:s28], [sflag:$0x1] =	stream.indirect_vreg.gather [hbm4b:s3+s2], $0x80, v4, vm0, $0xb8;
	[tilespmem:$0x18200] =	vst v63  }
0x17d: {  	v3 =	vadd.s32 v1, v3  }
0x17e: {  	[tilespmem:s29], [sflag:$0x1] =	stream.indirect_vreg.gather [hbm4b:s4+s2], $0x80, v4, vm0, $0xb8;
	[tilespmem:$0x18200] =	vst v63  }
0x17f: {  	_ = 	snop  }
0x180: {  	[tilespmem:s30], [sflag:$0x1] =	stream.indirect_vreg.gather [hbm4b:s5+s2], $0x80, v4, vm0, $0xb8;
	[tilespmem:$0x18200] =	vst v63  }
0x181: {  	_ = 	snop  }
0x182: {  	[tilespmem:s31], [sflag:$0x1] =	stream.indirect_vreg.gather [hbm4b:s3+s2], $0x80, v3, vm0, $0xb8;
	[tilespmem:$0x18200] =	vst v63  }
0x183: {  	_ = 	snop  }
0x184: {  	[tilespmem:s0], [sflag:$0x1] =	stream.indirect_vreg.gather [hbm4b:s4+s2], $0x80, v3, vm0, $0xb8;
	[tilespmem:$0x18200] =	vst v63  }
0x185: {  	s19 =	simm.s32 $0x5A00  }
0x186: {  	[tilespmem:s19], [sflag:$0x1] =	stream.indirect_vreg.gather [hbm4b:s5+s2], $0x80, v3, vm0, $0xb8;
	[tilespmem:$0x18200] =	vst v63  }
0x187: {  	v3 =	vld [tilespmem:$0x120];
	_ =	sdelay $0x4  }
0x188: {  	v50 =	vshrl.u32 v3, $0x3  }
0x189: {  	v4 =	vmul.u32 $0x30, v50  }
0x18a: {  	v3 =	vand.u32 $0x7, v3  }
0x18b: {  	v3 =	vor.u32 v3, v4  }
0x18c: {  	v4 =	vperm.xlane v3, v0;
	_ =	sdelay $0x1  }
0x18d: {  	v4 =	vadd.s32 v1, v4;
	_ =	sdelay $0x3  }
0x18e: {  	s21 =	simm.s32 $0x6200;
	v3 =	vperm.xlane v3, v2  }
0x18f: {  	[tilespmem:s21], [sflag:$0x1] =	stream.indirect_vreg.gather [hbm4b:s3+s2], $0x80, v4, vm0, $0xb8;
	[tilespmem:$0x18200] =	vst v63  }
0x190: {  	v3 =	vadd.s32 v1, v3  }
0x191: {  	[tilespmem:s8], [sflag:$0x1] =	stream.indirect_vreg.gather [hbm4b:s4+s2], $0x80, v4, vm0, $0xb8;
	[tilespmem:$0x18200] =	vst v63  }
0x192: {  	_ = 	snop  }
0x193: {  	[tilespmem:s10], [sflag:$0x1] =	stream.indirect_vreg.gather [hbm4b:s5+s2], $0x80, v4, vm0, $0xb8;
	[tilespmem:$0x18200] =	vst v63  }
0x194: {  	_ = 	snop  }
0x195: {  	[tilespmem:s11], [sflag:$0x1] =	stream.indirect_vreg.gather [hbm4b:s3+s2], $0x80, v3, vm0, $0xb8;
	[tilespmem:$0x18200] =	vst v63  }
0x196: {  	_ = 	snop  }
0x197: {  	[tilespmem:s12], [sflag:$0x1] =	stream.indirect_vreg.gather [hbm4b:s4+s2], $0x80, v3, vm0, $0xb8;
	[tilespmem:$0x18200] =	vst v63  }
0x198: {  	s22 =	simm.s32 $0x8A00  }
0x199: {  	[tilespmem:s22], [sflag:$0x1] =	stream.indirect_vreg.gather [hbm4b:s5+s2], $0x80, v3, vm0, $0xb8;
	[tilespmem:$0x18200] =	vst v63  }
0x19a: {  	v3 =	vld [tilespmem:$0x130];
	_ =	sdelay $0x4  }
0x19b: {  	v51 =	vshrl.u32 v3, $0x3  }
0x19c: {  	v4 =	vmul.u32 $0x30, v51  }
0x19d: {  	v3 =	vand.u32 $0x7, v3  }
0x19e: {  	v3 =	vor.u32 v3, v4  }
0x19f: {  	v4 =	vperm.xlane v3, v0;
	_ =	sdelay $0x1  }
0x1a0: {  	v4 =	vadd.s32 v1, v4;
	_ =	sdelay $0x3  }
0x1a1: {  	s30 =	simm.s32 $0x9200;
	v3 =	vperm.xlane v3, v2  }
0x1a2: {  	[tilespmem:s30], [sflag:$0x1] =	stream.indirect_vreg.gather [hbm4b:s3+s2], $0x80, v4, vm0, $0xb8;
	[tilespmem:$0x18200] =	vst v63  }
0x1a3: {  	v3 =	vadd.s32 v1, v3  }
0x1a4: {  	[tilespmem:s13], [sflag:$0x1] =	stream.indirect_vreg.gather [hbm4b:s4+s2], $0x80, v4, vm0, $0xb8;
	[tilespmem:$0x18200] =	vst v63  }
0x1a5: {  	_ = 	snop  }
0x1a6: {  	[tilespmem:s14], [sflag:$0x1] =	stream.indirect_vreg.gather [hbm4b:s5+s2], $0x80, v4, vm0, $0xb8;
	[tilespmem:$0x18200] =	vst v63  }
0x1a7: {  	_ = 	snop  }
0x1a8: {  	[tilespmem:s15], [sflag:$0x1] =	stream.indirect_vreg.gather [hbm4b:s3+s2], $0x80, v3, vm0, $0xb8;
	[tilespmem:$0x18200] =	vst v63  }
0x1a9: {  	s31 =	simm.s32 $0xB200  }
0x1aa: {  	[tilespmem:s31], [sflag:$0x1] =	stream.indirect_vreg.gather [hbm4b:s4+s2], $0x80, v3, vm0, $0xb8;
	[tilespmem:$0x18200] =	vst v63  }
0x1ab: {  	s19 =	simm.s32 $0xBA00  }
0x1ac: {  	[tilespmem:s19], [sflag:$0x1] =	stream.indirect_vreg.gather [hbm4b:s5+s2], $0x80, v3, vm0, $0xb8;
	[tilespmem:$0x18200] =	vst v63  }
0x1ad: {  	v3 =	vld [tilespmem:$0x140];
	_ =	sdelay $0x4  }
0x1ae: {  	v52 =	vshrl.u32 v3, $0x3  }
0x1af: {  	v4 =	vmul.u32 $0x30, v52  }
0x1b0: {  	v3 =	vand.u32 $0x7, v3  }
0x1b1: {  	v3 =	vor.u32 v3, v4  }
0x1b2: {  	v4 =	vperm.xlane v3, v0;
	_ =	sdelay $0x1  }
0x1b3: {  	v4 =	vadd.s32 v1, v4;
	_ =	sdelay $0x3  }
0x1b4: {  	s21 =	simm.s32 $0xC200;
	v3 =	vperm.xlane v3, v2  }
0x1b5: {  	[tilespmem:s21], [sflag:$0x1] =	stream.indirect_vreg.gather [hbm4b:s3+s2], $0x80, v4, vm0, $0xb8;
	[tilespmem:$0x18200] =	vst v63  }
0x1b6: {  	s18 =	simm.s32 $0xCA00;
	v3 =	vadd.s32 v1, v3  }
0x1b7: {  	[tilespmem:s18], [sflag:$0x1] =	stream.indirect_vreg.gather [hbm4b:s4+s2], $0x80, v4, vm0, $0xb8;
	[tilespmem:$0x18200] =	vst v63  }
0x1b8: {  	s22 =	simm.s32 $0xD200  }
0x1b9: {  	[tilespmem:s22], [sflag:$0x1] =	stream.indirect_vreg.gather [hbm4b:s5+s2], $0x80, v4, vm0, $0xb8;
	[tilespmem:$0x18200] =	vst v63  }
0x1ba: {  	s31 =	simm.s32 $0xDA00  }
0x1bb: {  	[tilespmem:s31], [sflag:$0x1] =	stream.indirect_vreg.gather [hbm4b:s3+s2], $0x80, v3, vm0, $0xb8;
	[tilespmem:$0x18200] =	vst v63  }
0x1bc: {  	s19 =	simm.s32 $0xE200  }
0x1bd: {  	[tilespmem:s19], [sflag:$0x1] =	stream.indirect_vreg.gather [hbm4b:s4+s2], $0x80, v3, vm0, $0xb8;
	[tilespmem:$0x18200] =	vst v63  }
0x1be: {  	s21 =	simm.s32 $0xEA00  }
0x1bf: {  	[tilespmem:s21], [sflag:$0x1] =	stream.indirect_vreg.gather [hbm4b:s5+s2], $0x80, v3, vm0, $0xb8;
	[tilespmem:$0x18200] =	vst v63  }
0x1c0: {  	v3 =	vld [tilespmem:$0x150];
	_ =	sdelay $0x4  }
0x1c1: {  	v53 =	vshrl.u32 v3, $0x3  }
0x1c2: {  	v4 =	vmul.u32 $0x30, v53  }
0x1c3: {  	v3 =	vand.u32 $0x7, v3  }
0x1c4: {  	v3 =	vor.u32 v3, v4  }
0x1c5: {  	v4 =	vperm.xlane v3, v0;
	_ =	sdelay $0x1  }
0x1c6: {  	v4 =	vadd.s32 v1, v4;
	_ =	sdelay $0x3  }
0x1c7: {  	s22 =	simm.s32 $0xF200;
	v3 =	vperm.xlane v3, v2  }
0x1c8: {  	[tilespmem:s22], [sflag:$0x1] =	stream.indirect_vreg.gather [hbm4b:s3+s2], $0x80, v4, vm0, $0xb8;
	[tilespmem:$0x18200] =	vst v63  }
0x1c9: {  	s20 =	simm.s32 $0xFA00;
	v3 =	vadd.s32 v1, v3  }
0x1ca: {  	[tilespmem:s20], [sflag:$0x1] =	stream.indirect_vreg.gather [hbm4b:s4+s2], $0x80, v4, vm0, $0xb8;
	[tilespmem:$0x18200] =	vst v63  }
0x1cb: {  	s21 =	simm.s32 $0x10200  }
0x1cc: {  	[tilespmem:s21], [sflag:$0x1] =	stream.indirect_vreg.gather [hbm4b:s5+s2], $0x80, v4, vm0, $0xb8;
	[tilespmem:$0x18200] =	vst v63  }
0x1cd: {  	s22 =	simm.s32 $0x10A00  }
0x1ce: {  	[tilespmem:s22], [sflag:$0x1] =	stream.indirect_vreg.gather [hbm4b:s3+s2], $0x80, v3, vm0, $0xb8;
	[tilespmem:$0x18200] =	vst v63  }
0x1cf: {  	s9 =	simm.s32 $0x11200  }
0x1d0: {  	[tilespmem:s9], [sflag:$0x1] =	stream.indirect_vreg.gather [hbm4b:s4+s2], $0x80, v3, vm0, $0xb8;
	[tilespmem:$0x18200] =	vst v63  }
0x1d1: {  	s9 =	simm.s32 $0x11A00  }
0x1d2: {  	[tilespmem:s9], [sflag:$0x1] =	stream.indirect_vreg.gather [hbm4b:s5+s2], $0x80, v3, vm0, $0xb8;
	[tilespmem:$0x18200] =	vst v63  }
0x1d3: {  	v3 =	vld [tilespmem:$0x160];
	_ =	sdelay $0x4  }
0x1d4: {  	v54 =	vshrl.u32 v3, $0x3  }
0x1d5: {  	v4 =	vmul.u32 $0x30, v54  }
0x1d6: {  	v3 =	vand.u32 $0x7, v3  }
0x1d7: {  	v3 =	vor.u32 v3, v4  }
0x1d8: {  	v4 =	vperm.xlane v3, v0;
	_ =	sdelay $0x1  }
0x1d9: {  	v4 =	vadd.s32 v1, v4;
	_ =	sdelay $0x3  }
0x1da: {  	s9 =	simm.s32 $0x12200;
	v3 =	vperm.xlane v3, v2  }
0x1db: {  	[tilespmem:s9], [sflag:$0x1] =	stream.indirect_vreg.gather [hbm4b:s3+s2], $0x80, v4, vm0, $0xb8;
	[tilespmem:$0x18200] =	vst v63  }
0x1dc: {  	v3 =	vadd.s32 v1, v3;
	s9 =	simm.s32 $0x12A00  }
0x1dd: {  	[tilespmem:s9], [sflag:$0x1] =	stream.indirect_vreg.gather [hbm4b:s4+s2], $0x80, v4, vm0, $0xb8;
	[tilespmem:$0x18200] =	vst v63  }
0x1de: {  	s9 =	simm.s32 $0x13200  }
0x1df: {  	[tilespmem:s9], [sflag:$0x1] =	stream.indirect_vreg.gather [hbm4b:s5+s2], $0x80, v4, vm0, $0xb8;
	[tilespmem:$0x18200] =	vst v63  }
0x1e0: {  	s9 =	simm.s32 $0x13A00  }
0x1e1: {  	[tilespmem:s9], [sflag:$0x1] =	stream.indirect_vreg.gather [hbm4b:s3+s2], $0x80, v3, vm0, $0xb8;
	[tilespmem:$0x18200] =	vst v63  }
0x1e2: {  	s9 =	simm.s32 $0x14200  }
0x1e3: {  	[tilespmem:s9], [sflag:$0x1] =	stream.indirect_vreg.gather [hbm4b:s4+s2], $0x80, v3, vm0, $0xb8;
	[tilespmem:$0x18200] =	vst v63  }
0x1e4: {  	s9 =	simm.s32 $0x14A00  }
0x1e5: {  	[tilespmem:s9], [sflag:$0x1] =	stream.indirect_vreg.gather [hbm4b:s5+s2], $0x80, v3, vm0, $0xb8;
	[tilespmem:$0x18200] =	vst v63  }
0x1e6: {  	v3 =	vld [tilespmem:$0x170];
	_ =	sdelay $0x4  }
0x1e7: {  	v55 =	vshrl.u32 v3, $0x3  }
0x1e8: {  	v4 =	vmul.u32 $0x30, v55  }
0x1e9: {  	v3 =	vand.u32 $0x7, v3  }
0x1ea: {  	v3 =	vor.u32 v3, v4  }
0x1eb: {  	v4 =	vperm.xlane v3, v0;
	_ =	sdelay $0x1  }
0x1ec: {  	v4 =	vadd.s32 v1, v4;
	_ =	sdelay $0x3  }
0x1ed: {  	s9 =	simm.s32 $0x15200;
	v3 =	vperm.xlane v3, v2  }
0x1ee: {  	[tilespmem:s9], [sflag:$0x1] =	stream.indirect_vreg.gather [hbm4b:s3+s2], $0x80, v4, vm0, $0xb8;
	[tilespmem:$0x18200] =	vst v63  }
0x1ef: {  	v3 =	vadd.s32 v1, v3;
	s9 =	simm.s32 $0x15A00  }
0x1f0: {  	[tilespmem:s9], [sflag:$0x1] =	stream.indirect_vreg.gather [hbm4b:s4+s2], $0x80, v4, vm0, $0xb8;
	[tilespmem:$0x18200] =	vst v63  }
0x1f1: {  	s9 =	simm.s32 $0x16200  }
0x1f2: {  	[tilespmem:s9], [sflag:$0x1] =	stream.indirect_vreg.gather [hbm4b:s5+s2], $0x80, v4, vm0, $0xb8;
	[tilespmem:$0x18200] =	vst v63  }
0x1f3: {  	s9 =	simm.s32 $0x16A00  }
0x1f4: {  	[tilespmem:s9], [sflag:$0x1] =	stream.indirect_vreg.gather [hbm4b:s3+s2], $0x80, v3, vm0, $0xb8;
	[tilespmem:$0x18200] =	vst v63  }
0x1f5: {  	s9 =	simm.s32 $0x17200  }
0x1f6: {  	[tilespmem:s9], [sflag:$0x1] =	stream.indirect_vreg.gather [hbm4b:s4+s2], $0x80, v3, vm0, $0xb8;
	[tilespmem:$0x18200] =	vst v63  }
0x1f7: {  	s9 =	simm.s32 $0x17A00  }
0x1f8: {  	[tilespmem:s9], [sflag:$0x1] =	stream.indirect_vreg.gather [hbm4b:s5+s2], $0x80, v3, vm0, $0xb8;
	[tilespmem:$0x18200] =	vst v63  }
0x1f9: {  	_ =	swait.ge [sflag:s1], $0x18000  }
0x1fa: {  	[sflag:s1] =	ssyncset.done $0x0  }
0x1fb: {  	s9 =	rddreg [dreg:$0x8];
	[sflag:s1] =	ssyncadd.s32 $0xFFFE8000  }
0x1fc: {  	[hbm4b:s9+s2] =	stream.linear.scatter [tilespmem:s16], [sflag:$0x2], $0x18000, $0x38;
	[tilespmem:$0x18200] =	vst v63  }
0x1fd: {  	_ =	swait.ge [sflag:s7], $0x18000  }
0x1fe: {  	[sflag:s7] =	ssyncset.done $0x0  }
0x1ff: {  	[sflag:s7] =	ssyncadd.s32 $0xFFFE8000  }
0x200: {  	v3 =	vld [tilespmem:$0x180];
	_ =	sdelay $0x4  }
0x201: {  	v56 =	vshrl.u32 v3, $0x3  }
0x202: {  	v4 =	vmul.u32 $0x30, v56  }
0x203: {  	v3 =	vand.u32 $0x7, v3  }
0x204: {  	v3 =	vor.u32 v3, v4  }
0x205: {  	v4 =	vperm.xlane v3, v0;
	_ =	sdelay $0x1  }
0x206: {  	v4 =	vadd.s32 v1, v4;
	_ =	sdelay $0x3  }
0x207: {  	v3 =	vperm.xlane v3, v2  }
0x208: {  	[tilespmem:s16], [sflag:$0x1] =	stream.indirect_vreg.gather [hbm4b:s3+s2], $0x80, v4, vm0, $0xb8;
	[tilespmem:$0x18200] =	vst v63  }
0x209: {  	s17 =	simm.s32 $0xA00;
	v3 =	vadd.s32 v1, v3  }
0x20a: {  	[tilespmem:s17], [sflag:$0x1] =	stream.indirect_vreg.gather [hbm4b:s4+s2], $0x80, v4, vm0, $0xb8;
	[tilespmem:$0x18200] =	vst v63  }
0x20b: {  	s23 =	simm.s32 $0x1200  }
0x20c: {  	[tilespmem:s23], [sflag:$0x1] =	stream.indirect_vreg.gather [hbm4b:s5+s2], $0x80, v4, vm0, $0xb8;
	[tilespmem:$0x18200] =	vst v63  }
0x20d: {  	s24 =	simm.s32 $0x1A00  }
0x20e: {  	[tilespmem:s24], [sflag:$0x1] =	stream.indirect_vreg.gather [hbm4b:s3+s2], $0x80, v3, vm0, $0xb8;
	[tilespmem:$0x18200] =	vst v63  }
0x20f: {  	s25 =	simm.s32 $0x2200  }
0x210: {  	[tilespmem:s25], [sflag:$0x1] =	stream.indirect_vreg.gather [hbm4b:s4+s2], $0x80, v3, vm0, $0xb8;
	[tilespmem:$0x18200] =	vst v63  }
0x211: {  	s24 =	simm.s32 $0x2A00  }
0x212: {  	[tilespmem:s24], [sflag:$0x1] =	stream.indirect_vreg.gather [hbm4b:s5+s2], $0x80, v3, vm0, $0xb8;
	[tilespmem:$0x18200] =	vst v63  }
0x213: {  	v3 =	vld [tilespmem:$0x190];
	_ =	sdelay $0x4  }
0x214: {  	v57 =	vshrl.u32 v3, $0x3  }
0x215: {  	v4 =	vmul.u32 $0x30, v57  }
0x216: {  	v3 =	vand.u32 $0x7, v3  }
0x217: {  	v3 =	vor.u32 v3, v4  }
0x218: {  	v4 =	vperm.xlane v3, v0;
	_ =	sdelay $0x1  }
0x219: {  	v4 =	vadd.s32 v1, v4;
	_ =	sdelay $0x3  }
0x21a: {  	s25 =	simm.s32 $0x3200;
	v3 =	vperm.xlane v3, v2  }
0x21b: {  	[tilespmem:s25], [sflag:$0x1] =	stream.indirect_vreg.gather [hbm4b:s3+s2], $0x80, v4, vm0, $0xb8;
	[tilespmem:$0x18200] =	vst v63  }
0x21c: {  	s26 =	simm.s32 $0x3A00;
	v3 =	vadd.s32 v1, v3  }
0x21d: {  	[tilespmem:s26], [sflag:$0x1] =	stream.indirect_vreg.gather [hbm4b:s4+s2], $0x80, v4, vm0, $0xb8;
	[tilespmem:$0x18200] =	vst v63  }
0x21e: {  	s28 =	simm.s32 $0x4200  }
0x21f: {  	[tilespmem:s28], [sflag:$0x1] =	stream.indirect_vreg.gather [hbm4b:s5+s2], $0x80, v4, vm0, $0xb8;
	[tilespmem:$0x18200] =	vst v63  }
0x220: {  	s29 =	simm.s32 $0x4A00  }
0x221: {  	[tilespmem:s29], [sflag:$0x1] =	stream.indirect_vreg.gather [hbm4b:s3+s2], $0x80, v3, vm0, $0xb8;
	[tilespmem:$0x18200] =	vst v63  }
0x222: {  	s0 =	simm.s32 $0x5200  }
0x223: {  	[tilespmem:s0], [sflag:$0x1] =	stream.indirect_vreg.gather [hbm4b:s4+s2], $0x80, v3, vm0, $0xb8;
	[tilespmem:$0x18200] =	vst v63  }
0x224: {  	s28 =	simm.s32 $0x5A00  }
0x225: {  	[tilespmem:s28], [sflag:$0x1] =	stream.indirect_vreg.gather [hbm4b:s5+s2], $0x80, v3, vm0, $0xb8;
	[tilespmem:$0x18200] =	vst v63  }
0x226: {  	v3 =	vld [tilespmem:$0x1A0];
	_ =	sdelay $0x4  }
0x227: {  	v58 =	vshrl.u32 v3, $0x3  }
0x228: {  	v4 =	vmul.u32 $0x30, v58  }
0x229: {  	v3 =	vand.u32 $0x7, v3  }
0x22a: {  	v3 =	vor.u32 v3, v4  }
0x22b: {  	v4 =	vperm.xlane v3, v0;
	_ =	sdelay $0x1  }
0x22c: {  	v4 =	vadd.s32 v1, v4;
	_ =	sdelay $0x3  }
0x22d: {  	s29 =	simm.s32 $0x6200;
	v3 =	vperm.xlane v3, v2  }
0x22e: {  	[tilespmem:s29], [sflag:$0x1] =	stream.indirect_vreg.gather [hbm4b:s3+s2], $0x80, v4, vm0, $0xb8;
	[tilespmem:$0x18200] =	vst v63  }
0x22f: {  	s8 =	simm.s32 $0x6A00;
	v3 =	vadd.s32 v1, v3  }
0x230: {  	[tilespmem:s8], [sflag:$0x1] =	stream.indirect_vreg.gather [hbm4b:s4+s2], $0x80, v4, vm0, $0xb8;
	[tilespmem:$0x18200] =	vst v63  }
0x231: {  	s10 =	simm.s32 $0x7200  }
0x232: {  	[tilespmem:s10], [sflag:$0x1] =	stream.indirect_vreg.gather [hbm4b:s5+s2], $0x80, v4, vm0, $0xb8;
	[tilespmem:$0x18200] =	vst v63  }
0x233: {  	s11 =	simm.s32 $0x7A00  }
0x234: {  	[tilespmem:s11], [sflag:$0x1] =	stream.indirect_vreg.gather [hbm4b:s3+s2], $0x80, v3, vm0, $0xb8;
	[tilespmem:$0x18200] =	vst v63  }
0x235: {  	s12 =	simm.s32 $0x8200  }
0x236: {  	[tilespmem:s12], [sflag:$0x1] =	stream.indirect_vreg.gather [hbm4b:s4+s2], $0x80, v3, vm0, $0xb8;
	[tilespmem:$0x18200] =	vst v63  }
0x237: {  	s8 =	simm.s32 $0x8A00  }
0x238: {  	[tilespmem:s8], [sflag:$0x1] =	stream.indirect_vreg.gather [hbm4b:s5+s2], $0x80, v3, vm0, $0xb8;
	[tilespmem:$0x18200] =	vst v63  }
0x239: {  	v3 =	vld [tilespmem:$0x1B0];
	_ =	sdelay $0x4  }
0x23a: {  	v59 =	vshrl.u32 v3, $0x3  }
0x23b: {  	v4 =	vmul.u32 $0x30, v59  }
0x23c: {  	v3 =	vand.u32 $0x7, v3  }
0x23d: {  	v3 =	vor.u32 v3, v4  }
0x23e: {  	v4 =	vperm.xlane v3, v0;
	_ =	sdelay $0x1  }
0x23f: {  	v4 =	vadd.s32 v1, v4;
	_ =	sdelay $0x3  }
0x240: {  	s9 =	simm.s32 $0x9200;
	v3 =	vperm.xlane v3, v2  }
0x241: {  	[tilespmem:s9], [sflag:$0x1] =	stream.indirect_vreg.gather [hbm4b:s3+s2], $0x80, v4, vm0, $0xb8;
	[tilespmem:$0x18200] =	vst v63  }
0x242: {  	s13 =	simm.s32 $0x9A00;
	v3 =	vadd.s32 v1, v3  }
0x243: {  	[tilespmem:s13], [sflag:$0x1] =	stream.indirect_vreg.gather [hbm4b:s4+s2], $0x80, v4, vm0, $0xb8;
	[tilespmem:$0x18200] =	vst v63  }
0x244: {  	s14 =	simm.s32 $0xA200  }
0x245: {  	[tilespmem:s14], [sflag:$0x1] =	stream.indirect_vreg.gather [hbm4b:s5+s2], $0x80, v4, vm0, $0xb8;
	[tilespmem:$0x18200] =	vst v63  }
0x246: {  	s15 =	simm.s32 $0xAA00  }
0x247: {  	[tilespmem:s15], [sflag:$0x1] =	stream.indirect_vreg.gather [hbm4b:s3+s2], $0x80, v3, vm0, $0xb8;
	[tilespmem:$0x18200] =	vst v63  }
0x248: {  	s10 =	simm.s32 $0xB200  }
0x249: {  	[tilespmem:s10], [sflag:$0x1] =	stream.indirect_vreg.gather [hbm4b:s4+s2], $0x80, v3, vm0, $0xb8;
	[tilespmem:$0x18200] =	vst v63  }
0x24a: {  	s11 =	simm.s32 $0xBA00  }
0x24b: {  	[tilespmem:s11], [sflag:$0x1] =	stream.indirect_vreg.gather [hbm4b:s5+s2], $0x80, v3, vm0, $0xb8;
	[tilespmem:$0x18200] =	vst v63  }
0x24c: {  	v3 =	vld [tilespmem:$0x1C0];
	_ =	sdelay $0x4  }
0x24d: {  	v60 =	vshrl.u32 v3, $0x3  }
0x24e: {  	v4 =	vmul.u32 $0x30, v60  }
0x24f: {  	v3 =	vand.u32 $0x7, v3  }
0x250: {  	v3 =	vor.u32 v3, v4  }
0x251: {  	v4 =	vperm.xlane v3, v0;
	_ =	sdelay $0x1  }
0x252: {  	v4 =	vadd.s32 v1, v4;
	_ =	sdelay $0x3  }
0x253: {  	s12 =	simm.s32 $0xC200;
	v3 =	vperm.xlane v3, v2  }
0x254: {  	[tilespmem:s12], [sflag:$0x1] =	stream.indirect_vreg.gather [hbm4b:s3+s2], $0x80, v4, vm0, $0xb8;
	[tilespmem:$0x18200] =	vst v63  }
0x255: {  	s30 =	simm.s32 $0xCA00;
	v3 =	vadd.s32 v1, v3  }
0x256: {  	[tilespmem:s30], [sflag:$0x1] =	stream.indirect_vreg.gather [hbm4b:s4+s2], $0x80, v4, vm0, $0xb8;
	[tilespmem:$0x18200] =	vst v63  }
0x257: {  	s18 =	simm.s32 $0xD200  }
0x258: {  	[tilespmem:s18], [sflag:$0x1] =	stream.indirect_vreg.gather [hbm4b:s5+s2], $0x80, v4, vm0, $0xb8;
	[tilespmem:$0x18200] =	vst v63  }
0x259: {  	s31 =	simm.s32 $0xDA00  }
0x25a: {  	[tilespmem:s31], [sflag:$0x1] =	stream.indirect_vreg.gather [hbm4b:s3+s2], $0x80, v3, vm0, $0xb8;
	[tilespmem:$0x18200] =	vst v63  }
0x25b: {  	s19 =	simm.s32 $0xE200  }
0x25c: {  	[tilespmem:s19], [sflag:$0x1] =	stream.indirect_vreg.gather [hbm4b:s4+s2], $0x80, v3, vm0, $0xb8;
	[tilespmem:$0x18200] =	vst v63  }
0x25d: {  	s13 =	simm.s32 $0xEA00  }
0x25e: {  	[tilespmem:s13], [sflag:$0x1] =	stream.indirect_vreg.gather [hbm4b:s5+s2], $0x80, v3, vm0, $0xb8;
	[tilespmem:$0x18200] =	vst v63  }
0x25f: {  	v3 =	vld [tilespmem:$0x1D0];
	_ =	sdelay $0x4  }
0x260: {  	v61 =	vshrl.u32 v3, $0x3  }
0x261: {  	v4 =	vmul.u32 $0x30, v61  }
0x262: {  	v3 =	vand.u32 $0x7, v3  }
0x263: {  	v3 =	vor.u32 v3, v4  }
0x264: {  	v4 =	vperm.xlane v3, v0;
	_ =	sdelay $0x1  }
0x265: {  	v4 =	vadd.s32 v1, v4;
	_ =	sdelay $0x3  }
0x266: {  	s14 =	simm.s32 $0xF200;
	v3 =	vperm.xlane v3, v2  }
0x267: {  	[tilespmem:s14], [sflag:$0x1] =	stream.indirect_vreg.gather [hbm4b:s3+s2], $0x80, v4, vm0, $0xb8;
	[tilespmem:$0x18200] =	vst v63  }
0x268: {  	s20 =	simm.s32 $0xFA00;
	v3 =	vadd.s32 v1, v3  }
0x269: {  	[tilespmem:s20], [sflag:$0x1] =	stream.indirect_vreg.gather [hbm4b:s4+s2], $0x80, v4, vm0, $0xb8;
	[tilespmem:$0x18200] =	vst v63  }
0x26a: {  	s21 =	simm.s32 $0x10200  }
0x26b: {  	[tilespmem:s21], [sflag:$0x1] =	stream.indirect_vreg.gather [hbm4b:s5+s2], $0x80, v4, vm0, $0xb8;
	[tilespmem:$0x18200] =	vst v63  }
0x26c: {  	s22 =	simm.s32 $0x10A00  }
0x26d: {  	[tilespmem:s22], [sflag:$0x1] =	stream.indirect_vreg.gather [hbm4b:s3+s2], $0x80, v3, vm0, $0xb8;
	[tilespmem:$0x18200] =	vst v63  }
0x26e: {  	s15 =	simm.s32 $0x11200  }
0x26f: {  	[tilespmem:s15], [sflag:$0x1] =	stream.indirect_vreg.gather [hbm4b:s4+s2], $0x80, v3, vm0, $0xb8;
	[tilespmem:$0x18200] =	vst v63  }
0x270: {  	s17 =	simm.s32 $0x11A00  }
0x271: {  	[tilespmem:s17], [sflag:$0x1] =	stream.indirect_vreg.gather [hbm4b:s5+s2], $0x80, v3, vm0, $0xb8;
	[tilespmem:$0x18200] =	vst v63  }
0x272: {  	v3 =	vld [tilespmem:$0x1E0];
	_ =	sdelay $0x4  }
0x273: {  	v62 =	vshrl.u32 v3, $0x3  }
0x274: {  	v4 =	vmul.u32 $0x30, v62  }
0x275: {  	v3 =	vand.u32 $0x7, v3  }
0x276: {  	v3 =	vor.u32 v3, v4  }
0x277: {  	v4 =	vperm.xlane v3, v0;
	_ =	sdelay $0x1  }
0x278: {  	v4 =	vadd.s32 v1, v4;
	_ =	sdelay $0x3  }
0x279: {  	s18 =	simm.s32 $0x12200;
	v3 =	vperm.xlane v3, v2  }
0x27a: {  	[tilespmem:s18], [sflag:$0x1] =	stream.indirect_vreg.gather [hbm4b:s3+s2], $0x80, v4, vm0, $0xb8;
	[tilespmem:$0x18200] =	vst v63  }
0x27b: {  	s19 =	simm.s32 $0x12A00;
	v3 =	vadd.s32 v1, v3  }
0x27c: {  	[tilespmem:s19], [sflag:$0x1] =	stream.indirect_vreg.gather [hbm4b:s4+s2], $0x80, v4, vm0, $0xb8;
	[tilespmem:$0x18200] =	vst v63  }
0x27d: {  	s20 =	simm.s32 $0x13200  }
0x27e: {  	[tilespmem:s20], [sflag:$0x1] =	stream.indirect_vreg.gather [hbm4b:s5+s2], $0x80, v4, vm0, $0xb8;
	[tilespmem:$0x18200] =	vst v63  }
0x27f: {  	s21 =	simm.s32 $0x13A00  }
0x280: {  	[tilespmem:s21], [sflag:$0x1] =	stream.indirect_vreg.gather [hbm4b:s3+s2], $0x80, v3, vm0, $0xb8;
	[tilespmem:$0x18200] =	vst v63  }
0x281: {  	s22 =	simm.s32 $0x14200  }
0x282: {  	[tilespmem:s22], [sflag:$0x1] =	stream.indirect_vreg.gather [hbm4b:s4+s2], $0x80, v3, vm0, $0xb8;
	[tilespmem:$0x18200] =	vst v63  }
0x283: {  	s23 =	simm.s32 $0x14A00  }
0x284: {  	[tilespmem:s23], [sflag:$0x1] =	stream.indirect_vreg.gather [hbm4b:s5+s2], $0x80, v3, vm0, $0xb8;
	[tilespmem:$0x18200] =	vst v63  }
0x285: {  	v3 =	vld [tilespmem:$0x1F0];
	_ =	sdelay $0x4  }
0x286: {  	v63 =	vshrl.u32 v3, $0x3  }
0x287: {  	v4 =	vmul.u32 $0x30, v63  }
0x288: {  	v3 =	vand.u32 $0x7, v3  }
0x289: {  	v3 =	vor.u32 v3, v4  }
0x28a: {  	v4 =	vperm.xlane v3, v0;
	_ =	sdelay $0x1  }
0x28b: {  	v4 =	vadd.s32 v1, v4;
	_ =	sdelay $0x3  }
0x28c: {  	s24 =	simm.s32 $0x15200;
	v3 =	vperm.xlane v3, v2  }
0x28d: {  	[tilespmem:s24], [sflag:$0x1] =	stream.indirect_vreg.gather [hbm4b:s3+s2], $0x80, v4, vm0, $0xb8;
	[tilespmem:$0x18200] =	vst v63  }
0x28e: {  	s25 =	simm.s32 $0x15A00;
	v3 =	vadd.s32 v1, v3  }
0x28f: {  	[tilespmem:s25], [sflag:$0x1] =	stream.indirect_vreg.gather [hbm4b:s4+s2], $0x80, v4, vm0, $0xb8;
	[tilespmem:$0x18200] =	vst v63  }
0x290: {  	s26 =	simm.s32 $0x16200  }
0x291: {  	[tilespmem:s26], [sflag:$0x1] =	stream.indirect_vreg.gather [hbm4b:s5+s2], $0x80, v4, vm0, $0xb8;
	[tilespmem:$0x18200] =	vst v63  }
0x292: {  	s28 =	simm.s32 $0x16A00  }
0x293: {  	[tilespmem:s28], [sflag:$0x1] =	stream.indirect_vreg.gather [hbm4b:s3+s2], $0x80, v3, vm0, $0xb8;
	[tilespmem:$0x18200] =	vst v63  }
0x294: {  	s29 =	simm.s32 $0x17200  }
0x295: {  	[tilespmem:s29], [sflag:$0x1] =	stream.indirect_vreg.gather [hbm4b:s4+s2], $0x80, v3, vm0, $0xb8;
	[tilespmem:$0x18200] =	vst v63  }
0x296: {  	s30 =	simm.s32 $0x17A00  }
0x297: {  	[tilespmem:s30], [sflag:$0x1] =	stream.indirect_vreg.gather [hbm4b:s5+s2], $0x80, v3, vm0, $0xb8;
	[tilespmem:$0x18200] =	vst v63  }
0x298: {  	_ =	swait.ge [sflag:s1], $0x18000  }
0x299: {  	p0 =	sne.s32 s6, $0x1;
	[sflag:s1] =	ssyncset.done $0x0  }
.Ltmp0:
0x29a: {  	s31 =	rddreg [dreg:$0x9];
	[sflag:s1] =	ssyncadd.s32 $0xFFFE8000;
	(pc) =	sbr.rel @p0 .LBB2_1-.Ltmp0, $4  }
0x29b: {  	[hbm4b:s31+s2] =	stream.linear.scatter [tilespmem:s16], [sflag:$0x2], $0x18000, $0x38;
	[tilespmem:$0x18200] =	vst v63  }
0x29c: {  	_ =	swait.ge [sflag:s7], $0x18000  }
0x29d: {  	[sflag:s7] =	ssyncset.done $0x0  }
0x29e: {  	s6 =	sadd.s32 $0xFFFFFFFF, s6;
	[sflag:s7] =	ssyncadd.s32 $0xFFFE8000  }
0x29f: {  	_ =	sfence.sel $0x180000  }
0x2a0: {  	[bflag:$0x0] =	sbarrier.arrive $0xFFFF  }
0x2a1: {  	_ =	strace $0x9000004A  }
0x2a2: {  	s0 =	stileid.u32;
	[bflag:$0x2] =	sbarrier.arrive $0xFFFF  }
0x2a3: {  	p0 =	sne.s32 s0, $0x0;
	s0 =	rddreg [dreg:$0x1]  }
0x2a4: {  	s0 =	sadd.s32 @!p0 $0x100000, s0  }
0x2a5: {  	[sflag:s0] =	ssyncadd.tile.s32 @!p0 $0x1;
	_ =	shalt  }
.Lfunc_end2:
_tile_overlayer_lowered:
.L_overlay_start_2:
0x2a6: {  	(tag) =	ssettag $0x2  }
0x2a7: {  	s0 =	rddreg [dreg:$0x0];
	s2 =	stileid.u32  }
0x2a8: {  	s1 =	rddreg [dreg:$0x1];
	p0 =	sne.s32 s2, $0x0  }
0x2a9: {  	s3 =	rddreg [dreg:$0x2];
	[bflag:$0x3] =	sbarrier.arrive $0xFFFF;
	s2 =	simm.s32 @!p0 $0x1C02  }
0x2aa: {  	[timem:s3], [sflag:s2] =	dma.local @!p0 [hbm:s0], s1  }
0x2ab: {  	s0 =	simm.s32 @!p0 $0x2  }
0x2ac: {  	_ =	swait.ge @!p0 [sflag:s0], s1  }
0x2ad: {  	s1 =	ssub.s32 @!p0 $0x0, s1;
	[sflag:s0] =	ssyncset.done @!p0 $0x0  }
0x2ae: {  	[sflag:s0] =	ssyncadd.s32 @!p0 s1  }
0x2af: {  	[bflag:$0x3] =	sbarrier.arrive $0xFFFF  }
0x2b0: {  	_ =	shalt  }

// kernel: kernel.8.cloned.1.call-start
scs
__scs_entry_jumppad:
0x0: {  	(pc) =	sbr.rel $0x88, $3  }
0x1: {  	(tag) =	ssettag $0x0;
	lr =	simm.s32 $0x1  }
0x2: {  	[smem:$0x3F91] =	sst lr;
	_ =	strace $0xD0000000  }
0x3: {  	_ = 	snop  }
0x4: {  	_ = 	snop  }
0x5: {  	_ = 	snop  }
0x6: {  	_ = 	snop  }
0x7: {  	_ = 	snop  }
__scs_overlays_trampoline_lowered:
0x8: {  	[smem:$0x3FA0] =	sst s0  }
0x9: {  	[smem:$0x3FA1] =	sst s1  }
0xa: {  	[smem:$0x3FA2] =	sst s2  }
0xb: {  	[smem:$0x3FA3] =	sst s3  }
0xc: {  	[smem:$0x3FA4] =	sst s4  }
0xd: {  	[smem:$0x3FA5] =	sst s5  }
0xe: {  	[smem:$0x3FA6] =	sst s6  }
0xf: {  	[smem:$0x3FA7] =	sst s7  }
0x10: {  	[smem:$0x3FA8] =	sst s8  }
0x11: {  	[smem:$0x3FA9] =	sst s9;
	s0 =	simm.s32 @!p0 $0x0  }
0x12: {  	s1 =	sld [smem:$0x3F8F];
	s0 =	simm.s32 @p0 $0x1  }
0x13: {  	[smem:$0x3FAA] =	sst s0;
	s0 =	simm.s32 @!p1 $0x0  }
0x14: {  	s2 =	sld [smem:$0x3F8E];
	s0 =	simm.s32 @p1 $0x1  }
0x15: {  	[smem:$0x3FAB] =	sst s0;
	s0 =	simm.s32 @!p2 $0x0  }
0x16: {  	s3 =	sld [smem:$0x3FDB];
	s0 =	simm.s32 @p2 $0x1  }
0x17: {  	s4 =	simm.s32 $0x1BF5;
	[smem:$0x3FAD] =	sst s0  }
0x18: {  	s0 =	sld [smem:$0x3F90];
	_ =	swait.ge [sflag:s4], $0x0  }
0x19: {  	s7 =	sld [smem:$0x3F91]  }
0x1a: {  	s8 =	sadd.s32 $0xFFFFE003, lr  }
0x1b: {  	s9 =	sadd.s32 $0xFFFFFEF7, lr;
	s5 =	simm.s32 $0xFFFFFFFF;
	p2 =	slt.u32 s8, $0xFFFFF086  }
0x1c: {  	p1 =	slt.u32 s9, $0xF7A;
	s5 =	simm.s32 @!p2 $0x0  }
0x1d: {  	s5 =	simm.s32 @p1 $0x1;
	p0 =	seq.s32 s7, s2  }
0x1e: {  	s7 =	smul.u32 @!p0 $0xF7A, s2;
	p2 =	seq.s32 @!p0 s5, $0x0  }
0x1f: {  	s9 =	smul.u32 $0xF7A, s1;
	s8 =	simm.s32 @!p0 $0x1BF5;
	p2 =	por !p2, p0  }
0x20: {  	[sflag:s8] =	ssyncset.s32 @!p0 $0xFFFFF086;
	s6 =	sadd.s32 @!p0 s3, s7;
	s7 =	simm.s32 @!p0 $0x108  }
0x21: {  	s3 =	sadd.s32 s3, s9;
	s6 =	sadd.s32 @!p0 $0x88, s6;
	s7 =	simm.s32 @p2 $0x1082  }
0x22: {  	[simem:s7], [sflag:s8] =	dma.local @!p0 [hbm:s6], $0xF7A  }
0x23: {  	s9 =	sor.u32 $0xD0000000, s2;
	s6 =	simm.s32 $0x108;
	_ =	swait.ge @!p0 [sflag:s8], $0x0  }
0x24: {  	s3 =	sadd.s32 $0x88, s3;
	s6 =	simm.s32 @!p1 $0x1082;
	[sflag:s4] =	ssyncset.s32 $0xFFFFF086  }
0x25: {  	[simem:s6], [sflag:s4] =	dma.local [hbm:s3], $0xF7A  }
0x26: {  	[smem:$0x3F91] =	sst s1;
	(tag) =	ssettag s2;
	_ =	strace s9  }
0x27: {  	s1 =	sld [smem:$0x3FA1]  }
0x28: {  	s2 =	sld [smem:$0x3FA2]  }
0x29: {  	s4 =	sld [smem:$0x3FA4]  }
0x2a: {  	p0 =	seq.s32 s5, $0x0;
	s5 =	sld [smem:$0x3FA5]  }
0x2b: {  	s6 =	sld [smem:$0x3FA6]  }
0x2c: {  	s7 =	sld [smem:$0x3FA7]  }
0x2d: {  	s3 =	simm.s32 $0x108;
	s8 =	sld [smem:$0x3FA8]  }
0x2e: {  	s3 =	simm.s32 @!p0 $0x1082;
	s9 =	sld [smem:$0x3FA9]  }
0x2f: {  	lr =	sadd.s32 s0, s3;
	s0 =	sld [smem:$0x3FA0]  }
0x30: {  	s3 =	sld [smem:$0x3FA3]  }
0x31: {  	[smem:$0x3FAC] =	sst s10  }
0x32: {  	s10 =	sld [smem:$0x3FAA];
	_ =	sdelay $0x3  }
0x33: {  	p0 =	seq.s32 s10, $0x1;
	s10 =	sld [smem:$0x3FAC];
	_ =	sdelay $0x3  }
0x34: {  	[smem:$0x3FAC] =	sst s10  }
0x35: {  	s10 =	sld [smem:$0x3FAB];
	_ =	sdelay $0x3  }
0x36: {  	p1 =	seq.s32 s10, $0x1;
	s10 =	sld [smem:$0x3FAC];
	_ =	sdelay $0x3  }
0x37: {  	[smem:$0x3FAC] =	sst s10  }
0x38: {  	s10 =	sld [smem:$0x3FAD]  }
0x39: {  	_ = 	snop;
	(pc) =	sbr.ind lr, $3  }
0x3a: {  	_ = 	snop  }
0x3b: {  	_ = 	snop  }
0x3c: {  	p2 =	seq.s32 s10, $0x1;
	s10 =	sld [smem:$0x3FAC]  }
0x3d: {  	_ =	shalt  }
0x3e: {  	_ =	shalt  }
0x3f: {  	_ =	shalt  }
0x40: {  	_ =	shalt  }
0x41: {  	_ =	shalt  }
0x42: {  	_ =	shalt  }
0x43: {  	_ =	shalt  }
0x44: {  	_ =	shalt  }
0x45: {  	_ =	shalt  }
0x46: {  	_ =	shalt  }
0x47: {  	_ =	shalt  }
0x48: {  	_ =	shalt  }
0x49: {  	_ =	shalt  }
0x4a: {  	_ =	shalt  }
0x4b: {  	_ =	shalt  }
0x4c: {  	_ =	shalt  }
0x4d: {  	_ =	shalt  }
0x4e: {  	_ =	shalt  }
0x4f: {  	_ =	shalt  }
0x50: {  	_ =	shalt  }
0x51: {  	_ =	shalt  }
0x52: {  	_ =	shalt  }
0x53: {  	_ =	shalt  }
0x54: {  	_ =	shalt  }
0x55: {  	_ =	shalt  }
0x56: {  	_ =	shalt  }
0x57: {  	_ =	shalt  }
0x58: {  	_ =	shalt  }
0x59: {  	_ =	shalt  }
0x5a: {  	_ =	shalt  }
0x5b: {  	_ =	shalt  }
0x5c: {  	_ =	shalt  }
0x5d: {  	_ =	shalt  }
0x5e: {  	_ =	shalt  }
0x5f: {  	_ =	shalt  }
0x60: {  	_ =	shalt  }
0x61: {  	_ =	shalt  }
0x62: {  	_ =	shalt  }
0x63: {  	_ =	shalt  }
0x64: {  	_ =	shalt  }
0x65: {  	_ =	shalt  }
0x66: {  	_ =	shalt  }
0x67: {  	_ =	shalt  }
0x68: {  	_ =	shalt  }
0x69: {  	_ =	shalt  }
0x6a: {  	_ =	shalt  }
0x6b: {  	_ =	shalt  }
0x6c: {  	_ =	shalt  }
0x6d: {  	_ =	shalt  }
0x6e: {  	_ =	shalt  }
0x6f: {  	_ =	shalt  }
0x70: {  	_ =	shalt  }
0x71: {  	_ =	shalt  }
0x72: {  	_ =	shalt  }
0x73: {  	_ =	shalt  }
0x74: {  	_ =	shalt  }
0x75: {  	_ =	shalt  }
0x76: {  	_ =	shalt  }
0x77: {  	_ =	shalt  }
0x78: {  	_ =	shalt  }
0x79: {  	_ =	shalt  }
0x7a: {  	_ =	shalt  }
0x7b: {  	_ =	shalt  }
0x7c: {  	_ =	shalt  }
0x7d: {  	_ =	shalt  }
0x7e: {  	_ =	shalt  }
0x7f: {  	_ =	shalt  }
0x80: {  	_ =	shalt  }
0x81: {  	_ =	shalt  }
0x82: {  	_ =	shalt  }
0x83: {  	_ =	shalt  }
0x84: {  	_ =	shalt  }
0x85: {  	_ =	shalt  }
0x86: {  	_ =	shalt  }
0x87: {  	_ =	shalt  }
.Lfunc_end0:
.L_simem_size_0:
called_computation_lowered:
.L_overlay_start_0:
0x88: {  	s2 =	sld [smem:$0x3FD9]  }
0x89: {  	s3 =	sld [smem:$0x3FFE];
	_ =	sdelay $0x1  }
0x8a: {  	s1 =	srdreg.scid  }
0x8b: {  	s0 =	sand.u32 $0x1, s1  }
0x8c: {  	s17 =	sshll.u32 s0, $0xA;
	s2 =	sadd.s32 s3, s2  }
0x8d: {  	s2 =	sadd.s32 s2, s17  }
0x8e: {  	[smem:$0x3FB8] =	sst s2  }
0x8f: {  	_ = 	snop  }
0x90: {  	s2 =	sld [smem:$0x3FD0];
	(tm) =	ssettm $0x1  }
0x91: {  	s18 =	sld [smem:$0x3FFB];
	_ =	sdelay $0x3  }
0x92: {  	_ =	strace s18  }
0x93: {  	s3 =	sld [smem:$0x3FFC];
	_ =	sdelay $0x3  }
0x94: {  	_ =	strace s3  }
0x95: {  	s3 =	sld [smem:$0x3FFD];
	_ =	sdelay $0x3  }
0x96: {  	_ =	strace s3  }
0x97: {  	_ =	strace $0x8FFFFFFF  }
0x98: {  	s19 =	sld [smem:$0x3FDB];
	_ =	sdelay $0x1  }
0x99: {  	s4 =	simm.s32 $_scs_section_size  }
0x9a: {  	s5 =	simm.s32 $_size__tile_overlayer_lowered;
	s6 =	simm.s32 $_tile_overlayer_lowered  }
0x9b: {  	s22 =	simm.s32 $0x1BFF;
	s21 =	sshll.u32 s6, $0x1;
	s3 =	sadd.s32 s4, s19  }
0x9c: {  	s7 =	simm.s32 $0x0;
	s20 =	sshll.u32 s5, $0x1;
	s5 =	sadd.s32 s21, s3  }
0x9d: {  	[timem:s7], [sflag:s22] =	dma.local [hbm:s5], s20  }
0x9e: {  	_ =	swait.ge [sflag:s22], s20  }
0x9f: {  	s4 =	ssub.s32 $0x0, s20;
	[sflag:s22] =	ssyncset.done $0x0  }
0xa0: {  	[sflag:s22] =	ssyncadd.s32 s4;
	_ =	sdelay $0x1  }
0xa1: {  	s23 =	simm.s32 $0x1B8B  }
0xa2: {  	_ =	swait.ge [sflag:s23], $0x1  }
0xa3: {  	[sflag:s23] =	ssyncset.done $0x0  }
0xa4: {  	s25 =	simm.s32 $0x1B8E;
	s24 =	sld [smem:$0x3FFE];
	[sflag:s23] =	ssyncadd.s32 $0xFFFFFFFF  }
0xa5: {  	s26 =	simm.s32 $execute0_lowered;
	[smem:$0x3FD2] =	sst s25  }
0xa6: {  	s5 =	sshll.u32 s26, $0x1;
	_ =	strace $0x80000046;
	[dreg:$0x1] =	wrdreg $0xFFFFFFFF  }
0xa7: {  	s28 =	simm.s32 $_size_execute0_lowered;
	s3 =	sadd.s32 s3, s5;
	[dreg:$0x0] =	wrdreg $0x0  }
0xa8: {  	s5 =	sshll.u32 s28, $0x1;
	[dreg:$0x2] =	wrdreg s3  }
0xa9: {  	[dreg:$0x3] =	wrdreg s5  }
0xaa: {  	[dreg:$0x4] =	wrdreg $0xC0  }
0xab: {  	_ =	task [dreg:s7], $0x5FFFF  }
0xac: {  	[dreg:$0x1] =	wrdreg $0xFFFFFFFF  }
0xad: {  	[dreg:$0x0] =	wrdreg $0x60  }
0xae: {  	[dreg:$0x2] =	wrdreg s2  }
0xaf: {  	[dreg:$0x3] =	wrdreg s24  }
0xb0: {  	[dreg:$0x4] =	wrdreg $0x9  }
0xb1: {  	_ =	task.clear_ibuf [dreg:s7], $0x5FFFF;
	_ =	strace $0x90000046  }
0xb2: {  	s29 =	simm.s32 $0x9;
	_ =	strace $0x80000048  }
0xb3: {  	_ =	swait.ge [sflag:s29], $0x1  }
0xb4: {  	[sflag:s29] =	ssyncadd.s32 $0xFFFFFFFF  }
0xb5: {  	_ =	strace $0x90000048  }
0xb6: {  	_ =	sfence  }
0xb7: {  	s30 =	sld [smem:$0x0];
	_ =	sdelay $0x2  }
0xb8: {  	s31 =	sshll.u32 s1, $0xD;
	s1 =	sshrl.u32 s1, $0x2  }
0xb9: {  	s3 =	sand.u32 $0x4000, s31;
	s1 =	sadd.s32 s1, s30  }
0xba: {  	s0 =	sor.u32 s3, s0;
	s1 =	sshll.u32 s1, $0x11  }
0xbb: {  	s0 =	sor.u32 s1, s0  }
0xbc: {  	s0 =	sadd.s32 $0x8F2B, s0  }
0xbd: {  	[sflag:s0] =	ssyncadd.remote.s32 $0x1  }
0xbe: {  	_ =	sfence.sel $0xFFFF  }
0xbf: {  	[dreg:$0x0] =	wrdreg $0xFFFFFFFF;
	(pc) =	sbr.abs _section_cstart, $3  }
0xc0: {  	[dreg:$0x1] =	wrdreg $0xFFFFFFFF  }
0xc1: {  	_ =	task.clear_ibuf [dreg:s7], $0x2FFFF;
	_ =	strace $0x9FFFFFFF  }
0xc2: {  	(tm) =	ssettm $0x7FFFFFFF  }
0xc3: {  	_ =	shalt  }
tec
execute0_lowered:
.L_overlay_start_1:
0x0: {  	(tag) =	ssettag $0x1  }
0x1: {  	s0 =	rddreg [dreg:$0x0]  }
0x2: {  	s1 =	rddreg [dreg:$0x1]  }
0x3: {  	s2 =	srdreg.scid;
	s3 =	stileid.u32;
	s29 =	simm.s32 $0x80  }
0x4: {  	s30 =	simm.s32 $0x100;
	s31 =	simm.s32 $0x180;
	s16 =	simm.s32 $0x1  }
0x5: {  	s4 =	sand.u32 $0x1, s2;
	s2 =	simm.s32 $0x0;
	s3 =	sshll.u32 s3, $0x7  }
0x6: {  	s6 =	sadd.s32 $0x41A00, s1;
	s5 =	sshll.u32 s4, $0x6;
	[smem:$0x7FF] =	sst s2  }
0x7: {  	s4 =	ssub.s32 $0x2, s4;
	_ =	strace $0x80000047;
	[dreg:$0xb] =	wrdreg s29  }
0x8: {  	s5 =	sor.u32 s5, s3;
	s3 =	sadd.s32 $0x42200, s1;
	[dreg:$0xc] =	wrdreg s30  }
0x9: {  	s25 =	sshrl.u32 s4, $0x1;
	[dreg:$0xd] =	wrdreg s31;
	s7 =	sadd.s32 s6, s5  }
0xa: {  	s8 =	sor.u32 $0x10, s5;
	s21 =	sor.u32 $0x20, s5;
	s10 =	sor.u32 $0x30, s5  }
0xb: {  	s5 =	smul.u32 $0x300, s5;
	[dreg:$0x3] =	wrdreg s7;
	s20 =	sadd.s32 s6, s8  }
0xc: {  	s28 =	ssub.s32 s4, s25;
	s9 =	sadd.s32 s6, s21;
	[dreg:$0x4] =	wrdreg s20  }
0xd: {  	s6 =	sadd.s32 s6, s10;
	s8 =	smul.u32 $0x300, s8;
	[dreg:$0x5] =	wrdreg s9  }
0xe: {  	s22 =	smul.u32 $0x300, s21;
	[dreg:$0x6] =	wrdreg s6;
	s5 =	sadd.s32 s0, s5  }
0xf: {  	s24 =	smul.u32 $0x300, s10;
	[dreg:$0x7] =	wrdreg s5;
	s23 =	sadd.s32 s0, s8  }
0x10: {  	v2 =	vlaneseq.u32;
	s4 =	sadd.s32 $0x42300, s1;
	s26 =	sadd.s32 s0, s22;
	[dreg:$0x8] =	wrdreg s23  }
0x11: {  	vm0 =	vmmov $0xffff;
	v1 =	vshrl.u32 v2, $0x3;
	s7 =	simm.s32 $0x2;
	s0 =	sadd.s32 s0, s24;
	[dreg:$0x9] =	wrdreg s26  }
0x12: {  	v0 =	vand.u32 $0x7, v2;
	v2 =	vor.u32 $0x8, v2;
	v1 =	vmul.u32 $0x8, v1;
	s6 =	smax.u32 s28, $0x1;
	s5 =	sadd.s32 $0x42400, s1;
	[dreg:$0xa] =	wrdreg s0  }
.LBB2_1:
0x13: {  	s11 =	rddreg [dreg:$0x3]  }
0x14: {  	[tilespmem:s2], [sflag:$0x2] =	stream.linear.gather [hbm4b:s11+s2], $0x80, $0x38;
	[tilespmem:$0x18200] =	vst v63  }
0x15: {  	_ =	swait.ge [sflag:s7], $0x80  }
0x16: {  	s29 =	rddreg [dreg:$0x4];
	[sflag:s7] =	ssyncset.done $0x0  }
0x17: {  	s12 =	rddreg [dreg:$0xb];
	[sflag:s7] =	ssyncadd.s32 $0xFFFFFF80  }
0x18: {  	[tilespmem:s12], [sflag:$0x2] =	stream.linear.gather [hbm4b:s29+s2], $0x80, $0x38;
	[tilespmem:$0x18200] =	vst v63  }
0x19: {  	_ =	swait.ge [sflag:s7], $0x80  }
0x1a: {  	s30 =	rddreg [dreg:$0x5];
	[sflag:s7] =	ssyncset.done $0x0  }
0x1b: {  	s31 =	rddreg [dreg:$0xc];
	[sflag:s7] =	ssyncadd.s32 $0xFFFFFF80  }
0x1c: {  	[tilespmem:s31], [sflag:$0x2] =	stream.linear.gather [hbm4b:s30+s2], $0x80, $0x38;
	[tilespmem:$0x18200] =	vst v63  }
0x1d: {  	_ =	swait.ge [sflag:s7], $0x80  }
0x1e: {  	s0 =	rddreg [dreg:$0x6];
	[sflag:s7] =	ssyncset.done $0x0  }
0x1f: {  	s1 =	rddreg [dreg:$0xd];
	[sflag:s7] =	ssyncadd.s32 $0xFFFFFF80  }
0x20: {  	[tilespmem:s1], [sflag:$0x2] =	stream.linear.gather [hbm4b:s0+s2], $0x80, $0x38;
	[tilespmem:$0x18200] =	vst v63  }
0x21: {  	_ =	swait.ge [sflag:s7], $0x80  }
0x22: {  	[sflag:s7] =	ssyncset.done $0x0  }
0x23: {  	s1 =	simm.s32 $0x200;
	s8 =	rddreg [dreg:$0x7];
	[sflag:s7] =	ssyncadd.s32 $0xFFFFFF80  }
0x24: {  	[tilespmem:s1], [sflag:$0x1] =	stream.linear.gather [hbm4b:s8+s2], $0x18000, $0x38;
	[tilespmem:$0x18200] =	vst v63  }
0x25: {  	_ =	swait.ge [sflag:s16], $0x18000  }
0x26: {  	[sflag:s16] =	ssyncset.done $0x0  }
0x27: {  	[sflag:s16] =	ssyncadd.s32 $0xFFFE8000  }
0x28: {  	v3 =	vld [tilespmem:$0x0];
	_ =	sdelay $0x4  }
0x29: {  	v4 =	vshrl.u32 v3, $0x3  }
0x2a: {  	v4 =	vmul.u32 $0x30, v4  }
0x2b: {  	v3 =	vand.u32 $0x7, v3  }
0x2c: {  	v3 =	vor.u32 v3, v4  }
0x2d: {  	v4 =	vperm.xlane v3, v0;
	_ =	sdelay $0x1  }
0x2e: {  	v4 =	vadd.s32 v1, v4;
	_ =	sdelay $0x3  }
0x2f: {  	v3 =	vperm.xlane v3, v2  }
0x30: {  	[hbm4b:s3+s2] =	stream.indirect_vreg.scatter [tilespmem:s1], [sflag:$0x2], $0x80, v4, vm0, $0xb8;
	[tilespmem:$0x18200] =	vst v63  }
0x31: {  	s0 =	simm.s32 $0xA00;
	v3 =	vadd.s32 v1, v3  }
0x32: {  	[hbm4b:s4+s2] =	stream.indirect_vreg.scatter [tilespmem:s0], [sflag:$0x2], $0x80, v4, vm0, $0xb8;
	[tilespmem:$0x18200] =	vst v63  }
0x33: {  	s9 =	simm.s32 $0x1200  }
0x34: {  	[hbm4b:s5+s2] =	stream.indirect_vreg.scatter [tilespmem:s9], [sflag:$0x2], $0x80, v4, vm0, $0xb8;
	[tilespmem:$0x18200] =	vst v63  }
0x35: {  	s10 =	simm.s32 $0x1A00  }
0x36: {  	[hbm4b:s3+s2] =	stream.indirect_vreg.scatter [tilespmem:s10], [sflag:$0x2], $0x80, v3, vm0, $0xb8;
	[tilespmem:$0x18200] =	vst v63  }
0x37: {  	s11 =	simm.s32 $0x2200  }
0x38: {  	[hbm4b:s4+s2] =	stream.indirect_vreg.scatter [tilespmem:s11], [sflag:$0x2], $0x80, v3, vm0, $0xb8;
	[tilespmem:$0x18200] =	vst v63  }
0x39: {  	s12 =	simm.s32 $0x2A00  }
0x3a: {  	[hbm4b:s5+s2] =	stream.indirect_vreg.scatter [tilespmem:s12], [sflag:$0x2], $0x80, v3, vm0, $0xb8;
	[tilespmem:$0x18200] =	vst v63  }
0x3b: {  	v3 =	vld [tilespmem:$0x10];
	_ =	sdelay $0x4  }
0x3c: {  	v33 =	vshrl.u32 v3, $0x3  }
0x3d: {  	v4 =	vmul.u32 $0x30, v33  }
0x3e: {  	v3 =	vand.u32 $0x7, v3  }
0x3f: {  	v3 =	vor.u32 v3, v4  }
0x40: {  	v4 =	vperm.xlane v3, v0;
	_ =	sdelay $0x1  }
0x41: {  	v4 =	vadd.s32 v1, v4;
	_ =	sdelay $0x3  }
0x42: {  	s13 =	simm.s32 $0x3200;
	v3 =	vperm.xlane v3, v2  }
0x43: {  	[hbm4b:s3+s2] =	stream.indirect_vreg.scatter [tilespmem:s13], [sflag:$0x2], $0x80, v4, vm0, $0xb8;
	[tilespmem:$0x18200] =	vst v63  }
0x44: {  	s14 =	simm.s32 $0x3A00;
	v3 =	vadd.s32 v1, v3  }
0x45: {  	[hbm4b:s4+s2] =	stream.indirect_vreg.scatter [tilespmem:s14], [sflag:$0x2], $0x80, v4, vm0, $0xb8;
	[tilespmem:$0x18200] =	vst v63  }
0x46: {  	s15 =	simm.s32 $0x4200  }
0x47: {  	[hbm4b:s5+s2] =	stream.indirect_vreg.scatter [tilespmem:s15], [sflag:$0x2], $0x80, v4, vm0, $0xb8;
	[tilespmem:$0x18200] =	vst v63  }
0x48: {  	s17 =	simm.s32 $0x4A00  }
0x49: {  	[hbm4b:s3+s2] =	stream.indirect_vreg.scatter [tilespmem:s17], [sflag:$0x2], $0x80, v3, vm0, $0xb8;
	[tilespmem:$0x18200] =	vst v63  }
0x4a: {  	s18 =	simm.s32 $0x5200  }
0x4b: {  	[hbm4b:s4+s2] =	stream.indirect_vreg.scatter [tilespmem:s18], [sflag:$0x2], $0x80, v3, vm0, $0xb8;
	[tilespmem:$0x18200] =	vst v63  }
0x4c: {  	s19 =	simm.s32 $0x5A00  }
0x4d: {  	[hbm4b:s5+s2] =	stream.indirect_vreg.scatter [tilespmem:s19], [sflag:$0x2], $0x80, v3, vm0, $0xb8;
	[tilespmem:$0x18200] =	vst v63  }
0x4e: {  	v3 =	vld [tilespmem:$0x20];
	_ =	sdelay $0x4  }
0x4f: {  	v34 =	vshrl.u32 v3, $0x3  }
0x50: {  	v4 =	vmul.u32 $0x30, v34  }
0x51: {  	v3 =	vand.u32 $0x7, v3  }
0x52: {  	v3 =	vor.u32 v3, v4  }
0x53: {  	v4 =	vperm.xlane v3, v0;
	_ =	sdelay $0x1  }
0x54: {  	v4 =	vadd.s32 v1, v4;
	_ =	sdelay $0x3  }
0x55: {  	s20 =	simm.s32 $0x6200;
	v3 =	vperm.xlane v3, v2  }
0x56: {  	[hbm4b:s3+s2] =	stream.indirect_vreg.scatter [tilespmem:s20], [sflag:$0x2], $0x80, v4, vm0, $0xb8;
	[tilespmem:$0x18200] =	vst v63  }
0x57: {  	s21 =	simm.s32 $0x6A00;
	v3 =	vadd.s32 v1, v3  }
0x58: {  	[hbm4b:s4+s2] =	stream.indirect_vreg.scatter [tilespmem:s21], [sflag:$0x2], $0x80, v4, vm0, $0xb8;
	[tilespmem:$0x18200] =	vst v63  }
0x59: {  	s22 =	simm.s32 $0x7200  }
0x5a: {  	[hbm4b:s5+s2] =	stream.indirect_vreg.scatter [tilespmem:s22], [sflag:$0x2], $0x80, v4, vm0, $0xb8;
	[tilespmem:$0x18200] =	vst v63  }
0x5b: {  	s23 =	simm.s32 $0x7A00  }
0x5c: {  	[hbm4b:s3+s2] =	stream.indirect_vreg.scatter [tilespmem:s23], [sflag:$0x2], $0x80, v3, vm0, $0xb8;
	[tilespmem:$0x18200] =	vst v63  }
0x5d: {  	s26 =	simm.s32 $0x8200  }
0x5e: {  	[hbm4b:s4+s2] =	stream.indirect_vreg.scatter [tilespmem:s26], [sflag:$0x2], $0x80, v3, vm0, $0xb8;
	[tilespmem:$0x18200] =	vst v63  }
0x5f: {  	s28 =	simm.s32 $0x8A00  }
0x60: {  	[hbm4b:s5+s2] =	stream.indirect_vreg.scatter [tilespmem:s28], [sflag:$0x2], $0x80, v3, vm0, $0xb8;
	[tilespmem:$0x18200] =	vst v63  }
0x61: {  	v3 =	vld [tilespmem:$0x30];
	_ =	sdelay $0x4  }
0x62: {  	v35 =	vshrl.u32 v3, $0x3  }
0x63: {  	v4 =	vmul.u32 $0x30, v35  }
0x64: {  	v3 =	vand.u32 $0x7, v3  }
0x65: {  	v3 =	vor.u32 v3, v4  }
0x66: {  	v4 =	vperm.xlane v3, v0;
	_ =	sdelay $0x1  }
0x67: {  	v4 =	vadd.s32 v1, v4;
	_ =	sdelay $0x3  }
0x68: {  	s29 =	simm.s32 $0x9200;
	v3 =	vperm.xlane v3, v2  }
0x69: {  	[hbm4b:s3+s2] =	stream.indirect_vreg.scatter [tilespmem:s29], [sflag:$0x2], $0x80, v4, vm0, $0xb8;
	[tilespmem:$0x18200] =	vst v63  }
0x6a: {  	s30 =	simm.s32 $0x9A00;
	v3 =	vadd.s32 v1, v3  }
0x6b: {  	[hbm4b:s4+s2] =	stream.indirect_vreg.scatter [tilespmem:s30], [sflag:$0x2], $0x80, v4, vm0, $0xb8;
	[tilespmem:$0x18200] =	vst v63  }
0x6c: {  	s31 =	simm.s32 $0xA200  }
0x6d: {  	[hbm4b:s5+s2] =	stream.indirect_vreg.scatter [tilespmem:s31], [sflag:$0x2], $0x80, v4, vm0, $0xb8;
	[tilespmem:$0x18200] =	vst v63  }
0x6e: {  	s11 =	simm.s32 $0xAA00  }
0x6f: {  	[hbm4b:s3+s2] =	stream.indirect_vreg.scatter [tilespmem:s11], [sflag:$0x2], $0x80, v3, vm0, $0xb8;
	[tilespmem:$0x18200] =	vst v63  }
0x70: {  	s13 =	simm.s32 $0xB200  }
0x71: {  	[hbm4b:s4+s2] =	stream.indirect_vreg.scatter [tilespmem:s13], [sflag:$0x2], $0x80, v3, vm0, $0xb8;
	[tilespmem:$0x18200] =	vst v63  }
0x72: {  	s15 =	simm.s32 $0xBA00  }
0x73: {  	[hbm4b:s5+s2] =	stream.indirect_vreg.scatter [tilespmem:s15], [sflag:$0x2], $0x80, v3, vm0, $0xb8;
	[tilespmem:$0x18200] =	vst v63  }
0x74: {  	v3 =	vld [tilespmem:$0x40];
	_ =	sdelay $0x4  }
0x75: {  	v36 =	vshrl.u32 v3, $0x3  }
0x76: {  	v4 =	vmul.u32 $0x30, v36  }
0x77: {  	v3 =	vand.u32 $0x7, v3  }
0x78: {  	v3 =	vor.u32 v3, v4  }
0x79: {  	v4 =	vperm.xlane v3, v0;
	_ =	sdelay $0x1  }
0x7a: {  	v4 =	vadd.s32 v1, v4;
	_ =	sdelay $0x3  }
0x7b: {  	s17 =	simm.s32 $0xC200;
	v3 =	vperm.xlane v3, v2  }
0x7c: {  	[hbm4b:s3+s2] =	stream.indirect_vreg.scatter [tilespmem:s17], [sflag:$0x2], $0x80, v4, vm0, $0xb8;
	[tilespmem:$0x18200] =	vst v63  }
0x7d: {  	s18 =	simm.s32 $0xCA00;
	v3 =	vadd.s32 v1, v3  }
0x7e: {  	[hbm4b:s4+s2] =	stream.indirect_vreg.scatter [tilespmem:s18], [sflag:$0x2], $0x80, v4, vm0, $0xb8;
	[tilespmem:$0x18200] =	vst v63  }
0x7f: {  	s19 =	simm.s32 $0xD200  }
0x80: {  	[hbm4b:s5+s2] =	stream.indirect_vreg.scatter [tilespmem:s19], [sflag:$0x2], $0x80, v4, vm0, $0xb8;
	[tilespmem:$0x18200] =	vst v63  }
0x81: {  	s20 =	simm.s32 $0xDA00  }
0x82: {  	[hbm4b:s3+s2] =	stream.indirect_vreg.scatter [tilespmem:s20], [sflag:$0x2], $0x80, v3, vm0, $0xb8;
	[tilespmem:$0x18200] =	vst v63  }
0x83: {  	s21 =	simm.s32 $0xE200  }
0x84: {  	[hbm4b:s4+s2] =	stream.indirect_vreg.scatter [tilespmem:s21], [sflag:$0x2], $0x80, v3, vm0, $0xb8;
	[tilespmem:$0x18200] =	vst v63  }
0x85: {  	s22 =	simm.s32 $0xEA00  }
0x86: {  	[hbm4b:s5+s2] =	stream.indirect_vreg.scatter [tilespmem:s22], [sflag:$0x2], $0x80, v3, vm0, $0xb8;
	[tilespmem:$0x18200] =	vst v63  }
0x87: {  	v3 =	vld [tilespmem:$0x50];
	_ =	sdelay $0x4  }
0x88: {  	v37 =	vshrl.u32 v3, $0x3  }
0x89: {  	v4 =	vmul.u32 $0x30, v37  }
0x8a: {  	v3 =	vand.u32 $0x7, v3  }
0x8b: {  	v3 =	vor.u32 v3, v4  }
0x8c: {  	v4 =	vperm.xlane v3, v0;
	_ =	sdelay $0x1  }
0x8d: {  	v4 =	vadd.s32 v1, v4;
	_ =	sdelay $0x3  }
0x8e: {  	s23 =	simm.s32 $0xF200;
	v3 =	vperm.xlane v3, v2  }
0x8f: {  	[hbm4b:s3+s2] =	stream.indirect_vreg.scatter [tilespmem:s23], [sflag:$0x2], $0x80, v4, vm0, $0xb8;
	[tilespmem:$0x18200] =	vst v63  }
0x90: {  	s26 =	simm.s32 $0xFA00;
	v3 =	vadd.s32 v1, v3  }
0x91: {  	[hbm4b:s4+s2] =	stream.indirect_vreg.scatter [tilespmem:s26], [sflag:$0x2], $0x80, v4, vm0, $0xb8;
	[tilespmem:$0x18200] =	vst v63  }
0x92: {  	s28 =	simm.s32 $0x10200  }
0x93: {  	[hbm4b:s5+s2] =	stream.indirect_vreg.scatter [tilespmem:s28], [sflag:$0x2], $0x80, v4, vm0, $0xb8;
	[tilespmem:$0x18200] =	vst v63  }
0x94: {  	s29 =	simm.s32 $0x10A00  }
0x95: {  	[hbm4b:s3+s2] =	stream.indirect_vreg.scatter [tilespmem:s29], [sflag:$0x2], $0x80, v3, vm0, $0xb8;
	[tilespmem:$0x18200] =	vst v63  }
0x96: {  	s30 =	simm.s32 $0x11200  }
0x97: {  	[hbm4b:s4+s2] =	stream.indirect_vreg.scatter [tilespmem:s30], [sflag:$0x2], $0x80, v3, vm0, $0xb8;
	[tilespmem:$0x18200] =	vst v63  }
0x98: {  	s31 =	simm.s32 $0x11A00  }
0x99: {  	[hbm4b:s5+s2] =	stream.indirect_vreg.scatter [tilespmem:s31], [sflag:$0x2], $0x80, v3, vm0, $0xb8;
	[tilespmem:$0x18200] =	vst v63  }
0x9a: {  	v3 =	vld [tilespmem:$0x60];
	_ =	sdelay $0x4  }
0x9b: {  	v38 =	vshrl.u32 v3, $0x3  }
0x9c: {  	v4 =	vmul.u32 $0x30, v38  }
0x9d: {  	v3 =	vand.u32 $0x7, v3  }
0x9e: {  	v3 =	vor.u32 v3, v4  }
0x9f: {  	v4 =	vperm.xlane v3, v0;
	_ =	sdelay $0x1  }
0xa0: {  	v4 =	vadd.s32 v1, v4;
	_ =	sdelay $0x3  }
0xa1: {  	s0 =	simm.s32 $0x12200;
	v3 =	vperm.xlane v3, v2  }
0xa2: {  	[hbm4b:s3+s2] =	stream.indirect_vreg.scatter [tilespmem:s0], [sflag:$0x2], $0x80, v4, vm0, $0xb8;
	[tilespmem:$0x18200] =	vst v63  }
0xa3: {  	s13 =	simm.s32 $0x12A00;
	v3 =	vadd.s32 v1, v3  }
0xa4: {  	[hbm4b:s4+s2] =	stream.indirect_vreg.scatter [tilespmem:s13], [sflag:$0x2], $0x80, v4, vm0, $0xb8;
	[tilespmem:$0x18200] =	vst v63  }
0xa5: {  	s15 =	simm.s32 $0x13200  }
0xa6: {  	[hbm4b:s5+s2] =	stream.indirect_vreg.scatter [tilespmem:s15], [sflag:$0x2], $0x80, v4, vm0, $0xb8;
	[tilespmem:$0x18200] =	vst v63  }
0xa7: {  	s22 =	simm.s32 $0x13A00  }
0xa8: {  	[hbm4b:s3+s2] =	stream.indirect_vreg.scatter [tilespmem:s22], [sflag:$0x2], $0x80, v3, vm0, $0xb8;
	[tilespmem:$0x18200] =	vst v63  }
0xa9: {  	s23 =	simm.s32 $0x14200  }
0xaa: {  	[hbm4b:s4+s2] =	stream.indirect_vreg.scatter [tilespmem:s23], [sflag:$0x2], $0x80, v3, vm0, $0xb8;
	[tilespmem:$0x18200] =	vst v63  }
0xab: {  	s26 =	simm.s32 $0x14A00  }
0xac: {  	[hbm4b:s5+s2] =	stream.indirect_vreg.scatter [tilespmem:s26], [sflag:$0x2], $0x80, v3, vm0, $0xb8;
	[tilespmem:$0x18200] =	vst v63  }
0xad: {  	v3 =	vld [tilespmem:$0x70];
	_ =	sdelay $0x4  }
0xae: {  	v39 =	vshrl.u32 v3, $0x3  }
0xaf: {  	v4 =	vmul.u32 $0x30, v39  }
0xb0: {  	v3 =	vand.u32 $0x7, v3  }
0xb1: {  	v3 =	vor.u32 v3, v4  }
0xb2: {  	v4 =	vperm.xlane v3, v0;
	_ =	sdelay $0x1  }
0xb3: {  	v4 =	vadd.s32 v1, v4;
	_ =	sdelay $0x3  }
0xb4: {  	s28 =	simm.s32 $0x15200;
	v3 =	vperm.xlane v3, v2  }
0xb5: {  	[hbm4b:s3+s2] =	stream.indirect_vreg.scatter [tilespmem:s28], [sflag:$0x2], $0x80, v4, vm0, $0xb8;
	[tilespmem:$0x18200] =	vst v63  }
0xb6: {  	s29 =	simm.s32 $0x15A00;
	v3 =	vadd.s32 v1, v3  }
0xb7: {  	[hbm4b:s4+s2] =	stream.indirect_vreg.scatter [tilespmem:s29], [sflag:$0x2], $0x80, v4, vm0, $0xb8;
	[tilespmem:$0x18200] =	vst v63  }
0xb8: {  	s30 =	simm.s32 $0x16200  }
0xb9: {  	[hbm4b:s5+s2] =	stream.indirect_vreg.scatter [tilespmem:s30], [sflag:$0x2], $0x80, v4, vm0, $0xb8;
	[tilespmem:$0x18200] =	vst v63  }
0xba: {  	s31 =	simm.s32 $0x16A00  }
0xbb: {  	[hbm4b:s3+s2] =	stream.indirect_vreg.scatter [tilespmem:s31], [sflag:$0x2], $0x80, v3, vm0, $0xb8;
	[tilespmem:$0x18200] =	vst v63  }
0xbc: {  	s0 =	simm.s32 $0x17200  }
0xbd: {  	[hbm4b:s4+s2] =	stream.indirect_vreg.scatter [tilespmem:s0], [sflag:$0x2], $0x80, v3, vm0, $0xb8;
	[tilespmem:$0x18200] =	vst v63  }
0xbe: {  	s13 =	simm.s32 $0x17A00  }
0xbf: {  	[hbm4b:s5+s2] =	stream.indirect_vreg.scatter [tilespmem:s13], [sflag:$0x2], $0x80, v3, vm0, $0xb8;
	[tilespmem:$0x18200] =	vst v63  }
0xc0: {  	_ =	swait.ge [sflag:s7], $0x18000  }
0xc1: {  	[sflag:s7] =	ssyncset.done $0x0  }
0xc2: {  	s15 =	rddreg [dreg:$0x8];
	[sflag:s7] =	ssyncadd.s32 $0xFFFE8000  }
0xc3: {  	[tilespmem:s1], [sflag:$0x1] =	stream.linear.gather [hbm4b:s15+s2], $0x18000, $0x38;
	[tilespmem:$0x18200] =	vst v63  }
0xc4: {  	_ =	swait.ge [sflag:s16], $0x18000  }
0xc5: {  	[sflag:s16] =	ssyncset.done $0x0  }
0xc6: {  	[sflag:s16] =	ssyncadd.s32 $0xFFFE8000  }
0xc7: {  	v3 =	vld [tilespmem:$0x80];
	_ =	sdelay $0x4  }
0xc8: {  	v40 =	vshrl.u32 v3, $0x3  }
0xc9: {  	v4 =	vmul.u32 $0x30, v40  }
0xca: {  	v3 =	vand.u32 $0x7, v3  }
0xcb: {  	v3 =	vor.u32 v3, v4  }
0xcc: {  	v4 =	vperm.xlane v3, v0;
	_ =	sdelay $0x1  }
0xcd: {  	v4 =	vadd.s32 v1, v4;
	_ =	sdelay $0x3  }
0xce: {  	v3 =	vperm.xlane v3, v2  }
0xcf: {  	[hbm4b:s3+s2] =	stream.indirect_vreg.scatter [tilespmem:s1], [sflag:$0x2], $0x80, v4, vm0, $0xb8;
	[tilespmem:$0x18200] =	vst v63  }
0xd0: {  	s25 =	simm.s32 $0xA00;
	v3 =	vadd.s32 v1, v3  }
0xd1: {  	[hbm4b:s4+s2] =	stream.indirect_vreg.scatter [tilespmem:s25], [sflag:$0x2], $0x80, v4, vm0, $0xb8;
	[tilespmem:$0x18200] =	vst v63  }
0xd2: {  	s24 =	simm.s32 $0x1200  }
0xd3: {  	[hbm4b:s5+s2] =	stream.indirect_vreg.scatter [tilespmem:s24], [sflag:$0x2], $0x80, v4, vm0, $0xb8;
	[tilespmem:$0x18200] =	vst v63  }
0xd4: {  	s28 =	simm.s32 $0x1A00  }
0xd5: {  	[hbm4b:s3+s2] =	stream.indirect_vreg.scatter [tilespmem:s28], [sflag:$0x2], $0x80, v3, vm0, $0xb8;
	[tilespmem:$0x18200] =	vst v63  }
0xd6: {  	s29 =	simm.s32 $0x2200  }
0xd7: {  	[hbm4b:s4+s2] =	stream.indirect_vreg.scatter [tilespmem:s29], [sflag:$0x2], $0x80, v3, vm0, $0xb8;
	[tilespmem:$0x18200] =	vst v63  }
0xd8: {  	s8 =	simm.s32 $0x2A00  }
0xd9: {  	[hbm4b:s5+s2] =	stream.indirect_vreg.scatter [tilespmem:s8], [sflag:$0x2], $0x80, v3, vm0, $0xb8;
	[tilespmem:$0x18200] =	vst v63  }
0xda: {  	v3 =	vld [tilespmem:$0x90];
	_ =	sdelay $0x4  }
0xdb: {  	v41 =	vshrl.u32 v3, $0x3  }
0xdc: {  	v4 =	vmul.u32 $0x30, v41  }
0xdd: {  	v3 =	vand.u32 $0x7, v3  }
0xde: {  	v3 =	vor.u32 v3, v4  }
0xdf: {  	v4 =	vperm.xlane v3, v0;
	_ =	sdelay $0x1  }
0xe0: {  	v4 =	vadd.s32 v1, v4;
	_ =	sdelay $0x3  }
0xe1: {  	s9 =	simm.s32 $0x3200;
	v3 =	vperm.xlane v3, v2  }
0xe2: {  	[hbm4b:s3+s2] =	stream.indirect_vreg.scatter [tilespmem:s9], [sflag:$0x2], $0x80, v4, vm0, $0xb8;
	[tilespmem:$0x18200] =	vst v63  }
0xe3: {  	s30 =	simm.s32 $0x3A00;
	v3 =	vadd.s32 v1, v3  }
0xe4: {  	[hbm4b:s4+s2] =	stream.indirect_vreg.scatter [tilespmem:s30], [sflag:$0x2], $0x80, v4, vm0, $0xb8;
	[tilespmem:$0x18200] =	vst v63  }
0xe5: {  	s31 =	simm.s32 $0x4200  }
0xe6: {  	[hbm4b:s5+s2] =	stream.indirect_vreg.scatter [tilespmem:s31], [sflag:$0x2], $0x80, v4, vm0, $0xb8;
	[tilespmem:$0x18200] =	vst v63  }
0xe7: {  	s0 =	simm.s32 $0x4A00  }
0xe8: {  	[hbm4b:s3+s2] =	stream.indirect_vreg.scatter [tilespmem:s0], [sflag:$0x2], $0x80, v3, vm0, $0xb8;
	[tilespmem:$0x18200] =	vst v63  }
0xe9: {  	s8 =	simm.s32 $0x5200  }
0xea: {  	[hbm4b:s4+s2] =	stream.indirect_vreg.scatter [tilespmem:s8], [sflag:$0x2], $0x80, v3, vm0, $0xb8;
	[tilespmem:$0x18200] =	vst v63  }
0xeb: {  	s10 =	simm.s32 $0x5A00  }
0xec: {  	[hbm4b:s5+s2] =	stream.indirect_vreg.scatter [tilespmem:s10], [sflag:$0x2], $0x80, v3, vm0, $0xb8;
	[tilespmem:$0x18200] =	vst v63  }
0xed: {  	v3 =	vld [tilespmem:$0xA0];
	_ =	sdelay $0x4  }
0xee: {  	v42 =	vshrl.u32 v3, $0x3  }
0xef: {  	v4 =	vmul.u32 $0x30, v42  }
0xf0: {  	v3 =	vand.u32 $0x7, v3  }
0xf1: {  	v3 =	vor.u32 v3, v4  }
0xf2: {  	v4 =	vperm.xlane v3, v0;
	_ =	sdelay $0x1  }
0xf3: {  	v4 =	vadd.s32 v1, v4;
	_ =	sdelay $0x3  }
0xf4: {  	s12 =	simm.s32 $0x6200;
	v3 =	vperm.xlane v3, v2  }
0xf5: {  	[hbm4b:s3+s2] =	stream.indirect_vreg.scatter [tilespmem:s12], [sflag:$0x2], $0x80, v4, vm0, $0xb8;
	[tilespmem:$0x18200] =	vst v63  }
0xf6: {  	s9 =	simm.s32 $0x6A00;
	v3 =	vadd.s32 v1, v3  }
0xf7: {  	[hbm4b:s4+s2] =	stream.indirect_vreg.scatter [tilespmem:s9], [sflag:$0x2], $0x80, v4, vm0, $0xb8;
	[tilespmem:$0x18200] =	vst v63  }
0xf8: {  	s10 =	simm.s32 $0x7200  }
0xf9: {  	[hbm4b:s5+s2] =	stream.indirect_vreg.scatter [tilespmem:s10], [sflag:$0x2], $0x80, v4, vm0, $0xb8;
	[tilespmem:$0x18200] =	vst v63  }
0xfa: {  	s12 =	simm.s32 $0x7A00  }
0xfb: {  	[hbm4b:s3+s2] =	stream.indirect_vreg.scatter [tilespmem:s12], [sflag:$0x2], $0x80, v3, vm0, $0xb8;
	[tilespmem:$0x18200] =	vst v63  }
0xfc: {  	s13 =	simm.s32 $0x8200  }
0xfd: {  	[hbm4b:s4+s2] =	stream.indirect_vreg.scatter [tilespmem:s13], [sflag:$0x2], $0x80, v3, vm0, $0xb8;
	[tilespmem:$0x18200] =	vst v63  }
0xfe: {  	s14 =	simm.s32 $0x8A00  }
0xff: {  	[hbm4b:s5+s2] =	stream.indirect_vreg.scatter [tilespmem:s14], [sflag:$0x2], $0x80, v3, vm0, $0xb8;
	[tilespmem:$0x18200] =	vst v63  }
0x100: {  	v3 =	vld [tilespmem:$0xB0];
	_ =	sdelay $0x4  }
0x101: {  	v43 =	vshrl.u32 v3, $0x3  }
0x102: {  	v4 =	vmul.u32 $0x30, v43  }
0x103: {  	v3 =	vand.u32 $0x7, v3  }
0x104: {  	v3 =	vor.u32 v3, v4  }
0x105: {  	v4 =	vperm.xlane v3, v0;
	_ =	sdelay $0x1  }
0x106: {  	v4 =	vadd.s32 v1, v4;
	_ =	sdelay $0x3  }
0x107: {  	s15 =	simm.s32 $0x9200;
	v3 =	vperm.xlane v3, v2  }
0x108: {  	[hbm4b:s3+s2] =	stream.indirect_vreg.scatter [tilespmem:s15], [sflag:$0x2], $0x80, v4, vm0, $0xb8;
	[tilespmem:$0x18200] =	vst v63  }
0x109: {  	s14 =	simm.s32 $0x9A00;
	v3 =	vadd.s32 v1, v3  }
0x10a: {  	[hbm4b:s4+s2] =	stream.indirect_vreg.scatter [tilespmem:s14], [sflag:$0x2], $0x80, v4, vm0, $0xb8;
	[tilespmem:$0x18200] =	vst v63  }
0x10b: {  	s24 =	simm.s32 $0xA200  }
0x10c: {  	[hbm4b:s5+s2] =	stream.indirect_vreg.scatter [tilespmem:s24], [sflag:$0x2], $0x80, v4, vm0, $0xb8;
	[tilespmem:$0x18200] =	vst v63  }
0x10d: {  	s25 =	simm.s32 $0xAA00  }
0x10e: {  	[hbm4b:s3+s2] =	stream.indirect_vreg.scatter [tilespmem:s25], [sflag:$0x2], $0x80, v3, vm0, $0xb8;
	[tilespmem:$0x18200] =	vst v63  }
0x10f: {  	s11 =	simm.s32 $0xB200  }
0x110: {  	[hbm4b:s4+s2] =	stream.indirect_vreg.scatter [tilespmem:s11], [sflag:$0x2], $0x80, v3, vm0, $0xb8;
	[tilespmem:$0x18200] =	vst v63  }
0x111: {  	s11 =	simm.s32 $0xBA00  }
0x112: {  	[hbm4b:s5+s2] =	stream.indirect_vreg.scatter [tilespmem:s11], [sflag:$0x2], $0x80, v3, vm0, $0xb8;
	[tilespmem:$0x18200] =	vst v63  }
0x113: {  	v3 =	vld [tilespmem:$0xC0];
	_ =	sdelay $0x4  }
0x114: {  	v44 =	vshrl.u32 v3, $0x3  }
0x115: {  	v4 =	vmul.u32 $0x30, v44  }
0x116: {  	v3 =	vand.u32 $0x7, v3  }
0x117: {  	v3 =	vor.u32 v3, v4  }
0x118: {  	v4 =	vperm.xlane v3, v0;
	_ =	sdelay $0x1  }
0x119: {  	v4 =	vadd.s32 v1, v4;
	_ =	sdelay $0x3  }
0x11a: {  	s17 =	simm.s32 $0xC200;
	v3 =	vperm.xlane v3, v2  }
0x11b: {  	[hbm4b:s3+s2] =	stream.indirect_vreg.scatter [tilespmem:s17], [sflag:$0x2], $0x80, v4, vm0, $0xb8;
	[tilespmem:$0x18200] =	vst v63  }
0x11c: {  	v3 =	vadd.s32 v1, v3;
	s17 =	simm.s32 $0xCA00  }
0x11d: {  	[hbm4b:s4+s2] =	stream.indirect_vreg.scatter [tilespmem:s17], [sflag:$0x2], $0x80, v4, vm0, $0xb8;
	[tilespmem:$0x18200] =	vst v63  }
0x11e: {  	s11 =	simm.s32 $0xD200  }
0x11f: {  	[hbm4b:s5+s2] =	stream.indirect_vreg.scatter [tilespmem:s11], [sflag:$0x2], $0x80, v4, vm0, $0xb8;
	[tilespmem:$0x18200] =	vst v63  }
0x120: {  	s11 =	simm.s32 $0xDA00  }
0x121: {  	[hbm4b:s3+s2] =	stream.indirect_vreg.scatter [tilespmem:s11], [sflag:$0x2], $0x80, v3, vm0, $0xb8;
	[tilespmem:$0x18200] =	vst v63  }
0x122: {  	s11 =	simm.s32 $0xE200  }
0x123: {  	[hbm4b:s4+s2] =	stream.indirect_vreg.scatter [tilespmem:s11], [sflag:$0x2], $0x80, v3, vm0, $0xb8;
	[tilespmem:$0x18200] =	vst v63  }
0x124: {  	s18 =	simm.s32 $0xEA00  }
0x125: {  	[hbm4b:s5+s2] =	stream.indirect_vreg.scatter [tilespmem:s18], [sflag:$0x2], $0x80, v3, vm0, $0xb8;
	[tilespmem:$0x18200] =	vst v63  }
0x126: {  	v3 =	vld [tilespmem:$0xD0];
	_ =	sdelay $0x4  }
0x127: {  	v45 =	vshrl.u32 v3, $0x3  }
0x128: {  	v4 =	vmul.u32 $0x30, v45  }
0x129: {  	v3 =	vand.u32 $0x7, v3  }
0x12a: {  	v3 =	vor.u32 v3, v4  }
0x12b: {  	v4 =	vperm.xlane v3, v0;
	_ =	sdelay $0x1  }
0x12c: {  	v4 =	vadd.s32 v1, v4;
	_ =	sdelay $0x3  }
0x12d: {  	s19 =	simm.s32 $0xF200;
	v3 =	vperm.xlane v3, v2  }
0x12e: {  	[hbm4b:s3+s2] =	stream.indirect_vreg.scatter [tilespmem:s19], [sflag:$0x2], $0x80, v4, vm0, $0xb8;
	[tilespmem:$0x18200] =	vst v63  }
0x12f: {  	v3 =	vadd.s32 v1, v3;
	s19 =	simm.s32 $0xFA00  }
0x130: {  	[hbm4b:s4+s2] =	stream.indirect_vreg.scatter [tilespmem:s19], [sflag:$0x2], $0x80, v4, vm0, $0xb8;
	[tilespmem:$0x18200] =	vst v63  }
0x131: {  	s18 =	simm.s32 $0x10200  }
0x132: {  	[hbm4b:s5+s2] =	stream.indirect_vreg.scatter [tilespmem:s18], [sflag:$0x2], $0x80, v4, vm0, $0xb8;
	[tilespmem:$0x18200] =	vst v63  }
0x133: {  	s18 =	simm.s32 $0x10A00  }
0x134: {  	[hbm4b:s3+s2] =	stream.indirect_vreg.scatter [tilespmem:s18], [sflag:$0x2], $0x80, v3, vm0, $0xb8;
	[tilespmem:$0x18200] =	vst v63  }
0x135: {  	s18 =	simm.s32 $0x11200  }
0x136: {  	[hbm4b:s4+s2] =	stream.indirect_vreg.scatter [tilespmem:s18], [sflag:$0x2], $0x80, v3, vm0, $0xb8;
	[tilespmem:$0x18200] =	vst v63  }
0x137: {  	s20 =	simm.s32 $0x11A00  }
0x138: {  	[hbm4b:s5+s2] =	stream.indirect_vreg.scatter [tilespmem:s20], [sflag:$0x2], $0x80, v3, vm0, $0xb8;
	[tilespmem:$0x18200] =	vst v63  }
0x139: {  	v3 =	vld [tilespmem:$0xE0];
	_ =	sdelay $0x4  }
0x13a: {  	v46 =	vshrl.u32 v3, $0x3  }
0x13b: {  	v4 =	vmul.u32 $0x30, v46  }
0x13c: {  	v3 =	vand.u32 $0x7, v3  }
0x13d: {  	v3 =	vor.u32 v3, v4  }
0x13e: {  	v4 =	vperm.xlane v3, v0;
	_ =	sdelay $0x1  }
0x13f: {  	v4 =	vadd.s32 v1, v4;
	_ =	sdelay $0x3  }
0x140: {  	s21 =	simm.s32 $0x12200;
	v3 =	vperm.xlane v3, v2  }
0x141: {  	[hbm4b:s3+s2] =	stream.indirect_vreg.scatter [tilespmem:s21], [sflag:$0x2], $0x80, v4, vm0, $0xb8;
	[tilespmem:$0x18200] =	vst v63  }
0x142: {  	s20 =	simm.s32 $0x12A00;
	v3 =	vadd.s32 v1, v3  }
0x143: {  	[hbm4b:s4+s2] =	stream.indirect_vreg.scatter [tilespmem:s20], [sflag:$0x2], $0x80, v4, vm0, $0xb8;
	[tilespmem:$0x18200] =	vst v63  }
0x144: {  	s21 =	simm.s32 $0x13200  }
0x145: {  	[hbm4b:s5+s2] =	stream.indirect_vreg.scatter [tilespmem:s21], [sflag:$0x2], $0x80, v4, vm0, $0xb8;
	[tilespmem:$0x18200] =	vst v63  }
0x146: {  	s18 =	simm.s32 $0x13A00  }
0x147: {  	[hbm4b:s3+s2] =	stream.indirect_vreg.scatter [tilespmem:s18], [sflag:$0x2], $0x80, v3, vm0, $0xb8;
	[tilespmem:$0x18200] =	vst v63  }
0x148: {  	s20 =	simm.s32 $0x14200  }
0x149: {  	[hbm4b:s4+s2] =	stream.indirect_vreg.scatter [tilespmem:s20], [sflag:$0x2], $0x80, v3, vm0, $0xb8;
	[tilespmem:$0x18200] =	vst v63  }
0x14a: {  	s22 =	simm.s32 $0x14A00  }
0x14b: {  	[hbm4b:s5+s2] =	stream.indirect_vreg.scatter [tilespmem:s22], [sflag:$0x2], $0x80, v3, vm0, $0xb8;
	[tilespmem:$0x18200] =	vst v63  }
0x14c: {  	v3 =	vld [tilespmem:$0xF0];
	_ =	sdelay $0x4  }
0x14d: {  	v47 =	vshrl.u32 v3, $0x3  }
0x14e: {  	v4 =	vmul.u32 $0x30, v47  }
0x14f: {  	v3 =	vand.u32 $0x7, v3  }
0x150: {  	v3 =	vor.u32 v3, v4  }
0x151: {  	v4 =	vperm.xlane v3, v0;
	_ =	sdelay $0x1  }
0x152: {  	v4 =	vadd.s32 v1, v4;
	_ =	sdelay $0x3  }
0x153: {  	s23 =	simm.s32 $0x15200;
	v3 =	vperm.xlane v3, v2  }
0x154: {  	[hbm4b:s3+s2] =	stream.indirect_vreg.scatter [tilespmem:s23], [sflag:$0x2], $0x80, v4, vm0, $0xb8;
	[tilespmem:$0x18200] =	vst v63  }
0x155: {  	s21 =	simm.s32 $0x15A00;
	v3 =	vadd.s32 v1, v3  }
0x156: {  	[hbm4b:s4+s2] =	stream.indirect_vreg.scatter [tilespmem:s21], [sflag:$0x2], $0x80, v4, vm0, $0xb8;
	[tilespmem:$0x18200] =	vst v63  }
0x157: {  	s22 =	simm.s32 $0x16200  }
0x158: {  	[hbm4b:s5+s2] =	stream.indirect_vreg.scatter [tilespmem:s22], [sflag:$0x2], $0x80, v4, vm0, $0xb8;
	[tilespmem:$0x18200] =	vst v63  }
0x159: {  	s23 =	simm.s32 $0x16A00  }
0x15a: {  	[hbm4b:s3+s2] =	stream.indirect_vreg.scatter [tilespmem:s23], [sflag:$0x2], $0x80, v3, vm0, $0xb8;
	[tilespmem:$0x18200] =	vst v63  }
0x15b: {  	s18 =	simm.s32 $0x17200  }
0x15c: {  	[hbm4b:s4+s2] =	stream.indirect_vreg.scatter [tilespmem:s18], [sflag:$0x2], $0x80, v3, vm0, $0xb8;
	[tilespmem:$0x18200] =	vst v63  }
0x15d: {  	s26 =	simm.s32 $0x17A00  }
0x15e: {  	[hbm4b:s5+s2] =	stream.indirect_vreg.scatter [tilespmem:s26], [sflag:$0x2], $0x80, v3, vm0, $0xb8;
	[tilespmem:$0x18200] =	vst v63  }
0x15f: {  	_ =	swait.ge [sflag:s7], $0x18000  }
0x160: {  	[sflag:s7] =	ssyncset.done $0x0  }
0x161: {  	s20 =	rddreg [dreg:$0x9];
	[sflag:s7] =	ssyncadd.s32 $0xFFFE8000  }
0x162: {  	[tilespmem:s1], [sflag:$0x1] =	stream.linear.gather [hbm4b:s20+s2], $0x18000, $0x38;
	[tilespmem:$0x18200] =	vst v63  }
0x163: {  	_ =	swait.ge [sflag:s16], $0x18000  }
0x164: {  	[sflag:s16] =	ssyncset.done $0x0  }
0x165: {  	[sflag:s16] =	ssyncadd.s32 $0xFFFE8000  }
0x166: {  	v3 =	vld [tilespmem:$0x100];
	_ =	sdelay $0x4  }
0x167: {  	v48 =	vshrl.u32 v3, $0x3  }
0x168: {  	v4 =	vmul.u32 $0x30, v48  }
0x169: {  	v3 =	vand.u32 $0x7, v3  }
0x16a: {  	v3 =	vor.u32 v3, v4  }
0x16b: {  	v4 =	vperm.xlane v3, v0;
	_ =	sdelay $0x1  }
0x16c: {  	v4 =	vadd.s32 v1, v4;
	_ =	sdelay $0x3  }
0x16d: {  	v3 =	vperm.xlane v3, v2  }
0x16e: {  	[hbm4b:s3+s2] =	stream.indirect_vreg.scatter [tilespmem:s1], [sflag:$0x2], $0x80, v4, vm0, $0xb8;
	[tilespmem:$0x18200] =	vst v63  }
0x16f: {  	s21 =	simm.s32 $0xA00;
	v3 =	vadd.s32 v1, v3  }
0x170: {  	[hbm4b:s4+s2] =	stream.indirect_vreg.scatter [tilespmem:s21], [sflag:$0x2], $0x80, v4, vm0, $0xb8;
	[tilespmem:$0x18200] =	vst v63  }
0x171: {  	s22 =	simm.s32 $0x1200  }
0x172: {  	[hbm4b:s5+s2] =	stream.indirect_vreg.scatter [tilespmem:s22], [sflag:$0x2], $0x80, v4, vm0, $0xb8;
	[tilespmem:$0x18200] =	vst v63  }
0x173: {  	_ = 	snop  }
0x174: {  	[hbm4b:s3+s2] =	stream.indirect_vreg.scatter [tilespmem:s28], [sflag:$0x2], $0x80, v3, vm0, $0xb8;
	[tilespmem:$0x18200] =	vst v63  }
0x175: {  	_ = 	snop  }
0x176: {  	[hbm4b:s4+s2] =	stream.indirect_vreg.scatter [tilespmem:s29], [sflag:$0x2], $0x80, v3, vm0, $0xb8;
	[tilespmem:$0x18200] =	vst v63  }
0x177: {  	s23 =	simm.s32 $0x2A00  }
0x178: {  	[hbm4b:s5+s2] =	stream.indirect_vreg.scatter [tilespmem:s23], [sflag:$0x2], $0x80, v3, vm0, $0xb8;
	[tilespmem:$0x18200] =	vst v63  }
0x179: {  	v3 =	vld [tilespmem:$0x110];
	_ =	sdelay $0x4  }
0x17a: {  	v49 =	vshrl.u32 v3, $0x3  }
0x17b: {  	v4 =	vmul.u32 $0x30, v49  }
0x17c: {  	v3 =	vand.u32 $0x7, v3  }
0x17d: {  	v3 =	vor.u32 v3, v4  }
0x17e: {  	v4 =	vperm.xlane v3, v0;
	_ =	sdelay $0x1  }
0x17f: {  	v4 =	vadd.s32 v1, v4;
	_ =	sdelay $0x3  }
0x180: {  	s29 =	simm.s32 $0x3200;
	v3 =	vperm.xlane v3, v2  }
0x181: {  	[hbm4b:s3+s2] =	stream.indirect_vreg.scatter [tilespmem:s29], [sflag:$0x2], $0x80, v4, vm0, $0xb8;
	[tilespmem:$0x18200] =	vst v63  }
0x182: {  	v3 =	vadd.s32 v1, v3  }
0x183: {  	[hbm4b:s4+s2] =	stream.indirect_vreg.scatter [tilespmem:s30], [sflag:$0x2], $0x80, v4, vm0, $0xb8;
	[tilespmem:$0x18200] =	vst v63  }
0x184: {  	_ = 	snop  }
0x185: {  	[hbm4b:s5+s2] =	stream.indirect_vreg.scatter [tilespmem:s31], [sflag:$0x2], $0x80, v4, vm0, $0xb8;
	[tilespmem:$0x18200] =	vst v63  }
0x186: {  	_ = 	snop  }
0x187: {  	[hbm4b:s3+s2] =	stream.indirect_vreg.scatter [tilespmem:s0], [sflag:$0x2], $0x80, v3, vm0, $0xb8;
	[tilespmem:$0x18200] =	vst v63  }
0x188: {  	_ = 	snop  }
0x189: {  	[hbm4b:s4+s2] =	stream.indirect_vreg.scatter [tilespmem:s8], [sflag:$0x2], $0x80, v3, vm0, $0xb8;
	[tilespmem:$0x18200] =	vst v63  }
0x18a: {  	s18 =	simm.s32 $0x5A00  }
0x18b: {  	[hbm4b:s5+s2] =	stream.indirect_vreg.scatter [tilespmem:s18], [sflag:$0x2], $0x80, v3, vm0, $0xb8;
	[tilespmem:$0x18200] =	vst v63  }
0x18c: {  	v3 =	vld [tilespmem:$0x120];
	_ =	sdelay $0x4  }
0x18d: {  	v50 =	vshrl.u32 v3, $0x3  }
0x18e: {  	v4 =	vmul.u32 $0x30, v50  }
0x18f: {  	v3 =	vand.u32 $0x7, v3  }
0x190: {  	v3 =	vor.u32 v3, v4  }
0x191: {  	v4 =	vperm.xlane v3, v0;
	_ =	sdelay $0x1  }
0x192: {  	v4 =	vadd.s32 v1, v4;
	_ =	sdelay $0x3  }
0x193: {  	s20 =	simm.s32 $0x6200;
	v3 =	vperm.xlane v3, v2  }
0x194: {  	[hbm4b:s3+s2] =	stream.indirect_vreg.scatter [tilespmem:s20], [sflag:$0x2], $0x80, v4, vm0, $0xb8;
	[tilespmem:$0x18200] =	vst v63  }
0x195: {  	v3 =	vadd.s32 v1, v3  }
0x196: {  	[hbm4b:s4+s2] =	stream.indirect_vreg.scatter [tilespmem:s9], [sflag:$0x2], $0x80, v4, vm0, $0xb8;
	[tilespmem:$0x18200] =	vst v63  }
0x197: {  	_ = 	snop  }
0x198: {  	[hbm4b:s5+s2] =	stream.indirect_vreg.scatter [tilespmem:s10], [sflag:$0x2], $0x80, v4, vm0, $0xb8;
	[tilespmem:$0x18200] =	vst v63  }
0x199: {  	_ = 	snop  }
0x19a: {  	[hbm4b:s3+s2] =	stream.indirect_vreg.scatter [tilespmem:s12], [sflag:$0x2], $0x80, v3, vm0, $0xb8;
	[tilespmem:$0x18200] =	vst v63  }
0x19b: {  	_ = 	snop  }
0x19c: {  	[hbm4b:s4+s2] =	stream.indirect_vreg.scatter [tilespmem:s13], [sflag:$0x2], $0x80, v3, vm0, $0xb8;
	[tilespmem:$0x18200] =	vst v63  }
0x19d: {  	s21 =	simm.s32 $0x8A00  }
0x19e: {  	[hbm4b:s5+s2] =	stream.indirect_vreg.scatter [tilespmem:s21], [sflag:$0x2], $0x80, v3, vm0, $0xb8;
	[tilespmem:$0x18200] =	vst v63  }
0x19f: {  	v3 =	vld [tilespmem:$0x130];
	_ =	sdelay $0x4  }
0x1a0: {  	v51 =	vshrl.u32 v3, $0x3  }
0x1a1: {  	v4 =	vmul.u32 $0x30, v51  }
0x1a2: {  	v3 =	vand.u32 $0x7, v3  }
0x1a3: {  	v3 =	vor.u32 v3, v4  }
0x1a4: {  	v4 =	vperm.xlane v3, v0;
	_ =	sdelay $0x1  }
0x1a5: {  	v4 =	vadd.s32 v1, v4;
	_ =	sdelay $0x3  }
0x1a6: {  	v3 =	vperm.xlane v3, v2  }
0x1a7: {  	[hbm4b:s3+s2] =	stream.indirect_vreg.scatter [tilespmem:s15], [sflag:$0x2], $0x80, v4, vm0, $0xb8;
	[tilespmem:$0x18200] =	vst v63  }
0x1a8: {  	v3 =	vadd.s32 v1, v3  }
0x1a9: {  	[hbm4b:s4+s2] =	stream.indirect_vreg.scatter [tilespmem:s14], [sflag:$0x2], $0x80, v4, vm0, $0xb8;
	[tilespmem:$0x18200] =	vst v63  }
0x1aa: {  	_ = 	snop  }
0x1ab: {  	[hbm4b:s5+s2] =	stream.indirect_vreg.scatter [tilespmem:s24], [sflag:$0x2], $0x80, v4, vm0, $0xb8;
	[tilespmem:$0x18200] =	vst v63  }
0x1ac: {  	_ = 	snop  }
0x1ad: {  	[hbm4b:s3+s2] =	stream.indirect_vreg.scatter [tilespmem:s25], [sflag:$0x2], $0x80, v3, vm0, $0xb8;
	[tilespmem:$0x18200] =	vst v63  }
0x1ae: {  	s22 =	simm.s32 $0xB200  }
0x1af: {  	[hbm4b:s4+s2] =	stream.indirect_vreg.scatter [tilespmem:s22], [sflag:$0x2], $0x80, v3, vm0, $0xb8;
	[tilespmem:$0x18200] =	vst v63  }
0x1b0: {  	s25 =	simm.s32 $0xBA00  }
0x1b1: {  	[hbm4b:s5+s2] =	stream.indirect_vreg.scatter [tilespmem:s25], [sflag:$0x2], $0x80, v3, vm0, $0xb8;
	[tilespmem:$0x18200] =	vst v63  }
0x1b2: {  	v3 =	vld [tilespmem:$0x140];
	_ =	sdelay $0x4  }
0x1b3: {  	v52 =	vshrl.u32 v3, $0x3  }
0x1b4: {  	v4 =	vmul.u32 $0x30, v52  }
0x1b5: {  	v3 =	vand.u32 $0x7, v3  }
0x1b6: {  	v3 =	vor.u32 v3, v4  }
0x1b7: {  	v4 =	vperm.xlane v3, v0;
	_ =	sdelay $0x1  }
0x1b8: {  	v4 =	vadd.s32 v1, v4;
	_ =	sdelay $0x3  }
0x1b9: {  	s31 =	simm.s32 $0xC200;
	v3 =	vperm.xlane v3, v2  }
0x1ba: {  	[hbm4b:s3+s2] =	stream.indirect_vreg.scatter [tilespmem:s31], [sflag:$0x2], $0x80, v4, vm0, $0xb8;
	[tilespmem:$0x18200] =	vst v63  }
0x1bb: {  	s17 =	simm.s32 $0xCA00;
	v3 =	vadd.s32 v1, v3  }
0x1bc: {  	[hbm4b:s4+s2] =	stream.indirect_vreg.scatter [tilespmem:s17], [sflag:$0x2], $0x80, v4, vm0, $0xb8;
	[tilespmem:$0x18200] =	vst v63  }
0x1bd: {  	s17 =	simm.s32 $0xD200  }
0x1be: {  	[hbm4b:s5+s2] =	stream.indirect_vreg.scatter [tilespmem:s17], [sflag:$0x2], $0x80, v4, vm0, $0xb8;
	[tilespmem:$0x18200] =	vst v63  }
0x1bf: {  	s18 =	simm.s32 $0xDA00  }
0x1c0: {  	[hbm4b:s3+s2] =	stream.indirect_vreg.scatter [tilespmem:s18], [sflag:$0x2], $0x80, v3, vm0, $0xb8;
	[tilespmem:$0x18200] =	vst v63  }
0x1c1: {  	s20 =	simm.s32 $0xE200  }
0x1c2: {  	[hbm4b:s4+s2] =	stream.indirect_vreg.scatter [tilespmem:s20], [sflag:$0x2], $0x80, v3, vm0, $0xb8;
	[tilespmem:$0x18200] =	vst v63  }
0x1c3: {  	s21 =	simm.s32 $0xEA00  }
0x1c4: {  	[hbm4b:s5+s2] =	stream.indirect_vreg.scatter [tilespmem:s21], [sflag:$0x2], $0x80, v3, vm0, $0xb8;
	[tilespmem:$0x18200] =	vst v63  }
0x1c5: {  	v3 =	vld [tilespmem:$0x150];
	_ =	sdelay $0x4  }
0x1c6: {  	v53 =	vshrl.u32 v3, $0x3  }
0x1c7: {  	v4 =	vmul.u32 $0x30, v53  }
0x1c8: {  	v3 =	vand.u32 $0x7, v3  }
0x1c9: {  	v3 =	vor.u32 v3, v4  }
0x1ca: {  	v4 =	vperm.xlane v3, v0;
	_ =	sdelay $0x1  }
0x1cb: {  	v4 =	vadd.s32 v1, v4;
	_ =	sdelay $0x3  }
0x1cc: {  	s22 =	simm.s32 $0xF200;
	v3 =	vperm.xlane v3, v2  }
0x1cd: {  	[hbm4b:s3+s2] =	stream.indirect_vreg.scatter [tilespmem:s22], [sflag:$0x2], $0x80, v4, vm0, $0xb8;
	[tilespmem:$0x18200] =	vst v63  }
0x1ce: {  	s19 =	simm.s32 $0xFA00;
	v3 =	vadd.s32 v1, v3  }
0x1cf: {  	[hbm4b:s4+s2] =	stream.indirect_vreg.scatter [tilespmem:s19], [sflag:$0x2], $0x80, v4, vm0, $0xb8;
	[tilespmem:$0x18200] =	vst v63  }
0x1d0: {  	s20 =	simm.s32 $0x10200  }
0x1d1: {  	[hbm4b:s5+s2] =	stream.indirect_vreg.scatter [tilespmem:s20], [sflag:$0x2], $0x80, v4, vm0, $0xb8;
	[tilespmem:$0x18200] =	vst v63  }
0x1d2: {  	s21 =	simm.s32 $0x10A00  }
0x1d3: {  	[hbm4b:s3+s2] =	stream.indirect_vreg.scatter [tilespmem:s21], [sflag:$0x2], $0x80, v3, vm0, $0xb8;
	[tilespmem:$0x18200] =	vst v63  }
0x1d4: {  	s22 =	simm.s32 $0x11200  }
0x1d5: {  	[hbm4b:s4+s2] =	stream.indirect_vreg.scatter [tilespmem:s22], [sflag:$0x2], $0x80, v3, vm0, $0xb8;
	[tilespmem:$0x18200] =	vst v63  }
0x1d6: {  	s11 =	simm.s32 $0x11A00  }
0x1d7: {  	[hbm4b:s5+s2] =	stream.indirect_vreg.scatter [tilespmem:s11], [sflag:$0x2], $0x80, v3, vm0, $0xb8;
	[tilespmem:$0x18200] =	vst v63  }
0x1d8: {  	v3 =	vld [tilespmem:$0x160];
	_ =	sdelay $0x4  }
0x1d9: {  	v54 =	vshrl.u32 v3, $0x3  }
0x1da: {  	v4 =	vmul.u32 $0x30, v54  }
0x1db: {  	v3 =	vand.u32 $0x7, v3  }
0x1dc: {  	v3 =	vor.u32 v3, v4  }
0x1dd: {  	v4 =	vperm.xlane v3, v0;
	_ =	sdelay $0x1  }
0x1de: {  	v4 =	vadd.s32 v1, v4;
	_ =	sdelay $0x3  }
0x1df: {  	s11 =	simm.s32 $0x12200;
	v3 =	vperm.xlane v3, v2  }
0x1e0: {  	[hbm4b:s3+s2] =	stream.indirect_vreg.scatter [tilespmem:s11], [sflag:$0x2], $0x80, v4, vm0, $0xb8;
	[tilespmem:$0x18200] =	vst v63  }
0x1e1: {  	v3 =	vadd.s32 v1, v3;
	s11 =	simm.s32 $0x12A00  }
0x1e2: {  	[hbm4b:s4+s2] =	stream.indirect_vreg.scatter [tilespmem:s11], [sflag:$0x2], $0x80, v4, vm0, $0xb8;
	[tilespmem:$0x18200] =	vst v63  }
0x1e3: {  	s11 =	simm.s32 $0x13200  }
0x1e4: {  	[hbm4b:s5+s2] =	stream.indirect_vreg.scatter [tilespmem:s11], [sflag:$0x2], $0x80, v4, vm0, $0xb8;
	[tilespmem:$0x18200] =	vst v63  }
0x1e5: {  	s11 =	simm.s32 $0x13A00  }
0x1e6: {  	[hbm4b:s3+s2] =	stream.indirect_vreg.scatter [tilespmem:s11], [sflag:$0x2], $0x80, v3, vm0, $0xb8;
	[tilespmem:$0x18200] =	vst v63  }
0x1e7: {  	s11 =	simm.s32 $0x14200  }
0x1e8: {  	[hbm4b:s4+s2] =	stream.indirect_vreg.scatter [tilespmem:s11], [sflag:$0x2], $0x80, v3, vm0, $0xb8;
	[tilespmem:$0x18200] =	vst v63  }
0x1e9: {  	s11 =	simm.s32 $0x14A00  }
0x1ea: {  	[hbm4b:s5+s2] =	stream.indirect_vreg.scatter [tilespmem:s11], [sflag:$0x2], $0x80, v3, vm0, $0xb8;
	[tilespmem:$0x18200] =	vst v63  }
0x1eb: {  	v3 =	vld [tilespmem:$0x170];
	_ =	sdelay $0x4  }
0x1ec: {  	v55 =	vshrl.u32 v3, $0x3  }
0x1ed: {  	v4 =	vmul.u32 $0x30, v55  }
0x1ee: {  	v3 =	vand.u32 $0x7, v3  }
0x1ef: {  	v3 =	vor.u32 v3, v4  }
0x1f0: {  	v4 =	vperm.xlane v3, v0;
	_ =	sdelay $0x1  }
0x1f1: {  	v4 =	vadd.s32 v1, v4;
	_ =	sdelay $0x3  }
0x1f2: {  	s11 =	simm.s32 $0x15200;
	v3 =	vperm.xlane v3, v2  }
0x1f3: {  	[hbm4b:s3+s2] =	stream.indirect_vreg.scatter [tilespmem:s11], [sflag:$0x2], $0x80, v4, vm0, $0xb8;
	[tilespmem:$0x18200] =	vst v63  }
0x1f4: {  	v3 =	vadd.s32 v1, v3;
	s11 =	simm.s32 $0x15A00  }
0x1f5: {  	[hbm4b:s4+s2] =	stream.indirect_vreg.scatter [tilespmem:s11], [sflag:$0x2], $0x80, v4, vm0, $0xb8;
	[tilespmem:$0x18200] =	vst v63  }
0x1f6: {  	s11 =	simm.s32 $0x16200  }
0x1f7: {  	[hbm4b:s5+s2] =	stream.indirect_vreg.scatter [tilespmem:s11], [sflag:$0x2], $0x80, v4, vm0, $0xb8;
	[tilespmem:$0x18200] =	vst v63  }
0x1f8: {  	s11 =	simm.s32 $0x16A00  }
0x1f9: {  	[hbm4b:s3+s2] =	stream.indirect_vreg.scatter [tilespmem:s11], [sflag:$0x2], $0x80, v3, vm0, $0xb8;
	[tilespmem:$0x18200] =	vst v63  }
0x1fa: {  	s11 =	simm.s32 $0x17200  }
0x1fb: {  	[hbm4b:s4+s2] =	stream.indirect_vreg.scatter [tilespmem:s11], [sflag:$0x2], $0x80, v3, vm0, $0xb8;
	[tilespmem:$0x18200] =	vst v63  }
0x1fc: {  	s11 =	simm.s32 $0x17A00  }
0x1fd: {  	[hbm4b:s5+s2] =	stream.indirect_vreg.scatter [tilespmem:s11], [sflag:$0x2], $0x80, v3, vm0, $0xb8;
	[tilespmem:$0x18200] =	vst v63  }
0x1fe: {  	_ =	swait.ge [sflag:s7], $0x18000  }
0x1ff: {  	[sflag:s7] =	ssyncset.done $0x0  }
0x200: {  	s11 =	rddreg [dreg:$0xa];
	[sflag:s7] =	ssyncadd.s32 $0xFFFE8000  }
0x201: {  	[tilespmem:s1], [sflag:$0x1] =	stream.linear.gather [hbm4b:s11+s2], $0x18000, $0x38;
	[tilespmem:$0x18200] =	vst v63  }
0x202: {  	_ =	swait.ge [sflag:s16], $0x18000  }
0x203: {  	[sflag:s16] =	ssyncset.done $0x0  }
0x204: {  	[sflag:s16] =	ssyncadd.s32 $0xFFFE8000  }
0x205: {  	v3 =	vld [tilespmem:$0x180];
	_ =	sdelay $0x4  }
0x206: {  	v56 =	vshrl.u32 v3, $0x3  }
0x207: {  	v4 =	vmul.u32 $0x30, v56  }
0x208: {  	v3 =	vand.u32 $0x7, v3  }
0x209: {  	v3 =	vor.u32 v3, v4  }
0x20a: {  	v4 =	vperm.xlane v3, v0;
	_ =	sdelay $0x1  }
0x20b: {  	v4 =	vadd.s32 v1, v4;
	_ =	sdelay $0x3  }
0x20c: {  	v3 =	vperm.xlane v3, v2  }
0x20d: {  	[hbm4b:s3+s2] =	stream.indirect_vreg.scatter [tilespmem:s1], [sflag:$0x2], $0x80, v4, vm0, $0xb8;
	[tilespmem:$0x18200] =	vst v63  }
0x20e: {  	s11 =	simm.s32 $0xA00;
	v3 =	vadd.s32 v1, v3  }
0x20f: {  	[hbm4b:s4+s2] =	stream.indirect_vreg.scatter [tilespmem:s11], [sflag:$0x2], $0x80, v4, vm0, $0xb8;
	[tilespmem:$0x18200] =	vst v63  }
0x210: {  	s11 =	simm.s32 $0x1200  }
0x211: {  	[hbm4b:s5+s2] =	stream.indirect_vreg.scatter [tilespmem:s11], [sflag:$0x2], $0x80, v4, vm0, $0xb8;
	[tilespmem:$0x18200] =	vst v63  }
0x212: {  	s26 =	simm.s32 $0x1A00  }
0x213: {  	[hbm4b:s3+s2] =	stream.indirect_vreg.scatter [tilespmem:s26], [sflag:$0x2], $0x80, v3, vm0, $0xb8;
	[tilespmem:$0x18200] =	vst v63  }
0x214: {  	s28 =	simm.s32 $0x2200  }
0x215: {  	[hbm4b:s4+s2] =	stream.indirect_vreg.scatter [tilespmem:s28], [sflag:$0x2], $0x80, v3, vm0, $0xb8;
	[tilespmem:$0x18200] =	vst v63  }
0x216: {  	s26 =	simm.s32 $0x2A00  }
0x217: {  	[hbm4b:s5+s2] =	stream.indirect_vreg.scatter [tilespmem:s26], [sflag:$0x2], $0x80, v3, vm0, $0xb8;
	[tilespmem:$0x18200] =	vst v63  }
0x218: {  	v3 =	vld [tilespmem:$0x190];
	_ =	sdelay $0x4  }
0x219: {  	v57 =	vshrl.u32 v3, $0x3  }
0x21a: {  	v4 =	vmul.u32 $0x30, v57  }
0x21b: {  	v3 =	vand.u32 $0x7, v3  }
0x21c: {  	v3 =	vor.u32 v3, v4  }
0x21d: {  	v4 =	vperm.xlane v3, v0;
	_ =	sdelay $0x1  }
0x21e: {  	v4 =	vadd.s32 v1, v4;
	_ =	sdelay $0x3  }
0x21f: {  	s28 =	simm.s32 $0x3200;
	v3 =	vperm.xlane v3, v2  }
0x220: {  	[hbm4b:s3+s2] =	stream.indirect_vreg.scatter [tilespmem:s28], [sflag:$0x2], $0x80, v4, vm0, $0xb8;
	[tilespmem:$0x18200] =	vst v63  }
0x221: {  	s29 =	simm.s32 $0x3A00;
	v3 =	vadd.s32 v1, v3  }
0x222: {  	[hbm4b:s4+s2] =	stream.indirect_vreg.scatter [tilespmem:s29], [sflag:$0x2], $0x80, v4, vm0, $0xb8;
	[tilespmem:$0x18200] =	vst v63  }
0x223: {  	s30 =	simm.s32 $0x4200  }
0x224: {  	[hbm4b:s5+s2] =	stream.indirect_vreg.scatter [tilespmem:s30], [sflag:$0x2], $0x80, v4, vm0, $0xb8;
	[tilespmem:$0x18200] =	vst v63  }
0x225: {  	s0 =	simm.s32 $0x4A00  }
0x226: {  	[hbm4b:s3+s2] =	stream.indirect_vreg.scatter [tilespmem:s0], [sflag:$0x2], $0x80, v3, vm0, $0xb8;
	[tilespmem:$0x18200] =	vst v63  }
0x227: {  	s8 =	simm.s32 $0x5200  }
0x228: {  	[hbm4b:s4+s2] =	stream.indirect_vreg.scatter [tilespmem:s8], [sflag:$0x2], $0x80, v3, vm0, $0xb8;
	[tilespmem:$0x18200] =	vst v63  }
0x229: {  	s1 =	simm.s32 $0x5A00  }
0x22a: {  	[hbm4b:s5+s2] =	stream.indirect_vreg.scatter [tilespmem:s1], [sflag:$0x2], $0x80, v3, vm0, $0xb8;
	[tilespmem:$0x18200] =	vst v63  }
0x22b: {  	v3 =	vld [tilespmem:$0x1A0];
	_ =	sdelay $0x4  }
0x22c: {  	v58 =	vshrl.u32 v3, $0x3  }
0x22d: {  	v4 =	vmul.u32 $0x30, v58  }
0x22e: {  	v3 =	vand.u32 $0x7, v3  }
0x22f: {  	v3 =	vor.u32 v3, v4  }
0x230: {  	v4 =	vperm.xlane v3, v0;
	_ =	sdelay $0x1  }
0x231: {  	v4 =	vadd.s32 v1, v4;
	_ =	sdelay $0x3  }
0x232: {  	s8 =	simm.s32 $0x6200;
	v3 =	vperm.xlane v3, v2  }
0x233: {  	[hbm4b:s3+s2] =	stream.indirect_vreg.scatter [tilespmem:s8], [sflag:$0x2], $0x80, v4, vm0, $0xb8;
	[tilespmem:$0x18200] =	vst v63  }
0x234: {  	s9 =	simm.s32 $0x6A00;
	v3 =	vadd.s32 v1, v3  }
0x235: {  	[hbm4b:s4+s2] =	stream.indirect_vreg.scatter [tilespmem:s9], [sflag:$0x2], $0x80, v4, vm0, $0xb8;
	[tilespmem:$0x18200] =	vst v63  }
0x236: {  	s10 =	simm.s32 $0x7200  }
0x237: {  	[hbm4b:s5+s2] =	stream.indirect_vreg.scatter [tilespmem:s10], [sflag:$0x2], $0x80, v4, vm0, $0xb8;
	[tilespmem:$0x18200] =	vst v63  }
0x238: {  	s12 =	simm.s32 $0x7A00  }
0x239: {  	[hbm4b:s3+s2] =	stream.indirect_vreg.scatter [tilespmem:s12], [sflag:$0x2], $0x80, v3, vm0, $0xb8;
	[tilespmem:$0x18200] =	vst v63  }
0x23a: {  	s13 =	simm.s32 $0x8200  }
0x23b: {  	[hbm4b:s4+s2] =	stream.indirect_vreg.scatter [tilespmem:s13], [sflag:$0x2], $0x80, v3, vm0, $0xb8;
	[tilespmem:$0x18200] =	vst v63  }
0x23c: {  	s11 =	simm.s32 $0x8A00  }
0x23d: {  	[hbm4b:s5+s2] =	stream.indirect_vreg.scatter [tilespmem:s11], [sflag:$0x2], $0x80, v3, vm0, $0xb8;
	[tilespmem:$0x18200] =	vst v63  }
0x23e: {  	v3 =	vld [tilespmem:$0x1B0];
	_ =	sdelay $0x4  }
0x23f: {  	v59 =	vshrl.u32 v3, $0x3  }
0x240: {  	v4 =	vmul.u32 $0x30, v59  }
0x241: {  	v3 =	vand.u32 $0x7, v3  }
0x242: {  	v3 =	vor.u32 v3, v4  }
0x243: {  	v4 =	vperm.xlane v3, v0;
	_ =	sdelay $0x1  }
0x244: {  	v4 =	vadd.s32 v1, v4;
	_ =	sdelay $0x3  }
0x245: {  	s15 =	simm.s32 $0x9200;
	v3 =	vperm.xlane v3, v2  }
0x246: {  	[hbm4b:s3+s2] =	stream.indirect_vreg.scatter [tilespmem:s15], [sflag:$0x2], $0x80, v4, vm0, $0xb8;
	[tilespmem:$0x18200] =	vst v63  }
0x247: {  	s14 =	simm.s32 $0x9A00;
	v3 =	vadd.s32 v1, v3  }
0x248: {  	[hbm4b:s4+s2] =	stream.indirect_vreg.scatter [tilespmem:s14], [sflag:$0x2], $0x80, v4, vm0, $0xb8;
	[tilespmem:$0x18200] =	vst v63  }
0x249: {  	s23 =	simm.s32 $0xA200  }
0x24a: {  	[hbm4b:s5+s2] =	stream.indirect_vreg.scatter [tilespmem:s23], [sflag:$0x2], $0x80, v4, vm0, $0xb8;
	[tilespmem:$0x18200] =	vst v63  }
0x24b: {  	s24 =	simm.s32 $0xAA00  }
0x24c: {  	[hbm4b:s3+s2] =	stream.indirect_vreg.scatter [tilespmem:s24], [sflag:$0x2], $0x80, v3, vm0, $0xb8;
	[tilespmem:$0x18200] =	vst v63  }
0x24d: {  	s12 =	simm.s32 $0xB200  }
0x24e: {  	[hbm4b:s4+s2] =	stream.indirect_vreg.scatter [tilespmem:s12], [sflag:$0x2], $0x80, v3, vm0, $0xb8;
	[tilespmem:$0x18200] =	vst v63  }
0x24f: {  	s13 =	simm.s32 $0xBA00  }
0x250: {  	[hbm4b:s5+s2] =	stream.indirect_vreg.scatter [tilespmem:s13], [sflag:$0x2], $0x80, v3, vm0, $0xb8;
	[tilespmem:$0x18200] =	vst v63  }
0x251: {  	v3 =	vld [tilespmem:$0x1C0];
	_ =	sdelay $0x4  }
0x252: {  	v60 =	vshrl.u32 v3, $0x3  }
0x253: {  	v4 =	vmul.u32 $0x30, v60  }
0x254: {  	v3 =	vand.u32 $0x7, v3  }
0x255: {  	v3 =	vor.u32 v3, v4  }
0x256: {  	v4 =	vperm.xlane v3, v0;
	_ =	sdelay $0x1  }
0x257: {  	v4 =	vadd.s32 v1, v4;
	_ =	sdelay $0x3  }
0x258: {  	s14 =	simm.s32 $0xC200;
	v3 =	vperm.xlane v3, v2  }
0x259: {  	[hbm4b:s3+s2] =	stream.indirect_vreg.scatter [tilespmem:s14], [sflag:$0x2], $0x80, v4, vm0, $0xb8;
	[tilespmem:$0x18200] =	vst v63  }
0x25a: {  	s25 =	simm.s32 $0xCA00;
	v3 =	vadd.s32 v1, v3  }
0x25b: {  	[hbm4b:s4+s2] =	stream.indirect_vreg.scatter [tilespmem:s25], [sflag:$0x2], $0x80, v4, vm0, $0xb8;
	[tilespmem:$0x18200] =	vst v63  }
0x25c: {  	s17 =	simm.s32 $0xD200  }
0x25d: {  	[hbm4b:s5+s2] =	stream.indirect_vreg.scatter [tilespmem:s17], [sflag:$0x2], $0x80, v4, vm0, $0xb8;
	[tilespmem:$0x18200] =	vst v63  }
0x25e: {  	s31 =	simm.s32 $0xDA00  }
0x25f: {  	[hbm4b:s3+s2] =	stream.indirect_vreg.scatter [tilespmem:s31], [sflag:$0x2], $0x80, v3, vm0, $0xb8;
	[tilespmem:$0x18200] =	vst v63  }
0x260: {  	s18 =	simm.s32 $0xE200  }
0x261: {  	[hbm4b:s4+s2] =	stream.indirect_vreg.scatter [tilespmem:s18], [sflag:$0x2], $0x80, v3, vm0, $0xb8;
	[tilespmem:$0x18200] =	vst v63  }
0x262: {  	s15 =	simm.s32 $0xEA00  }
0x263: {  	[hbm4b:s5+s2] =	stream.indirect_vreg.scatter [tilespmem:s15], [sflag:$0x2], $0x80, v3, vm0, $0xb8;
	[tilespmem:$0x18200] =	vst v63  }
0x264: {  	v3 =	vld [tilespmem:$0x1D0];
	_ =	sdelay $0x4  }
0x265: {  	v61 =	vshrl.u32 v3, $0x3  }
0x266: {  	v4 =	vmul.u32 $0x30, v61  }
0x267: {  	v3 =	vand.u32 $0x7, v3  }
0x268: {  	v3 =	vor.u32 v3, v4  }
0x269: {  	v4 =	vperm.xlane v3, v0;
	_ =	sdelay $0x1  }
0x26a: {  	v4 =	vadd.s32 v1, v4;
	_ =	sdelay $0x3  }
0x26b: {  	s17 =	simm.s32 $0xF200;
	v3 =	vperm.xlane v3, v2  }
0x26c: {  	[hbm4b:s3+s2] =	stream.indirect_vreg.scatter [tilespmem:s17], [sflag:$0x2], $0x80, v4, vm0, $0xb8;
	[tilespmem:$0x18200] =	vst v63  }
0x26d: {  	s19 =	simm.s32 $0xFA00;
	v3 =	vadd.s32 v1, v3  }
0x26e: {  	[hbm4b:s4+s2] =	stream.indirect_vreg.scatter [tilespmem:s19], [sflag:$0x2], $0x80, v4, vm0, $0xb8;
	[tilespmem:$0x18200] =	vst v63  }
0x26f: {  	s20 =	simm.s32 $0x10200  }
0x270: {  	[hbm4b:s5+s2] =	stream.indirect_vreg.scatter [tilespmem:s20], [sflag:$0x2], $0x80, v4, vm0, $0xb8;
	[tilespmem:$0x18200] =	vst v63  }
0x271: {  	s21 =	simm.s32 $0x10A00  }
0x272: {  	[hbm4b:s3+s2] =	stream.indirect_vreg.scatter [tilespmem:s21], [sflag:$0x2], $0x80, v3, vm0, $0xb8;
	[tilespmem:$0x18200] =	vst v63  }
0x273: {  	s22 =	simm.s32 $0x11200  }
0x274: {  	[hbm4b:s4+s2] =	stream.indirect_vreg.scatter [tilespmem:s22], [sflag:$0x2], $0x80, v3, vm0, $0xb8;
	[tilespmem:$0x18200] =	vst v63  }
0x275: {  	s18 =	simm.s32 $0x11A00  }
0x276: {  	[hbm4b:s5+s2] =	stream.indirect_vreg.scatter [tilespmem:s18], [sflag:$0x2], $0x80, v3, vm0, $0xb8;
	[tilespmem:$0x18200] =	vst v63  }
0x277: {  	v3 =	vld [tilespmem:$0x1E0];
	_ =	sdelay $0x4  }
0x278: {  	v62 =	vshrl.u32 v3, $0x3  }
0x279: {  	v4 =	vmul.u32 $0x30, v62  }
0x27a: {  	v3 =	vand.u32 $0x7, v3  }
0x27b: {  	v3 =	vor.u32 v3, v4  }
0x27c: {  	v4 =	vperm.xlane v3, v0;
	_ =	sdelay $0x1  }
0x27d: {  	v4 =	vadd.s32 v1, v4;
	_ =	sdelay $0x3  }
0x27e: {  	s19 =	simm.s32 $0x12200;
	v3 =	vperm.xlane v3, v2  }
0x27f: {  	[hbm4b:s3+s2] =	stream.indirect_vreg.scatter [tilespmem:s19], [sflag:$0x2], $0x80, v4, vm0, $0xb8;
	[tilespmem:$0x18200] =	vst v63  }
0x280: {  	s20 =	simm.s32 $0x12A00;
	v3 =	vadd.s32 v1, v3  }
0x281: {  	[hbm4b:s4+s2] =	stream.indirect_vreg.scatter [tilespmem:s20], [sflag:$0x2], $0x80, v4, vm0, $0xb8;
	[tilespmem:$0x18200] =	vst v63  }
0x282: {  	s21 =	simm.s32 $0x13200  }
0x283: {  	[hbm4b:s5+s2] =	stream.indirect_vreg.scatter [tilespmem:s21], [sflag:$0x2], $0x80, v4, vm0, $0xb8;
	[tilespmem:$0x18200] =	vst v63  }
0x284: {  	s22 =	simm.s32 $0x13A00  }
0x285: {  	[hbm4b:s3+s2] =	stream.indirect_vreg.scatter [tilespmem:s22], [sflag:$0x2], $0x80, v3, vm0, $0xb8;
	[tilespmem:$0x18200] =	vst v63  }
0x286: {  	s23 =	simm.s32 $0x14200  }
0x287: {  	[hbm4b:s4+s2] =	stream.indirect_vreg.scatter [tilespmem:s23], [sflag:$0x2], $0x80, v3, vm0, $0xb8;
	[tilespmem:$0x18200] =	vst v63  }
0x288: {  	s24 =	simm.s32 $0x14A00  }
0x289: {  	[hbm4b:s5+s2] =	stream.indirect_vreg.scatter [tilespmem:s24], [sflag:$0x2], $0x80, v3, vm0, $0xb8;
	[tilespmem:$0x18200] =	vst v63  }
0x28a: {  	v3 =	vld [tilespmem:$0x1F0];
	_ =	sdelay $0x4  }
0x28b: {  	v63 =	vshrl.u32 v3, $0x3  }
0x28c: {  	v4 =	vmul.u32 $0x30, v63  }
0x28d: {  	v3 =	vand.u32 $0x7, v3  }
0x28e: {  	v3 =	vor.u32 v3, v4  }
0x28f: {  	v4 =	vperm.xlane v3, v0;
	_ =	sdelay $0x1  }
0x290: {  	v4 =	vadd.s32 v1, v4;
	_ =	sdelay $0x3  }
0x291: {  	s25 =	simm.s32 $0x15200;
	v3 =	vperm.xlane v3, v2  }
0x292: {  	[hbm4b:s3+s2] =	stream.indirect_vreg.scatter [tilespmem:s25], [sflag:$0x2], $0x80, v4, vm0, $0xb8;
	[tilespmem:$0x18200] =	vst v63  }
0x293: {  	s26 =	simm.s32 $0x15A00;
	v3 =	vadd.s32 v1, v3  }
0x294: {  	[hbm4b:s4+s2] =	stream.indirect_vreg.scatter [tilespmem:s26], [sflag:$0x2], $0x80, v4, vm0, $0xb8;
	[tilespmem:$0x18200] =	vst v63  }
0x295: {  	s28 =	simm.s32 $0x16200  }
0x296: {  	[hbm4b:s5+s2] =	stream.indirect_vreg.scatter [tilespmem:s28], [sflag:$0x2], $0x80, v4, vm0, $0xb8;
	[tilespmem:$0x18200] =	vst v63  }
0x297: {  	s29 =	simm.s32 $0x16A00  }
0x298: {  	[hbm4b:s3+s2] =	stream.indirect_vreg.scatter [tilespmem:s29], [sflag:$0x2], $0x80, v3, vm0, $0xb8;
	[tilespmem:$0x18200] =	vst v63  }
0x299: {  	p0 =	sne.s32 s6, $0x1;
	s30 =	simm.s32 $0x17200  }
0x29a: {  	[hbm4b:s4+s2] =	stream.indirect_vreg.scatter [tilespmem:s30], [sflag:$0x2], $0x80, v3, vm0, $0xb8;
	[tilespmem:$0x18200] =	vst v63  }
.Ltmp0:
0x29b: {  	s31 =	simm.s32 $0x17A00;
	(pc) =	sbr.rel @p0 .LBB2_1-.Ltmp0, $4  }
0x29c: {  	[hbm4b:s5+s2] =	stream.indirect_vreg.scatter [tilespmem:s31], [sflag:$0x2], $0x80, v3, vm0, $0xb8;
	[tilespmem:$0x18200] =	vst v63  }
0x29d: {  	_ =	swait.ge [sflag:s7], $0x18000  }
0x29e: {  	[sflag:s7] =	ssyncset.done $0x0  }
0x29f: {  	s6 =	sadd.s32 $0xFFFFFFFF, s6;
	[sflag:s7] =	ssyncadd.s32 $0xFFFE8000  }
0x2a0: {  	_ =	sfence.sel $0x180000  }
0x2a1: {  	[bflag:$0x0] =	sbarrier.arrive $0xFFFF  }
0x2a2: {  	_ =	strace $0x90000047  }
0x2a3: {  	s0 =	stileid.u32;
	[bflag:$0x2] =	sbarrier.arrive $0xFFFF  }
0x2a4: {  	p0 =	sne.s32 s0, $0x0;
	s0 =	rddreg [dreg:$0x2]  }
0x2a5: {  	s0 =	sadd.s32 @!p0 $0x100000, s0  }
0x2a6: {  	[sflag:s0] =	ssyncadd.tile.s32 @!p0 $0x1;
	_ =	shalt  }
.Lfunc_end2:
_tile_overlayer_lowered:
.L_overlay_start_2:
0x2a7: {  	(tag) =	ssettag $0x2  }
0x2a8: {  	s0 =	rddreg [dreg:$0x0];
	s2 =	stileid.u32  }
0x2a9: {  	s1 =	rddreg [dreg:$0x1];
	p0 =	sne.s32 s2, $0x0  }
0x2aa: {  	s3 =	rddreg [dreg:$0x2];
	[bflag:$0x3] =	sbarrier.arrive $0xFFFF;
	s2 =	simm.s32 @!p0 $0x1C02  }
0x2ab: {  	[timem:s3], [sflag:s2] =	dma.local @!p0 [hbm:s0], s1  }
0x2ac: {  	s0 =	simm.s32 @!p0 $0x2  }
0x2ad: {  	_ =	swait.ge @!p0 [sflag:s0], s1  }
0x2ae: {  	s1 =	ssub.s32 @!p0 $0x0, s1;
	[sflag:s0] =	ssyncset.done @!p0 $0x0  }
0x2af: {  	[sflag:s0] =	ssyncadd.s32 @!p0 s1  }
0x2b0: {  	[bflag:$0x3] =	sbarrier.arrive $0xFFFF  }
0x2b1: {  	_ =	shalt  }

</sc_bundles>
